<compile_context>
chip_gen: v7x
topology: tpu7x:2x2x1
jax: 0.10.2.dev20260603
libtpu: 0.0.44.dev20260713+nightly
codegen_flags: <defaults>
</compile_context>

<pallas_src>
import jax
import jax.numpy as jnp
from jax import lax
from jax.experimental import pallas as pl
from jax.experimental.pallas import tpu as pltpu
from jax.experimental.pallas import tpu_sc as plsc

D = 128
DH = 64
NC = 2
NS = 16
CHUNK = 128


def _make_seg_kernel(nch, n_rows, rows_per_tile, with_deg):
    mesh = plsc.VectorSubcoreMesh(
        core_axis_name="c", subcore_axis_name="s", num_cores=NC, num_subcores=NS
    )
    BLK = 16
    NBLK = nch // BLK
    assert nch % BLK == 0 and nch % 2 == 0 and NBLK >= 4
    out_type = [jax.ShapeDtypeStruct((NC, n_rows, DH), jnp.float32)]
    if with_deg:
        out_type.append(jax.ShapeDtypeStruct((NC, n_rows, 16), jnp.float32))
    scratch_types = [
        pltpu.VMEM((3, BLK, CHUNK), jnp.int32),
        pltpu.VMEM((3, BLK, CHUNK), jnp.int32),
        pltpu.VMEM((CHUNK, DH), jnp.float32),
        pltpu.VMEM((CHUNK, DH), jnp.float32),
        pltpu.VMEM((CHUNK, 16), jnp.float32),
        pltpu.VMEM((CHUNK, 16), jnp.float32),
        pltpu.VMEM_SHARED((n_rows, DH), jnp.float32),
        pltpu.VMEM_SHARED((n_rows, DH), jnp.float32),
        pltpu.VMEM_SHARED((n_rows, 16), jnp.float32),
        pltpu.SemaphoreType.DMA,
        pltpu.SemaphoreType.DMA,
        pltpu.SemaphoreType.DMA,
        pltpu.SemaphoreType.DMA,
        pltpu.SemaphoreType.DMA,
        pltpu.SemaphoreType.DMA,
    ]

    def body(table, src_hbm, dst_hbm, *rest):
        if with_deg:
            (agg_out, deg_out, src_v, dst_v, buf_a, buf_b, ones_v, z16,
             tab_sh, agg_sh, deg_sh, gi, ga, gb, sa, sb, so) = rest
        else:
            (agg_out, src_v, dst_v, buf_a, buf_b, ones_v, z16,
             tab_sh, agg_sh, deg_sh, gi, ga, gb, sa, sb, so) = rest
        c = lax.axis_index("c")
        s = lax.axis_index("s")
        base = s * rows_per_tile

        def prefetch_blk(b):
            pltpu.async_copy(src_hbm.at[pl.ds(s * nch + b * BLK, BLK)],
                             src_v.at[b % 3], gi)
            pltpu.async_copy(dst_hbm.at[pl.ds(s * nch + b * BLK, BLK)],
                             dst_v.at[b % 3], gi)

        def wait_blk():
            pltpu.make_async_copy(src_hbm.at[pl.ds(0, BLK)], src_v.at[0], gi).wait()
            pltpu.make_async_copy(dst_hbm.at[pl.ds(0, BLK)], dst_v.at[0], gi).wait()

        prefetch_blk(0)

        pltpu.sync_copy(table.at[c, pl.ds(base, rows_per_tile)],
                        tab_sh.at[pl.ds(base, rows_per_tile)])

        zv = jnp.zeros((16,), jnp.float32)

        @pl.loop(0, CHUNK * (DH // 16))
        def _(t):
            i = t // (DH // 16)
            k = t % (DH // 16)
            buf_a[i, pl.ds(k * 16, 16)] = zv

        @pl.loop(0, CHUNK)
        def _(i):
            z16[i, pl.ds(0, 16)] = zv
            ones_v[i, pl.ds(0, 16)] = zv + 1.0

        for r in range(rows_per_tile // CHUNK):
            pltpu.sync_copy(buf_a, agg_sh.at[pl.ds(base + r * CHUNK, CHUNK)])
            if with_deg:
                pltpu.sync_copy(z16, deg_sh.at[pl.ds(base + r * CHUNK, CHUNK)])
        plsc.subcore_barrier()

        def src_row(j):
            return src_v.at[(j // BLK) % 3, j % BLK]

        def dst_row(j):
            return dst_v.at[(j // BLK) % 3, j % BLK]

        def issue_g(j, buf, sem):
            pltpu.async_copy(tab_sh.at[src_row(j)], buf, sem)

        def wait_g(buf, sem):
            pltpu.make_async_copy(tab_sh.at[src_row(0)], buf, sem).wait()

        def issue_s(j, buf, sem, parity):
            pltpu.async_copy(buf, agg_sh.at[dst_row(j)], sem, add=True)

        def drain_ones():
            pltpu.make_async_copy(deg_out.at[c, pl.ds(0, CHUNK)], ones_v,
                                  so).wait()

        def issue_ones(j, parity, drain):
            if not with_deg:
                return
            @pl.when(c == parity)
            def _():
                if drain:
                    drain_ones()
                pltpu.async_copy(ones_v, deg_sh.at[dst_row(j)], so, add=True)

        def wait_s(buf, sem):
            pltpu.make_async_copy(table.at[c, pl.ds(0, CHUNK)], buf, sem).wait()

        def crossing(j):
            @pl.when(j % BLK == BLK - 1)
            def _():
                wait_blk()

                @pl.when(j < nch - 2 * BLK)
                def _():
                    prefetch_blk((j + 1) // BLK + 1)

        wait_blk()
        prefetch_blk(1)
        issue_g(0, buf_a, ga)
        issue_g(1, buf_b, gb)
        wait_g(buf_a, ga)
        issue_s(0, buf_a, sa, 0)
        issue_ones(0, 0, drain=False)

        @pl.loop(0, (nch - 2) // 2)
        def _(jj):
            j1 = 2 * jj + 1
            crossing(j1)
            wait_s(buf_a, sa)
            issue_g(j1 + 1, buf_a, ga)
            wait_g(buf_b, gb)
            issue_s(j1, buf_b, sb, 1)
            if with_deg:
                @pl.when(jnp.logical_and(c == 1, jj > 0))
                def _():
                    drain_ones()
                @pl.when(c == 1)
                def _():
                    pltpu.async_copy(ones_v, deg_sh.at[dst_row(j1)], so, add=True)
            wait_s(buf_b, sb)
            issue_g(j1 + 2, buf_b, gb)
            wait_g(buf_a, ga)
            issue_s(j1 + 1, buf_a, sa, 0)
            issue_ones(j1 + 1, 0, drain=True)

        wait_s(buf_a, sa)
        wait_g(buf_b, gb)
        issue_s(nch - 1, buf_b, sb, 1)
        issue_ones(nch - 1, 1, drain=True)
        wait_s(buf_b, sb)
        if with_deg:
            drain_ones()

        plsc.subcore_barrier()

        pltpu.sync_copy(agg_sh.at[pl.ds(base, rows_per_tile)],
                        agg_out.at[c, pl.ds(base, rows_per_tile)])
        if with_deg:
            pltpu.sync_copy(deg_sh.at[pl.ds(base, rows_per_tile)],
                            deg_out.at[c, pl.ds(base, rows_per_tile)])

    return pl.kernel(
        body, out_type=out_type, mesh=mesh, scratch_types=scratch_types,
        compiler_params=pltpu.CompilerParams(use_tc_tiling_on_sc=False),
    )


def _pre1(x2, w_self, b, w_res):
    n_rows = x2.shape[1]
    blk = 2048

    def body(x_ref, ws_ref, b_ref, wr_ref, t_ref, r_ref):
        x = jnp.concatenate([x_ref[0], x_ref[1]], axis=1)
        t_ref[...] = jnp.dot(x, ws_ref[...], preferred_element_type=jnp.float32) + b_ref[...]
        r_ref[...] = jnp.dot(x, wr_ref[...], preferred_element_type=jnp.float32)

    return pl.pallas_call(
        body,
        grid=(n_rows // blk,),
        in_specs=[
            pl.BlockSpec((NC, blk, DH), lambda i: (0, i, 0)),
            pl.BlockSpec((D, D), lambda i: (0, 0)),
            pl.BlockSpec((1, D), lambda i: (0, 0)),
            pl.BlockSpec((D, D), lambda i: (0, 0)),
        ],
        out_specs=[
            pl.BlockSpec((blk, D), lambda i: (i, 0)),
            pl.BlockSpec((blk, D), lambda i: (i, 0)),
        ],
        out_shape=[
            jax.ShapeDtypeStruct((n_rows, D), jnp.float32),
            jax.ShapeDtypeStruct((n_rows, D), jnp.float32),
        ],
    )(x2, w_self, b.reshape(1, D), w_res)


def _post1(t1, aggp, deg, w_neigh):
    n_rows = t1.shape[0]
    blk = 2048

    def body(t_ref, a_ref, d_ref, wn_ref, o_ref):
        agg = jnp.concatenate([a_ref[0], a_ref[1]], axis=1)
        dg = d_ref[0, :, 0:1] + d_ref[1, :, 0:1]
        mean = agg / jnp.maximum(dg, 1.0)
        h = t_ref[...] + jnp.dot(mean, wn_ref[...], preferred_element_type=jnp.float32)
        h = jnp.maximum(h, 0.0)
        o_ref[0] = h[:, :DH]
        o_ref[1] = h[:, DH:]

    return pl.pallas_call(
        body,
        grid=(n_rows // blk,),
        in_specs=[
            pl.BlockSpec((blk, D), lambda i: (i, 0)),
            pl.BlockSpec((NC, blk, DH), lambda i: (0, i, 0)),
            pl.BlockSpec((NC, blk, 16), lambda i: (0, i, 0)),
            pl.BlockSpec((D, D), lambda i: (0, 0)),
        ],
        out_specs=pl.BlockSpec((NC, blk, DH), lambda i: (0, i, 0)),
        out_shape=jax.ShapeDtypeStruct((NC, n_rows, DH), jnp.float32),
    )(t1, aggp, deg, w_neigh)


def _pre2(h2, r, w_self, b):
    n_rows = h2.shape[1]
    blk = 2048

    def body(h_ref, r_ref, ws_ref, b_ref, o_ref):
        h1 = jnp.concatenate([h_ref[0], h_ref[1]], axis=1)
        o_ref[...] = (jnp.dot(h1, ws_ref[...], preferred_element_type=jnp.float32)
                      + b_ref[...] + r_ref[...])

    return pl.pallas_call(
        body,
        grid=(n_rows // blk,),
        in_specs=[
            pl.BlockSpec((NC, blk, DH), lambda i: (0, i, 0)),
            pl.BlockSpec((blk, D), lambda i: (i, 0)),
            pl.BlockSpec((D, D), lambda i: (0, 0)),
            pl.BlockSpec((1, D), lambda i: (0, 0)),
        ],
        out_specs=pl.BlockSpec((blk, D), lambda i: (i, 0)),
        out_shape=jax.ShapeDtypeStruct((n_rows, D), jnp.float32),
    )(h2, r, w_self, b.reshape(1, D))


def _post2(t2, aggp, deg, w_neigh, w_mlp_pad, b_mlp_pad):
    n_rows = t2.shape[0]
    blk = 2048

    def body(t_ref, a_ref, d_ref, wn_ref, wm_ref, bm_ref, o_ref):
        agg = jnp.concatenate([a_ref[0], a_ref[1]], axis=1)
        dg = d_ref[0, :, 0:1] + d_ref[1, :, 0:1]
        mean = agg / jnp.maximum(dg, 1.0)
        h = t_ref[...] + jnp.dot(mean, wn_ref[...], preferred_element_type=jnp.float32)
        o_ref[...] = jnp.dot(h, wm_ref[...], preferred_element_type=jnp.float32) + bm_ref[...]

    return pl.pallas_call(
        body,
        grid=(n_rows // blk,),
        in_specs=[
            pl.BlockSpec((blk, D), lambda i: (i, 0)),
            pl.BlockSpec((NC, blk, DH), lambda i: (0, i, 0)),
            pl.BlockSpec((NC, blk, 16), lambda i: (0, i, 0)),
            pl.BlockSpec((D, D), lambda i: (0, 0)),
            pl.BlockSpec((D, D), lambda i: (0, 0)),
            pl.BlockSpec((1, D), lambda i: (0, 0)),
        ],
        out_specs=pl.BlockSpec((blk, D), lambda i: (i, 0)),
        out_shape=jax.ShapeDtypeStruct((n_rows, D), jnp.float32),
    )(t2, aggp, deg, w_neigh, w_mlp_pad, b_mlp_pad)


def kernel(node_feats, edge_index, W_self1, W_neigh1, b1, W_self2, W_neigh2, b2, W_res, W_mlp, b_mlp):
    n = node_feats.shape[0]
    e = edge_index.shape[1]
    src = edge_index[0]
    dst = edge_index[1]

    rows_per_tile = -(-(n + 1) // (NS * CHUNK)) * CHUNK
    n_rows = rows_per_tile * NS

    nch = -(-e // (NS * CHUNK))
    nch = -(-nch // 16) * 16
    e_pad = NS * nch * CHUNK
    pad_i = jnp.arange(e_pad - e, dtype=jnp.int32)
    src_p = jnp.concatenate([src, pad_i % n])
    dst_p = jnp.concatenate([dst, n + pad_i % (n_rows - n)])
    src_p = src_p.reshape(e_pad // CHUNK, CHUNK)
    dst_p = dst_p.reshape(e_pad // CHUNK, CHUNK)

    x_pad = jnp.zeros((n_rows, D), jnp.float32).at[:n].set(node_feats)
    x2 = jnp.stack([x_pad[:, :DH], x_pad[:, DH:]])

    seg1 = _make_seg_kernel(nch, n_rows, rows_per_tile, with_deg=True)
    aggp1, deg = seg1(x2, src_p, dst_p)
    t1, r = _pre1(x2, W_self1, b1, W_res)

    h2 = _post1(t1, aggp1, deg, W_neigh1)

    seg2 = _make_seg_kernel(nch, n_rows, rows_per_tile, with_deg=False)
    (aggp2,) = seg2(h2, src_p, dst_p)
    t2 = _pre2(h2, r, W_self2, b2)

    w_mlp_pad = jnp.zeros((D, D), jnp.float32).at[:, : W_mlp.shape[1]].set(W_mlp)
    b_mlp_pad = jnp.zeros((1, D), jnp.float32).at[0, : W_mlp.shape[1]].set(b_mlp)

    out = _post2(t2, aggp2, deg, W_neigh2, w_mlp_pad, b_mlp_pad)
    return out[:n, : W_mlp.shape[1]]

# --- scband reference (transcript-rebuilt; emitter-appended) ---
"""Pipeline reference for scband-line-sage-30442728194375 (READ-ONLY COPY).

The authoritative reference and input builder live on the scoring server;
editing this copy changes nothing except your own understanding.
"""

import jax, jax.numpy as jnp
import numpy as np

N = 10000
E = 320000
D = 128
HID = 128
OUT = 128


def setup_inputs(seed: int = 0) -> dict:
    key = jax.random.key(seed)
    ks = jax.random.split(key, 12)
    x = jax.random.normal(ks[0], (N, D), dtype=jnp.float32)
    edge_index = jax.random.randint(ks[1], (2, E), 0, N, dtype=jnp.int32)
    s = 0.05
    W_self1 = jax.random.normal(ks[2], (D, HID), dtype=jnp.float32) * s
    W_neigh1 = jax.random.normal(ks[3], (D, HID), dtype=jnp.float32) * s
    b1 = jnp.zeros((HID,), dtype=jnp.float32)
    W_self2 = jax.random.normal(ks[4], (HID, OUT), dtype=jnp.float32) * s
    W_neigh2 = jax.random.normal(ks[5], (HID, OUT), dtype=jnp.float32) * s
    b2 = jnp.zeros((OUT,), dtype=jnp.float32)
    W_res = jax.random.normal(ks[6], (D, OUT), dtype=jnp.float32) * s
    W_mlp = jax.random.normal(ks[7], (HID, 2), dtype=jnp.float32) * s
    b_mlp = jnp.zeros((2,), dtype=jnp.float32)
    return {
        "node_feats": x,
        "edge_index": edge_index,
        "W_self1": W_self1,
        "W_neigh1": W_neigh1,
        "b1": b1,
        "W_self2": W_self2,
        "W_neigh2": W_neigh2,
        "b2": b2,
        "W_res": W_res,
        "W_mlp": W_mlp,
        "b_mlp": b_mlp,
    }


def _sage_conv(h, src, dst, W_self, W_neigh, b):
    # DGL SAGEConv with mean aggregator:
    #   rst = fc_self(h_dst) + fc_neigh(mean_{u in N(v)} h_u) + bias
    agg = jax.ops.segment_sum(h[src], dst, num_segments=N)
    deg = jax.ops.segment_sum(jnp.ones((src.shape[0], 1), dtype=h.dtype), dst, num_segments=N)
    mean = agg / jnp.maximum(deg, 1.0)
    return h @ W_self + mean @ W_neigh + b


def reference(node_feats, edge_index, W_self1, W_neigh1, b1, W_self2, W_neigh2, b2, W_res, W_mlp, b_mlp):
    src = edge_index[0]
    dst = edge_index[1]
    h = _sage_conv(node_feats, src, dst, W_self1, W_neigh1, b1)
    h = jax.nn.relu(h)
    # dropout with p=0.0 is identity
    h = _sage_conv(h, src, dst, W_self2, W_neigh2, b2)
    # residual=True
    res = node_feats @ W_res
    h = h + res
    logits = h @ W_mlp + b_mlp
    return logits

if __name__ == "__main__":
    import jax
    _d = setup_inputs()
    print(jax.jit(kernel)(*tuple(_d.values())))

</pallas_src>

<mosaic_0001>
#map = affine_map<(d0, d1) -> (0, 0, 0)>
#map1 = affine_map<(d0, d1) -> (0, 0)>
module attributes {stable_mosaic.version = 14 : i64} {
  func.func @body(%arg0: i32, %arg1: i32, %arg2: memref<2x10240x64xf32, #tpu.memory_space<hbm>>, %arg3: memref<2560x128xi32, #tpu.memory_space<hbm>>, %arg4: memref<2560x128xi32, #tpu.memory_space<hbm>>, %arg5: memref<2x10240x64xf32, #tpu.memory_space<hbm>>, %arg6: memref<3x16x128xi32, #tpu.memory_space<vmem>>, %arg7: memref<3x16x128xi32, #tpu.memory_space<vmem>>, %arg8: memref<128x64xf32, #tpu.memory_space<vmem>>, %arg9: memref<128x64xf32, #tpu.memory_space<vmem>>, %arg10: memref<128x16xf32, #tpu.memory_space<vmem>>, %arg11: memref<128x16xf32, #tpu.memory_space<vmem>>, %arg12: memref<10240x64xf32, #tpu.memory_space<vmem_shared>>, %arg13: memref<10240x64xf32, #tpu.memory_space<vmem_shared>>, %arg14: memref<10240x16xf32, #tpu.memory_space<vmem_shared>>, %arg15: memref<!tpu.dma_semaphore, #tpu.memory_space<semaphore_mem>>, %arg16: memref<!tpu.dma_semaphore, #tpu.memory_space<semaphore_mem>>, %arg17: memref<!tpu.dma_semaphore, #tpu.memory_space<semaphore_mem>>, %arg18: memref<!tpu.dma_semaphore, #tpu.memory_space<semaphore_mem>>, %arg19: memref<!tpu.dma_semaphore, #tpu.memory_space<semaphore_mem>>, %arg20: memref<!tpu.dma_semaphore, #tpu.memory_space<semaphore_mem>>) attributes {dimension_semantics = [#tpu.dimension_semantics<core_parallel>, #tpu.dimension_semantics<subcore_parallel>], iteration_bounds = array<i64: 2, 16>, scalar_prefetch = 0 : i64, scratch_operands = 15 : i64, tpu.core_type = #tpu.core_type<sc_vector_subcore>, window_params = [{transform_indices = #map}, {transform_indices = #map1}, {transform_indices = #map1}, {transform_indices = #map}]} {
    %mul3A = arith.constant 640 : i32
    %mul3A_0 = arith.muli %arg1, %mul3A : i32
    %mul3A_1 = arith.constant 160 : i32
    %mul3A_2 = arith.muli %arg1, %mul3A_1 : i32
    %add3A = arith.constant 0 : i32
    %add3A_3 = arith.addi %mul3A_2, %add3A : i32
    %dma_start3A = arith.constant 0 : i32
    %dma_start3A_4 = arith.constant 0 : i32
    %dma_start3A_5 = arith.constant 0 : i32
    %dma_start3A_6 = tpu.memref_slice %arg6[%dma_start3A, %dma_start3A_4, %dma_start3A_5] : memref<3x16x128xi32, #tpu.memory_space<vmem>> -> memref<1x16x128xi32, #tpu.memory_space<vmem>>
    %dma_start3A_7 = tpu.memref_squeeze %dma_start3A_6 : memref<1x16x128xi32, #tpu.memory_space<vmem>> -> memref<16x128xi32, #tpu.memory_space<vmem>>
    %dma_start3A_8 = arith.constant 0 : i32
    %dma_start3A_9 = tpu.memref_slice %arg3[%add3A_3, %dma_start3A_8] : memref<2560x128xi32, #tpu.memory_space<hbm>> -> memref<16x128xi32, #tpu.memory_space<hbm>>
    %dma_start3A_10 = arith.constant 0 : i32
    %dma_start3A_11 = arith.constant 0 : i32
    %dma_start3A_12 = tpu.memref_slice %arg6[%dma_start3A, %dma_start3A_10, %dma_start3A_11] : memref<3x16x128xi32, #tpu.memory_space<vmem>> -> memref<1x16x128xi32, #tpu.memory_space<vmem>>
    %dma_start3A_13 = tpu.memref_squeeze %dma_start3A_12 : memref<1x16x128xi32, #tpu.memory_space<vmem>> -> memref<16x128xi32, #tpu.memory_space<vmem>>
    %dma_start3A_14 = arith.constant 0 : i32
    %dma_start3A_15 = tpu.memref_slice %arg3[%add3A_3, %dma_start3A_14] : memref<2560x128xi32, #tpu.memory_space<hbm>> -> memref<16x128xi32, #tpu.memory_space<hbm>>
    tpu.enqueue_dma source(%dma_start3A_15 : memref<16x128xi32, #tpu.memory_space<hbm>>) target(%dma_start3A_13 : memref<16x128xi32, #tpu.memory_space<vmem>>) target_semaphore(%arg15 : memref<!tpu.dma_semaphore, #tpu.memory_space<semaphore_mem>>)
    %mul3A_16 = arith.constant 160 : i32
    %mul3A_17 = arith.muli %arg1, %mul3A_16 : i32
    %add3A_18 = arith.constant 0 : i32
    %add3A_19 = arith.addi %mul3A_17, %add3A_18 : i32
    %dma_start3A_20 = arith.constant 0 : i32
    %dma_start3A_21 = arith.constant 0 : i32
    %dma_start3A_22 = arith.constant 0 : i32
    %dma_start3A_23 = tpu.memref_slice %arg7[%dma_start3A_20, %dma_start3A_21, %dma_start3A_22] : memref<3x16x128xi32, #tpu.memory_space<vmem>> -> memref<1x16x128xi32, #tpu.memory_space<vmem>>
    %dma_start3A_24 = tpu.memref_squeeze %dma_start3A_23 : memref<1x16x128xi32, #tpu.memory_space<vmem>> -> memref<16x128xi32, #tpu.memory_space<vmem>>
    %dma_start3A_25 = arith.constant 0 : i32
    %dma_start3A_26 = tpu.memref_slice %arg4[%add3A_19, %dma_start3A_25] : memref<2560x128xi32, #tpu.memory_space<hbm>> -> memref<16x128xi32, #tpu.memory_space<hbm>>
    %dma_start3A_27 = arith.constant 0 : i32
    %dma_start3A_28 = arith.constant 0 : i32
    %dma_start3A_29 = tpu.memref_slice %arg7[%dma_start3A_20, %dma_start3A_27, %dma_start3A_28] : memref<3x16x128xi32, #tpu.memory_space<vmem>> -> memref<1x16x128xi32, #tpu.memory_space<vmem>>
    %dma_start3A_30 = tpu.memref_squeeze %dma_start3A_29 : memref<1x16x128xi32, #tpu.memory_space<vmem>> -> memref<16x128xi32, #tpu.memory_space<vmem>>
    %dma_start3A_31 = arith.constant 0 : i32
    %dma_start3A_32 = tpu.memref_slice %arg4[%add3A_19, %dma_start3A_31] : memref<2560x128xi32, #tpu.memory_space<hbm>> -> memref<16x128xi32, #tpu.memory_space<hbm>>
    tpu.enqueue_dma source(%dma_start3A_32 : memref<16x128xi32, #tpu.memory_space<hbm>>) target(%dma_start3A_30 : memref<16x128xi32, #tpu.memory_space<vmem>>) target_semaphore(%arg15 : memref<!tpu.dma_semaphore, #tpu.memory_space<semaphore_mem>>)
    "tpu.region"() ({
      %run_scoped3A = tpu.sem_alloc : memref<!tpu.dma_semaphore, #tpu.memory_space<semaphore_mem>>
      %dma_start3A_186 = arith.constant 0 : i32
      %dma_start3A_187 = tpu.memref_slice %arg12[%mul3A_0, %dma_start3A_186] : memref<10240x64xf32, #tpu.memory_space<vmem_shared>> -> memref<640x64xf32, #tpu.memory_space<vmem_shared>>
      %dma_start3A_188 = arith.constant 0 : i32
      %dma_start3A_189 = tpu.memref_slice %arg2[%arg0, %mul3A_0, %dma_start3A_188] : memref<2x10240x64xf32, #tpu.memory_space<hbm>> -> memref<1x640x64xf32, #tpu.memory_space<hbm>>
      %dma_start3A_190 = tpu.memref_squeeze %dma_start3A_189 : memref<1x640x64xf32, #tpu.memory_space<hbm>> -> memref<640x64xf32, #tpu.memory_space<hbm>>
      tpu.enqueue_dma source(%dma_start3A_190 : memref<640x64xf32, #tpu.memory_space<hbm>>) target(%dma_start3A_187 : memref<640x64xf32, #tpu.memory_space<vmem_shared>>) target_semaphore(%run_scoped3A : memref<!tpu.dma_semaphore, #tpu.memory_space<semaphore_mem>>)
      %dma_wait3A_191 = arith.constant 0 : i32
      %dma_wait3A_192 = tpu.memref_slice %arg12[%mul3A_0, %dma_wait3A_191] : memref<10240x64xf32, #tpu.memory_space<vmem_shared>> -> memref<640x64xf32, #tpu.memory_space<vmem_shared>>
      %dma_wait3A_193 = arith.constant 0 : i32
      %dma_wait3A_194 = tpu.memref_slice %arg2[%arg0, %mul3A_0, %dma_wait3A_193] : memref<2x10240x64xf32, #tpu.memory_space<hbm>> -> memref<1x640x64xf32, #tpu.memory_space<hbm>>
      %dma_wait3A_195 = tpu.memref_squeeze %dma_wait3A_194 : memref<1x640x64xf32, #tpu.memory_space<hbm>> -> memref<640x64xf32, #tpu.memory_space<hbm>>
      tpu.wait_dma2 semaphore(%run_scoped3A : memref<!tpu.dma_semaphore, #tpu.memory_space<semaphore_mem>>) src(%dma_wait3A_195 : memref<640x64xf32, #tpu.memory_space<hbm>>) dst(%dma_wait3A_192 : memref<640x64xf32, #tpu.memory_space<vmem_shared>>)
      tpu.yield
    }) : () -> ()
    %broadcast_in_dim3A = arith.constant 0.000000e+00 : f32
    %broadcast_in_dim3A_33 = vector.broadcast %broadcast_in_dim3A : f32 to vector<16xf32>
    %scan3A = arith.constant 0 : i32
    %scan3A_34 = arith.constant 512 : i32
    %scan3A_35 = arith.addi %scan3A, %scan3A_34 : i32
    %scan3A_36 = arith.constant 1 : i32
    scf.for %scan3A_186 = %scan3A to %scan3A_35 step %scan3A_36  : i32 {
      %mul3A_187 = arith.constant 1 : i32
      %mul3A_188 = arith.muli %scan3A_186, %mul3A_187 : i32
      %add3A_189 = arith.constant 0 : i32
      %add3A_190 = arith.addi %add3A_189, %mul3A_188 : i32
      %jit3A = arith.constant 4 : i32
      %div3A = arith.divsi %add3A_190, %jit3A : i32
      %sign3A = arith.constant 0 : i32
      %sign3A_191 = arith.cmpi sgt, %add3A_190, %sign3A : i32
      %sign3A_192 = arith.extui %sign3A_191 : i1 to i32
      %sign3A_193 = arith.constant 0 : i32
      %sign3A_194 = arith.cmpi slt, %add3A_190, %sign3A_193 : i32
      %sign3A_195 = arith.extui %sign3A_194 : i1 to i32
      %sign3A_196 = arith.subi %sign3A_192, %sign3A_195 : i32
      %sign3A_197 = arith.constant 0 : i32
      %sign3A_198 = arith.cmpi sgt, %jit3A, %sign3A_197 : i32
      %sign3A_199 = arith.extui %sign3A_198 : i1 to i32
      %sign3A_200 = arith.constant 0 : i32
      %sign3A_201 = arith.cmpi slt, %jit3A, %sign3A_200 : i32
      %sign3A_202 = arith.extui %sign3A_201 : i1 to i32
      %sign3A_203 = arith.subi %sign3A_199, %sign3A_202 : i32
      %ne3A = arith.cmpi ne, %sign3A_196, %sign3A_203 : i32
      %rem3A = arith.remsi %add3A_190, %jit3A : i32
      %ne3A_204 = arith.constant 0 : i32
      %ne3A_205 = arith.cmpi ne, %rem3A, %ne3A_204 : i32
      %and3A = arith.andi %ne3A, %ne3A_205 : i1
      %sub3A = arith.constant 1 : i32
      %sub3A_206 = arith.subi %div3A, %sub3A : i32
      %select_n3A = arith.select %and3A, %sub3A_206, %div3A : i32
      %jit3A_207 = arith.constant 4 : i32
      %eq3A = arith.constant 0 : i32
      %eq3A_208 = arith.cmpi eq, %jit3A_207, %eq3A : i32
      %jit3A_209 = arith.constant 1 : i32
      %select_n3A_210 = arith.select %eq3A_208, %jit3A_209, %jit3A_207 : i32
      %rem3A_211 = arith.remsi %add3A_190, %select_n3A_210 : i32
      %ne3A_212 = arith.constant 0 : i32
      %ne3A_213 = arith.cmpi ne, %rem3A_211, %ne3A_212 : i32
      %lt3A = arith.constant 0 : i32
      %lt3A_214 = arith.cmpi slt, %rem3A_211, %lt3A : i32
      %lt3A_215 = arith.constant 0 : i32
      %lt3A_216 = arith.cmpi slt, %select_n3A_210, %lt3A_215 : i32
      %ne3A_217 = arith.xori %lt3A_214, %lt3A_216 : i1
      %and3A_218 = arith.andi %ne3A_217, %ne3A_213 : i1
      %add3A_219 = arith.addi %rem3A_211, %select_n3A_210 : i32
      %select_n3A_220 = arith.select %and3A_218, %add3A_219, %rem3A_211 : i32
      %mul3A_221 = arith.constant 16 : i32
      %mul3A_222 = arith.muli %select_n3A_220, %mul3A_221 : i32
      %swap3A = arith.index_cast %select_n3A : i32 to index
      %swap3A_223 = arith.index_cast %mul3A_222 : i32 to index
      %swap3A_224 = tpu.vector_load %arg8[%swap3A, %swap3A_223] {strides = array<i32>} : memref<128x64xf32, #tpu.memory_space<vmem>>, vector<1x16xf32>,
      %swap3A_225 = vector.shape_cast %swap3A_224 : vector<1x16xf32> to vector<16xf32>
      %swap3A_226 = vector.shape_cast %broadcast_in_dim3A_33 : vector<16xf32> to vector<1x16xf32>
      tpu.vector_store %arg8[%swap3A, %swap3A_223], %swap3A_226 {strides = array<i32>} : memref<128x64xf32, #tpu.memory_space<vmem>>, vector<1x16xf32>,
    }
    %scan3A_37 = arith.constant 512 : i32
    %scan3A_38 = arith.constant 0 : i32
    %scan3A_39 = arith.constant 128 : i32
    %scan3A_40 = arith.addi %scan3A_38, %scan3A_39 : i32
    %scan3A_41 = arith.constant 1 : i32
    scf.for %scan3A_186 = %scan3A_38 to %scan3A_40 step %scan3A_41  : i32 {
      %mul3A_187 = arith.constant 1 : i32
      %mul3A_188 = arith.muli %scan3A_186, %mul3A_187 : i32
      %add3A_189 = arith.constant 0 : i32
      %add3A_190 = arith.addi %add3A_189, %mul3A_188 : i32
      %swap3A = arith.index_cast %add3A_190 : i32 to index
      %swap3A_191 = arith.constant 0 : index
      %swap3A_192 = tpu.vector_load %arg11[%swap3A, %swap3A_191] {strides = array<i32>} : memref<128x16xf32, #tpu.memory_space<vmem>>, vector<1x16xf32>,
      %swap3A_193 = vector.shape_cast %swap3A_192 : vector<1x16xf32> to vector<16xf32>
      %swap3A_194 = vector.shape_cast %broadcast_in_dim3A_33 : vector<16xf32> to vector<1x16xf32>
      tpu.vector_store %arg11[%swap3A, %swap3A_191], %swap3A_194 {strides = array<i32>} : memref<128x16xf32, #tpu.memory_space<vmem>>, vector<1x16xf32>,
      %add3A_195 = arith.constant 1.000000e+00 : f32
      %add3A_196 = vector.broadcast %add3A_195 : f32 to vector<16xf32>
      %add3A_197 = arith.addf %broadcast_in_dim3A_33, %add3A_196 : vector<16xf32>
      %swap3A_198 = arith.index_cast %add3A_190 : i32 to index
      %swap3A_199 = arith.constant 0 : index
      %swap3A_200 = tpu.vector_load %arg10[%swap3A_198, %swap3A_199] {strides = array<i32>} : memref<128x16xf32, #tpu.memory_space<vmem>>, vector<1x16xf32>,
      %swap3A_201 = vector.shape_cast %swap3A_200 : vector<1x16xf32> to vector<16xf32>
      %swap3A_202 = vector.shape_cast %add3A_197 : vector<16xf32> to vector<1x16xf32>
      tpu.vector_store %arg10[%swap3A_198, %swap3A_199], %swap3A_202 {strides = array<i32>} : memref<128x16xf32, #tpu.memory_space<vmem>>, vector<1x16xf32>,
    }
    %scan3A_42 = arith.constant 128 : i32
    %add3A_43 = arith.constant 0 : i32
    %add3A_44 = arith.addi %mul3A_0, %add3A_43 : i32
    "tpu.region"() ({
      %run_scoped3A = tpu.sem_alloc : memref<!tpu.dma_semaphore, #tpu.memory_space<semaphore_mem>>
      %dma_start3A_186 = arith.constant 0 : i32
      %dma_start3A_187 = tpu.memref_slice %arg13[%add3A_44, %dma_start3A_186] : memref<10240x64xf32, #tpu.memory_space<vmem_shared>> -> memref<128x64xf32, #tpu.memory_space<vmem_shared>>
      %dma_start3A_188 = arith.constant 0 : i32
      %dma_start3A_189 = tpu.memref_slice %arg13[%add3A_44, %dma_start3A_188] : memref<10240x64xf32, #tpu.memory_space<vmem_shared>> -> memref<128x64xf32, #tpu.memory_space<vmem_shared>>
      tpu.enqueue_dma source(%arg8 : memref<128x64xf32, #tpu.memory_space<vmem>>) target(%dma_start3A_189 : memref<128x64xf32, #tpu.memory_space<vmem_shared>>) target_semaphore(%run_scoped3A : memref<!tpu.dma_semaphore, #tpu.memory_space<semaphore_mem>>)
      %dma_wait3A_190 = arith.constant 0 : i32
      %dma_wait3A_191 = tpu.memref_slice %arg13[%add3A_44, %dma_wait3A_190] : memref<10240x64xf32, #tpu.memory_space<vmem_shared>> -> memref<128x64xf32, #tpu.memory_space<vmem_shared>>
      %dma_wait3A_192 = arith.constant 0 : i32
      %dma_wait3A_193 = tpu.memref_slice %arg13[%add3A_44, %dma_wait3A_192] : memref<10240x64xf32, #tpu.memory_space<vmem_shared>> -> memref<128x64xf32, #tpu.memory_space<vmem_shared>>
      tpu.wait_dma2 semaphore(%run_scoped3A : memref<!tpu.dma_semaphore, #tpu.memory_space<semaphore_mem>>) src(%arg8 : memref<128x64xf32, #tpu.memory_space<vmem>>) dst(%dma_wait3A_193 : memref<128x64xf32, #tpu.memory_space<vmem_shared>>)
      tpu.yield
    }) : () -> ()
    %add3A_45 = arith.constant 128 : i32
    %add3A_46 = arith.addi %mul3A_0, %add3A_45 : i32
    "tpu.region"() ({
      %run_scoped3A = tpu.sem_alloc : memref<!tpu.dma_semaphore, #tpu.memory_space<semaphore_mem>>
      %dma_start3A_186 = arith.constant 0 : i32
      %dma_start3A_187 = tpu.memref_slice %arg13[%add3A_46, %dma_start3A_186] : memref<10240x64xf32, #tpu.memory_space<vmem_shared>> -> memref<128x64xf32, #tpu.memory_space<vmem_shared>>
      %dma_start3A_188 = arith.constant 0 : i32
      %dma_start3A_189 = tpu.memref_slice %arg13[%add3A_46, %dma_start3A_188] : memref<10240x64xf32, #tpu.memory_space<vmem_shared>> -> memref<128x64xf32, #tpu.memory_space<vmem_shared>>
      tpu.enqueue_dma source(%arg8 : memref<128x64xf32, #tpu.memory_space<vmem>>) target(%dma_start3A_189 : memref<128x64xf32, #tpu.memory_space<vmem_shared>>) target_semaphore(%run_scoped3A : memref<!tpu.dma_semaphore, #tpu.memory_space<semaphore_mem>>)
      %dma_wait3A_190 = arith.constant 0 : i32
      %dma_wait3A_191 = tpu.memref_slice %arg13[%add3A_46, %dma_wait3A_190] : memref<10240x64xf32, #tpu.memory_space<vmem_shared>> -> memref<128x64xf32, #tpu.memory_space<vmem_shared>>
      %dma_wait3A_192 = arith.constant 0 : i32
      %dma_wait3A_193 = tpu.memref_slice %arg13[%add3A_46, %dma_wait3A_192] : memref<10240x64xf32, #tpu.memory_space<vmem_shared>> -> memref<128x64xf32, #tpu.memory_space<vmem_shared>>
      tpu.wait_dma2 semaphore(%run_scoped3A : memref<!tpu.dma_semaphore, #tpu.memory_space<semaphore_mem>>) src(%arg8 : memref<128x64xf32, #tpu.memory_space<vmem>>) dst(%dma_wait3A_193 : memref<128x64xf32, #tpu.memory_space<vmem_shared>>)
      tpu.yield
    }) : () -> ()
    %add3A_47 = arith.constant 256 : i32
    %add3A_48 = arith.addi %mul3A_0, %add3A_47 : i32
    "tpu.region"() ({
      %run_scoped3A = tpu.sem_alloc : memref<!tpu.dma_semaphore, #tpu.memory_space<semaphore_mem>>
      %dma_start3A_186 = arith.constant 0 : i32
      %dma_start3A_187 = tpu.memref_slice %arg13[%add3A_48, %dma_start3A_186] : memref<10240x64xf32, #tpu.memory_space<vmem_shared>> -> memref<128x64xf32, #tpu.memory_space<vmem_shared>>
      %dma_start3A_188 = arith.constant 0 : i32
      %dma_start3A_189 = tpu.memref_slice %arg13[%add3A_48, %dma_start3A_188] : memref<10240x64xf32, #tpu.memory_space<vmem_shared>> -> memref<128x64xf32, #tpu.memory_space<vmem_shared>>
      tpu.enqueue_dma source(%arg8 : memref<128x64xf32, #tpu.memory_space<vmem>>) target(%dma_start3A_189 : memref<128x64xf32, #tpu.memory_space<vmem_shared>>) target_semaphore(%run_scoped3A : memref<!tpu.dma_semaphore, #tpu.memory_space<semaphore_mem>>)
      %dma_wait3A_190 = arith.constant 0 : i32
      %dma_wait3A_191 = tpu.memref_slice %arg13[%add3A_48, %dma_wait3A_190] : memref<10240x64xf32, #tpu.memory_space<vmem_shared>> -> memref<128x64xf32, #tpu.memory_space<vmem_shared>>
      %dma_wait3A_192 = arith.constant 0 : i32
      %dma_wait3A_193 = tpu.memref_slice %arg13[%add3A_48, %dma_wait3A_192] : memref<10240x64xf32, #tpu.memory_space<vmem_shared>> -> memref<128x64xf32, #tpu.memory_space<vmem_shared>>
      tpu.wait_dma2 semaphore(%run_scoped3A : memref<!tpu.dma_semaphore, #tpu.memory_space<semaphore_mem>>) src(%arg8 : memref<128x64xf32, #tpu.memory_space<vmem>>) dst(%dma_wait3A_193 : memref<128x64xf32, #tpu.memory_space<vmem_shared>>)
      tpu.yield
    }) : () -> ()
    %add3A_49 = arith.constant 384 : i32
    %add3A_50 = arith.addi %mul3A_0, %add3A_49 : i32
    "tpu.region"() ({
      %run_scoped3A = tpu.sem_alloc : memref<!tpu.dma_semaphore, #tpu.memory_space<semaphore_mem>>
      %dma_start3A_186 = arith.constant 0 : i32
      %dma_start3A_187 = tpu.memref_slice %arg13[%add3A_50, %dma_start3A_186] : memref<10240x64xf32, #tpu.memory_space<vmem_shared>> -> memref<128x64xf32, #tpu.memory_space<vmem_shared>>
      %dma_start3A_188 = arith.constant 0 : i32
      %dma_start3A_189 = tpu.memref_slice %arg13[%add3A_50, %dma_start3A_188] : memref<10240x64xf32, #tpu.memory_space<vmem_shared>> -> memref<128x64xf32, #tpu.memory_space<vmem_shared>>
      tpu.enqueue_dma source(%arg8 : memref<128x64xf32, #tpu.memory_space<vmem>>) target(%dma_start3A_189 : memref<128x64xf32, #tpu.memory_space<vmem_shared>>) target_semaphore(%run_scoped3A : memref<!tpu.dma_semaphore, #tpu.memory_space<semaphore_mem>>)
      %dma_wait3A_190 = arith.constant 0 : i32
      %dma_wait3A_191 = tpu.memref_slice %arg13[%add3A_50, %dma_wait3A_190] : memref<10240x64xf32, #tpu.memory_space<vmem_shared>> -> memref<128x64xf32, #tpu.memory_space<vmem_shared>>
      %dma_wait3A_192 = arith.constant 0 : i32
      %dma_wait3A_193 = tpu.memref_slice %arg13[%add3A_50, %dma_wait3A_192] : memref<10240x64xf32, #tpu.memory_space<vmem_shared>> -> memref<128x64xf32, #tpu.memory_space<vmem_shared>>
      tpu.wait_dma2 semaphore(%run_scoped3A : memref<!tpu.dma_semaphore, #tpu.memory_space<semaphore_mem>>) src(%arg8 : memref<128x64xf32, #tpu.memory_space<vmem>>) dst(%dma_wait3A_193 : memref<128x64xf32, #tpu.memory_space<vmem_shared>>)
      tpu.yield
    }) : () -> ()
    %add3A_51 = arith.constant 512 : i32
    %add3A_52 = arith.addi %mul3A_0, %add3A_51 : i32
    "tpu.region"() ({
      %run_scoped3A = tpu.sem_alloc : memref<!tpu.dma_semaphore, #tpu.memory_space<semaphore_mem>>
      %dma_start3A_186 = arith.constant 0 : i32
      %dma_start3A_187 = tpu.memref_slice %arg13[%add3A_52, %dma_start3A_186] : memref<10240x64xf32, #tpu.memory_space<vmem_shared>> -> memref<128x64xf32, #tpu.memory_space<vmem_shared>>
      %dma_start3A_188 = arith.constant 0 : i32
      %dma_start3A_189 = tpu.memref_slice %arg13[%add3A_52, %dma_start3A_188] : memref<10240x64xf32, #tpu.memory_space<vmem_shared>> -> memref<128x64xf32, #tpu.memory_space<vmem_shared>>
      tpu.enqueue_dma source(%arg8 : memref<128x64xf32, #tpu.memory_space<vmem>>) target(%dma_start3A_189 : memref<128x64xf32, #tpu.memory_space<vmem_shared>>) target_semaphore(%run_scoped3A : memref<!tpu.dma_semaphore, #tpu.memory_space<semaphore_mem>>)
      %dma_wait3A_190 = arith.constant 0 : i32
      %dma_wait3A_191 = tpu.memref_slice %arg13[%add3A_52, %dma_wait3A_190] : memref<10240x64xf32, #tpu.memory_space<vmem_shared>> -> memref<128x64xf32, #tpu.memory_space<vmem_shared>>
      %dma_wait3A_192 = arith.constant 0 : i32
      %dma_wait3A_193 = tpu.memref_slice %arg13[%add3A_52, %dma_wait3A_192] : memref<10240x64xf32, #tpu.memory_space<vmem_shared>> -> memref<128x64xf32, #tpu.memory_space<vmem_shared>>
      tpu.wait_dma2 semaphore(%run_scoped3A : memref<!tpu.dma_semaphore, #tpu.memory_space<semaphore_mem>>) src(%arg8 : memref<128x64xf32, #tpu.memory_space<vmem>>) dst(%dma_wait3A_193 : memref<128x64xf32, #tpu.memory_space<vmem_shared>>)
      tpu.yield
    }) : () -> ()
    %barrier3A = arith.constant 0 : index
    tpu.barrier barrier_id(%barrier3A)
    %dma_wait3A = arith.constant 0 : i32
    %dma_wait3A_53 = arith.constant 0 : i32
    %dma_wait3A_54 = arith.constant 0 : i32
    %dma_wait3A_55 = tpu.memref_slice %arg6[%dma_wait3A, %dma_wait3A_53, %dma_wait3A_54] : memref<3x16x128xi32, #tpu.memory_space<vmem>> -> memref<1x16x128xi32, #tpu.memory_space<vmem>>
    %dma_wait3A_56 = tpu.memref_squeeze %dma_wait3A_55 : memref<1x16x128xi32, #tpu.memory_space<vmem>> -> memref<16x128xi32, #tpu.memory_space<vmem>>
    %dma_wait3A_57 = arith.constant 0 : i32
    %dma_wait3A_58 = arith.constant 0 : i32
    %dma_wait3A_59 = tpu.memref_slice %arg3[%dma_wait3A_57, %dma_wait3A_58] : memref<2560x128xi32, #tpu.memory_space<hbm>> -> memref<16x128xi32, #tpu.memory_space<hbm>>
    %dma_wait3A_60 = arith.constant 0 : i32
    %dma_wait3A_61 = arith.constant 0 : i32
    %dma_wait3A_62 = tpu.memref_slice %arg6[%dma_wait3A, %dma_wait3A_60, %dma_wait3A_61] : memref<3x16x128xi32, #tpu.memory_space<vmem>> -> memref<1x16x128xi32, #tpu.memory_space<vmem>>
    %dma_wait3A_63 = tpu.memref_squeeze %dma_wait3A_62 : memref<1x16x128xi32, #tpu.memory_space<vmem>> -> memref<16x128xi32, #tpu.memory_space<vmem>>
    %dma_wait3A_64 = arith.constant 0 : i32
    %dma_wait3A_65 = arith.constant 0 : i32
    %dma_wait3A_66 = tpu.memref_slice %arg3[%dma_wait3A_64, %dma_wait3A_65] : memref<2560x128xi32, #tpu.memory_space<hbm>> -> memref<16x128xi32, #tpu.memory_space<hbm>>
    tpu.wait_dma2 semaphore(%arg15 : memref<!tpu.dma_semaphore, #tpu.memory_space<semaphore_mem>>) src(%dma_wait3A_66 : memref<16x128xi32, #tpu.memory_space<hbm>>) dst(%dma_wait3A_63 : memref<16x128xi32, #tpu.memory_space<vmem>>)
    %dma_wait3A_67 = arith.constant 0 : i32
    %dma_wait3A_68 = arith.constant 0 : i32
    %dma_wait3A_69 = arith.constant 0 : i32
    %dma_wait3A_70 = tpu.memref_slice %arg7[%dma_wait3A_67, %dma_wait3A_68, %dma_wait3A_69] : memref<3x16x128xi32, #tpu.memory_space<vmem>> -> memref<1x16x128xi32, #tpu.memory_space<vmem>>
    %dma_wait3A_71 = tpu.memref_squeeze %dma_wait3A_70 : memref<1x16x128xi32, #tpu.memory_space<vmem>> -> memref<16x128xi32, #tpu.memory_space<vmem>>
    %dma_wait3A_72 = arith.constant 0 : i32
    %dma_wait3A_73 = arith.constant 0 : i32
    %dma_wait3A_74 = tpu.memref_slice %arg4[%dma_wait3A_72, %dma_wait3A_73] : memref<2560x128xi32, #tpu.memory_space<hbm>> -> memref<16x128xi32, #tpu.memory_space<hbm>>
    %dma_wait3A_75 = arith.constant 0 : i32
    %dma_wait3A_76 = arith.constant 0 : i32
    %dma_wait3A_77 = tpu.memref_slice %arg7[%dma_wait3A_67, %dma_wait3A_75, %dma_wait3A_76] : memref<3x16x128xi32, #tpu.memory_space<vmem>> -> memref<1x16x128xi32, #tpu.memory_space<vmem>>
    %dma_wait3A_78 = tpu.memref_squeeze %dma_wait3A_77 : memref<1x16x128xi32, #tpu.memory_space<vmem>> -> memref<16x128xi32, #tpu.memory_space<vmem>>
    %dma_wait3A_79 = arith.constant 0 : i32
    %dma_wait3A_80 = arith.constant 0 : i32
    %dma_wait3A_81 = tpu.memref_slice %arg4[%dma_wait3A_79, %dma_wait3A_80] : memref<2560x128xi32, #tpu.memory_space<hbm>> -> memref<16x128xi32, #tpu.memory_space<hbm>>
    tpu.wait_dma2 semaphore(%arg15 : memref<!tpu.dma_semaphore, #tpu.memory_space<semaphore_mem>>) src(%dma_wait3A_81 : memref<16x128xi32, #tpu.memory_space<hbm>>) dst(%dma_wait3A_78 : memref<16x128xi32, #tpu.memory_space<vmem>>)
    %mul3A_82 = arith.constant 160 : i32
    %mul3A_83 = arith.muli %arg1, %mul3A_82 : i32
    %add3A_84 = arith.constant 16 : i32
    %add3A_85 = arith.addi %mul3A_83, %add3A_84 : i32
    %dma_start3A_86 = arith.constant 1 : i32
    %dma_start3A_87 = arith.constant 0 : i32
    %dma_start3A_88 = arith.constant 0 : i32
    %dma_start3A_89 = tpu.memref_slice %arg6[%dma_start3A_86, %dma_start3A_87, %dma_start3A_88] : memref<3x16x128xi32, #tpu.memory_space<vmem>> -> memref<1x16x128xi32, #tpu.memory_space<vmem>>
    %dma_start3A_90 = tpu.memref_squeeze %dma_start3A_89 : memref<1x16x128xi32, #tpu.memory_space<vmem>> -> memref<16x128xi32, #tpu.memory_space<vmem>>
    %dma_start3A_91 = arith.constant 0 : i32
    %dma_start3A_92 = tpu.memref_slice %arg3[%add3A_85, %dma_start3A_91] : memref<2560x128xi32, #tpu.memory_space<hbm>> -> memref<16x128xi32, #tpu.memory_space<hbm>>
    %dma_start3A_93 = arith.constant 0 : i32
    %dma_start3A_94 = arith.constant 0 : i32
    %dma_start3A_95 = tpu.memref_slice %arg6[%dma_start3A_86, %dma_start3A_93, %dma_start3A_94] : memref<3x16x128xi32, #tpu.memory_space<vmem>> -> memref<1x16x128xi32, #tpu.memory_space<vmem>>
    %dma_start3A_96 = tpu.memref_squeeze %dma_start3A_95 : memref<1x16x128xi32, #tpu.memory_space<vmem>> -> memref<16x128xi32, #tpu.memory_space<vmem>>
    %dma_start3A_97 = arith.constant 0 : i32
    %dma_start3A_98 = tpu.memref_slice %arg3[%add3A_85, %dma_start3A_97] : memref<2560x128xi32, #tpu.memory_space<hbm>> -> memref<16x128xi32, #tpu.memory_space<hbm>>
    tpu.enqueue_dma source(%dma_start3A_98 : memref<16x128xi32, #tpu.memory_space<hbm>>) target(%dma_start3A_96 : memref<16x128xi32, #tpu.memory_space<vmem>>) target_semaphore(%arg15 : memref<!tpu.dma_semaphore, #tpu.memory_space<semaphore_mem>>)
    %mul3A_99 = arith.constant 160 : i32
    %mul3A_100 = arith.muli %arg1, %mul3A_99 : i32
    %add3A_101 = arith.constant 16 : i32
    %add3A_102 = arith.addi %mul3A_100, %add3A_101 : i32
    %dma_start3A_103 = arith.constant 1 : i32
    %dma_start3A_104 = arith.constant 0 : i32
    %dma_start3A_105 = arith.constant 0 : i32
    %dma_start3A_106 = tpu.memref_slice %arg7[%dma_start3A_103, %dma_start3A_104, %dma_start3A_105] : memref<3x16x128xi32, #tpu.memory_space<vmem>> -> memref<1x16x128xi32, #tpu.memory_space<vmem>>
    %dma_start3A_107 = tpu.memref_squeeze %dma_start3A_106 : memref<1x16x128xi32, #tpu.memory_space<vmem>> -> memref<16x128xi32, #tpu.memory_space<vmem>>
    %dma_start3A_108 = arith.constant 0 : i32
    %dma_start3A_109 = tpu.memref_slice %arg4[%add3A_102, %dma_start3A_108] : memref<2560x128xi32, #tpu.memory_space<hbm>> -> memref<16x128xi32, #tpu.memory_space<hbm>>
    %dma_start3A_110 = arith.constant 0 : i32
    %dma_start3A_111 = arith.constant 0 : i32
    %dma_start3A_112 = tpu.memref_slice %arg7[%dma_start3A_103, %dma_start3A_110, %dma_start3A_111] : memref<3x16x128xi32, #tpu.memory_space<vmem>> -> memref<1x16x128xi32, #tpu.memory_space<vmem>>
    %dma_start3A_113 = tpu.memref_squeeze %dma_start3A_112 : memref<1x16x128xi32, #tpu.memory_space<vmem>> -> memref<16x128xi32, #tpu.memory_space<vmem>>
    %dma_start3A_114 = arith.constant 0 : i32
    %dma_start3A_115 = tpu.memref_slice %arg4[%add3A_102, %dma_start3A_114] : memref<2560x128xi32, #tpu.memory_space<hbm>> -> memref<16x128xi32, #tpu.memory_space<hbm>>
    tpu.enqueue_dma source(%dma_start3A_115 : memref<16x128xi32, #tpu.memory_space<hbm>>) target(%dma_start3A_113 : memref<16x128xi32, #tpu.memory_space<vmem>>) target_semaphore(%arg15 : memref<!tpu.dma_semaphore, #tpu.memory_space<semaphore_mem>>)
    %dma_start3A_116 = arith.constant 0 : i32
    %dma_start3A_117 = arith.constant 0 : i32
    %dma_start3A_118 = arith.constant 0 : i32
    %dma_start3A_119 = tpu.memref_slice %arg6[%dma_start3A_116, %dma_start3A_117, %dma_start3A_118] : memref<3x16x128xi32, #tpu.memory_space<vmem>> -> memref<1x1x128xi32, #tpu.memory_space<vmem>>
    %dma_start3A_120 = tpu.memref_squeeze %dma_start3A_119 : memref<1x1x128xi32, #tpu.memory_space<vmem>> -> memref<128xi32, #tpu.memory_space<vmem>>
    %dma_start3A_121 = arith.constant 0 : i32
    %dma_start3A_122 = arith.constant 0 : i32
    %dma_start3A_123 = tpu.memref_slice %arg12[%dma_start3A_121, %dma_start3A_122] : memref<10240x64xf32, #tpu.memory_space<vmem_shared>> -> memref<10240x64xf32, #tpu.memory_space<vmem_shared>>
    tpu.enqueue_indirect_dma source(%dma_start3A_123 : memref<10240x64xf32, #tpu.memory_space<vmem_shared>>) target(%arg8 : memref<128x64xf32, #tpu.memory_space<vmem>>) offsets(%dma_start3A_120 : memref<128xi32, #tpu.memory_space<vmem>>) semaphore(%arg16 : memref<!tpu.dma_semaphore, #tpu.memory_space<semaphore_mem>>)
    %dma_start3A_124 = arith.constant 0 : i32
    %dma_start3A_125 = arith.constant 1 : i32
    %dma_start3A_126 = arith.constant 0 : i32
    %dma_start3A_127 = tpu.memref_slice %arg6[%dma_start3A_124, %dma_start3A_125, %dma_start3A_126] : memref<3x16x128xi32, #tpu.memory_space<vmem>> -> memref<1x1x128xi32, #tpu.memory_space<vmem>>
    %dma_start3A_128 = tpu.memref_squeeze %dma_start3A_127 : memref<1x1x128xi32, #tpu.memory_space<vmem>> -> memref<128xi32, #tpu.memory_space<vmem>>
    %dma_start3A_129 = arith.constant 0 : i32
    %dma_start3A_130 = arith.constant 0 : i32
    %dma_start3A_131 = tpu.memref_slice %arg12[%dma_start3A_129, %dma_start3A_130] : memref<10240x64xf32, #tpu.memory_space<vmem_shared>> -> memref<10240x64xf32, #tpu.memory_space<vmem_shared>>
    tpu.enqueue_indirect_dma source(%dma_start3A_131 : memref<10240x64xf32, #tpu.memory_space<vmem_shared>>) target(%arg9 : memref<128x64xf32, #tpu.memory_space<vmem>>) offsets(%dma_start3A_128 : memref<128xi32, #tpu.memory_space<vmem>>) semaphore(%arg17 : memref<!tpu.dma_semaphore, #tpu.memory_space<semaphore_mem>>)
    %dma_wait3A_132 = arith.constant 0 : i32
    %dma_wait3A_133 = arith.constant 0 : i32
    %dma_wait3A_134 = arith.constant 0 : i32
    %dma_wait3A_135 = tpu.memref_slice %arg6[%dma_wait3A_132, %dma_wait3A_133, %dma_wait3A_134] : memref<3x16x128xi32, #tpu.memory_space<vmem>> -> memref<1x1x128xi32, #tpu.memory_space<vmem>>
    %dma_wait3A_136 = tpu.memref_squeeze %dma_wait3A_135 : memref<1x1x128xi32, #tpu.memory_space<vmem>> -> memref<128xi32, #tpu.memory_space<vmem>>
    %dma_wait3A_137 = arith.constant 0 : i32
    %dma_wait3A_138 = arith.constant 0 : i32
    %dma_wait3A_139 = tpu.memref_slice %arg12[%dma_wait3A_137, %dma_wait3A_138] : memref<10240x64xf32, #tpu.memory_space<vmem_shared>> -> memref<10240x64xf32, #tpu.memory_space<vmem_shared>>
    tpu.wait_indirect_dma semaphore(%arg16 : memref<!tpu.dma_semaphore, #tpu.memory_space<semaphore_mem>>) src(%dma_wait3A_139 : memref<10240x64xf32, #tpu.memory_space<vmem_shared>>) dst(%arg8 : memref<128x64xf32, #tpu.memory_space<vmem>>)
    %dma_start3A_140 = arith.constant 0 : i32
    %dma_start3A_141 = arith.constant 0 : i32
    %dma_start3A_142 = arith.constant 0 : i32
    %dma_start3A_143 = tpu.memref_slice %arg7[%dma_start3A_140, %dma_start3A_141, %dma_start3A_142] : memref<3x16x128xi32, #tpu.memory_space<vmem>> -> memref<1x1x128xi32, #tpu.memory_space<vmem>>
    %dma_start3A_144 = tpu.memref_squeeze %dma_start3A_143 : memref<1x1x128xi32, #tpu.memory_space<vmem>> -> memref<128xi32, #tpu.memory_space<vmem>>
    %dma_start3A_145 = arith.constant 0 : i32
    %dma_start3A_146 = arith.constant 0 : i32
    %dma_start3A_147 = tpu.memref_slice %arg13[%dma_start3A_145, %dma_start3A_146] : memref<10240x64xf32, #tpu.memory_space<vmem_shared>> -> memref<10240x64xf32, #tpu.memory_space<vmem_shared>>
    tpu.enqueue_indirect_dma source(%arg8 : memref<128x64xf32, #tpu.memory_space<vmem>>) target(%dma_start3A_147 : memref<10240x64xf32, #tpu.memory_space<vmem_shared>>) offsets(%dma_start3A_144 : memref<128xi32, #tpu.memory_space<vmem>>) semaphore(%arg18 : memref<!tpu.dma_semaphore, #tpu.memory_space<semaphore_mem>>) {add = true}
    %scan3A_148 = arith.constant 0 : i32
    %scan3A_149 = arith.constant 79 : i32
    %scan3A_150 = arith.addi %scan3A_148, %scan3A_149 : i32
    %scan3A_151 = arith.constant 1 : i32
    scf.for %scan3A_186 = %scan3A_148 to %scan3A_150 step %scan3A_151  : i32 {
      %mul3A_187 = arith.constant 1 : i32
      %mul3A_188 = arith.muli %scan3A_186, %mul3A_187 : i32
      %add3A_189 = arith.constant 0 : i32
      %add3A_190 = arith.addi %add3A_189, %mul3A_188 : i32
      %mul3A_191 = arith.constant 2 : i32
      %mul3A_192 = arith.muli %mul3A_191, %add3A_190 : i32
      %add3A_193 = arith.constant 1 : i32
      %add3A_194 = arith.addi %mul3A_192, %add3A_193 : i32
      %jit3A = arith.constant 16 : i32
      %eq3A = arith.constant 0 : i32
      %eq3A_195 = arith.cmpi eq, %jit3A, %eq3A : i32
      %jit3A_196 = arith.constant 1 : i32
      %select_n3A = arith.select %eq3A_195, %jit3A_196, %jit3A : i32
      %rem3A = arith.remsi %add3A_194, %select_n3A : i32
      %ne3A = arith.constant 0 : i32
      %ne3A_197 = arith.cmpi ne, %rem3A, %ne3A : i32
      %lt3A = arith.constant 0 : i32
      %lt3A_198 = arith.cmpi slt, %rem3A, %lt3A : i32
      %lt3A_199 = arith.constant 0 : i32
      %lt3A_200 = arith.cmpi slt, %select_n3A, %lt3A_199 : i32
      %ne3A_201 = arith.xori %lt3A_198, %lt3A_200 : i1
      %and3A = arith.andi %ne3A_201, %ne3A_197 : i1
      %add3A_202 = arith.addi %rem3A, %select_n3A : i32
      %select_n3A_203 = arith.select %and3A, %add3A_202, %rem3A : i32
      %eq3A_204 = arith.constant 15 : i32
      %eq3A_205 = arith.cmpi eq, %select_n3A_203, %eq3A_204 : i32
      %convert_element_type3A = arith.extui %eq3A_205 : i1 to i32
      %cond3A = arith.constant 0 : i32
      %cond3A_206 = arith.cmpi ne, %convert_element_type3A, %cond3A : i32
      scf.if %cond3A_206 {
        %dma_wait3A_492 = arith.constant 0 : i32
        %dma_wait3A_493 = arith.constant 0 : i32
        %dma_wait3A_494 = arith.constant 0 : i32
        %dma_wait3A_495 = tpu.memref_slice %arg6[%dma_wait3A_492, %dma_wait3A_493, %dma_wait3A_494] : memref<3x16x128xi32, #tpu.memory_space<vmem>> -> memref<1x16x128xi32, #tpu.memory_space<vmem>>
        %dma_wait3A_496 = tpu.memref_squeeze %dma_wait3A_495 : memref<1x16x128xi32, #tpu.memory_space<vmem>> -> memref<16x128xi32, #tpu.memory_space<vmem>>
        %dma_wait3A_497 = arith.constant 0 : i32
        %dma_wait3A_498 = arith.constant 0 : i32
        %dma_wait3A_499 = tpu.memref_slice %arg3[%dma_wait3A_497, %dma_wait3A_498] : memref<2560x128xi32, #tpu.memory_space<hbm>> -> memref<16x128xi32, #tpu.memory_space<hbm>>
        %dma_wait3A_500 = arith.constant 0 : i32
        %dma_wait3A_501 = arith.constant 0 : i32
        %dma_wait3A_502 = tpu.memref_slice %arg6[%dma_wait3A_492, %dma_wait3A_500, %dma_wait3A_501] : memref<3x16x128xi32, #tpu.memory_space<vmem>> -> memref<1x16x128xi32, #tpu.memory_space<vmem>>
        %dma_wait3A_503 = tpu.memref_squeeze %dma_wait3A_502 : memref<1x16x128xi32, #tpu.memory_space<vmem>> -> memref<16x128xi32, #tpu.memory_space<vmem>>
        %dma_wait3A_504 = arith.constant 0 : i32
        %dma_wait3A_505 = arith.constant 0 : i32
        %dma_wait3A_506 = tpu.memref_slice %arg3[%dma_wait3A_504, %dma_wait3A_505] : memref<2560x128xi32, #tpu.memory_space<hbm>> -> memref<16x128xi32, #tpu.memory_space<hbm>>
        tpu.wait_dma2 semaphore(%arg15 : memref<!tpu.dma_semaphore, #tpu.memory_space<semaphore_mem>>) src(%dma_wait3A_506 : memref<16x128xi32, #tpu.memory_space<hbm>>) dst(%dma_wait3A_503 : memref<16x128xi32, #tpu.memory_space<vmem>>)
        %dma_wait3A_507 = arith.constant 0 : i32
        %dma_wait3A_508 = arith.constant 0 : i32
        %dma_wait3A_509 = arith.constant 0 : i32
        %dma_wait3A_510 = tpu.memref_slice %arg7[%dma_wait3A_507, %dma_wait3A_508, %dma_wait3A_509] : memref<3x16x128xi32, #tpu.memory_space<vmem>> -> memref<1x16x128xi32, #tpu.memory_space<vmem>>
        %dma_wait3A_511 = tpu.memref_squeeze %dma_wait3A_510 : memref<1x16x128xi32, #tpu.memory_space<vmem>> -> memref<16x128xi32, #tpu.memory_space<vmem>>
        %dma_wait3A_512 = arith.constant 0 : i32
        %dma_wait3A_513 = arith.constant 0 : i32
        %dma_wait3A_514 = tpu.memref_slice %arg4[%dma_wait3A_512, %dma_wait3A_513] : memref<2560x128xi32, #tpu.memory_space<hbm>> -> memref<16x128xi32, #tpu.memory_space<hbm>>
        %dma_wait3A_515 = arith.constant 0 : i32
        %dma_wait3A_516 = arith.constant 0 : i32
        %dma_wait3A_517 = tpu.memref_slice %arg7[%dma_wait3A_507, %dma_wait3A_515, %dma_wait3A_516] : memref<3x16x128xi32, #tpu.memory_space<vmem>> -> memref<1x16x128xi32, #tpu.memory_space<vmem>>
        %dma_wait3A_518 = tpu.memref_squeeze %dma_wait3A_517 : memref<1x16x128xi32, #tpu.memory_space<vmem>> -> memref<16x128xi32, #tpu.memory_space<vmem>>
        %dma_wait3A_519 = arith.constant 0 : i32
        %dma_wait3A_520 = arith.constant 0 : i32
        %dma_wait3A_521 = tpu.memref_slice %arg4[%dma_wait3A_519, %dma_wait3A_520] : memref<2560x128xi32, #tpu.memory_space<hbm>> -> memref<16x128xi32, #tpu.memory_space<hbm>>
        tpu.wait_dma2 semaphore(%arg15 : memref<!tpu.dma_semaphore, #tpu.memory_space<semaphore_mem>>) src(%dma_wait3A_521 : memref<16x128xi32, #tpu.memory_space<hbm>>) dst(%dma_wait3A_518 : memref<16x128xi32, #tpu.memory_space<vmem>>)
        %lt3A_522 = arith.constant 128 : i32
        %lt3A_523 = arith.cmpi slt, %add3A_194, %lt3A_522 : i32
        %convert_element_type3A_524 = arith.extui %lt3A_523 : i1 to i32
        %cond3A_525 = arith.constant 0 : i32
        %cond3A_526 = arith.cmpi ne, %convert_element_type3A_524, %cond3A_525 : i32
        scf.if %cond3A_526 {
          %add3A_527 = arith.constant 1 : i32
          %add3A_528 = arith.addi %add3A_194, %add3A_527 : i32
          %jit3A_529 = arith.constant 16 : i32
          %div3A_530 = arith.divsi %add3A_528, %jit3A_529 : i32
          %sign3A_531 = arith.constant 0 : i32
          %sign3A_532 = arith.cmpi sgt, %add3A_528, %sign3A_531 : i32
          %sign3A_533 = arith.extui %sign3A_532 : i1 to i32
          %sign3A_534 = arith.constant 0 : i32
          %sign3A_535 = arith.cmpi slt, %add3A_528, %sign3A_534 : i32
          %sign3A_536 = arith.extui %sign3A_535 : i1 to i32
          %sign3A_537 = arith.subi %sign3A_533, %sign3A_536 : i32
          %sign3A_538 = arith.constant 0 : i32
          %sign3A_539 = arith.cmpi sgt, %jit3A_529, %sign3A_538 : i32
          %sign3A_540 = arith.extui %sign3A_539 : i1 to i32
          %sign3A_541 = arith.constant 0 : i32
          %sign3A_542 = arith.cmpi slt, %jit3A_529, %sign3A_541 : i32
          %sign3A_543 = arith.extui %sign3A_542 : i1 to i32
          %sign3A_544 = arith.subi %sign3A_540, %sign3A_543 : i32
          %ne3A_545 = arith.cmpi ne, %sign3A_537, %sign3A_544 : i32
          %rem3A_546 = arith.remsi %add3A_528, %jit3A_529 : i32
          %ne3A_547 = arith.constant 0 : i32
          %ne3A_548 = arith.cmpi ne, %rem3A_546, %ne3A_547 : i32
          %and3A_549 = arith.andi %ne3A_545, %ne3A_548 : i1
          %sub3A_550 = arith.constant 1 : i32
          %sub3A_551 = arith.subi %div3A_530, %sub3A_550 : i32
          %select_n3A_552 = arith.select %and3A_549, %sub3A_551, %div3A_530 : i32
          %add3A_553 = arith.constant 1 : i32
          %add3A_554 = arith.addi %select_n3A_552, %add3A_553 : i32
          %mul3A_555 = arith.constant 160 : i32
          %mul3A_556 = arith.muli %arg1, %mul3A_555 : i32
          %mul3A_557 = arith.constant 16 : i32
          %mul3A_558 = arith.muli %add3A_554, %mul3A_557 : i32
          %add3A_559 = arith.addi %mul3A_556, %mul3A_558 : i32
          %jit3A_560 = arith.constant 3 : i32
          %eq3A_561 = arith.constant 0 : i32
          %eq3A_562 = arith.cmpi eq, %jit3A_560, %eq3A_561 : i32
          %jit3A_563 = arith.constant 1 : i32
          %select_n3A_564 = arith.select %eq3A_562, %jit3A_563, %jit3A_560 : i32
          %rem3A_565 = arith.remsi %add3A_554, %select_n3A_564 : i32
          %ne3A_566 = arith.constant 0 : i32
          %ne3A_567 = arith.cmpi ne, %rem3A_565, %ne3A_566 : i32
          %lt3A_568 = arith.constant 0 : i32
          %lt3A_569 = arith.cmpi slt, %rem3A_565, %lt3A_568 : i32
          %lt3A_570 = arith.constant 0 : i32
          %lt3A_571 = arith.cmpi slt, %select_n3A_564, %lt3A_570 : i32
          %ne3A_572 = arith.xori %lt3A_569, %lt3A_571 : i1
          %and3A_573 = arith.andi %ne3A_572, %ne3A_567 : i1
          %add3A_574 = arith.addi %rem3A_565, %select_n3A_564 : i32
          %select_n3A_575 = arith.select %and3A_573, %add3A_574, %rem3A_565 : i32
          %dma_start3A_576 = arith.constant 0 : i32
          %dma_start3A_577 = arith.constant 0 : i32
          %dma_start3A_578 = tpu.memref_slice %arg6[%select_n3A_575, %dma_start3A_576, %dma_start3A_577] : memref<3x16x128xi32, #tpu.memory_space<vmem>> -> memref<1x16x128xi32, #tpu.memory_space<vmem>>
          %dma_start3A_579 = tpu.memref_squeeze %dma_start3A_578 : memref<1x16x128xi32, #tpu.memory_space<vmem>> -> memref<16x128xi32, #tpu.memory_space<vmem>>
          %dma_start3A_580 = arith.constant 0 : i32
          %dma_start3A_581 = tpu.memref_slice %arg3[%add3A_559, %dma_start3A_580] : memref<2560x128xi32, #tpu.memory_space<hbm>> -> memref<16x128xi32, #tpu.memory_space<hbm>>
          %dma_start3A_582 = arith.constant 0 : i32
          %dma_start3A_583 = arith.constant 0 : i32
          %dma_start3A_584 = tpu.memref_slice %arg6[%select_n3A_575, %dma_start3A_582, %dma_start3A_583] : memref<3x16x128xi32, #tpu.memory_space<vmem>> -> memref<1x16x128xi32, #tpu.memory_space<vmem>>
          %dma_start3A_585 = tpu.memref_squeeze %dma_start3A_584 : memref<1x16x128xi32, #tpu.memory_space<vmem>> -> memref<16x128xi32, #tpu.memory_space<vmem>>
          %dma_start3A_586 = arith.constant 0 : i32
          %dma_start3A_587 = tpu.memref_slice %arg3[%add3A_559, %dma_start3A_586] : memref<2560x128xi32, #tpu.memory_space<hbm>> -> memref<16x128xi32, #tpu.memory_space<hbm>>
          tpu.enqueue_dma source(%dma_start3A_587 : memref<16x128xi32, #tpu.memory_space<hbm>>) target(%dma_start3A_585 : memref<16x128xi32, #tpu.memory_space<vmem>>) target_semaphore(%arg15 : memref<!tpu.dma_semaphore, #tpu.memory_space<semaphore_mem>>)
          %mul3A_588 = arith.constant 160 : i32
          %mul3A_589 = arith.muli %arg1, %mul3A_588 : i32
          %mul3A_590 = arith.constant 16 : i32
          %mul3A_591 = arith.muli %add3A_554, %mul3A_590 : i32
          %add3A_592 = arith.addi %mul3A_589, %mul3A_591 : i32
          %jit3A_593 = arith.constant 3 : i32
          %eq3A_594 = arith.constant 0 : i32
          %eq3A_595 = arith.cmpi eq, %jit3A_593, %eq3A_594 : i32
          %jit3A_596 = arith.constant 1 : i32
          %select_n3A_597 = arith.select %eq3A_595, %jit3A_596, %jit3A_593 : i32
          %rem3A_598 = arith.remsi %add3A_554, %select_n3A_597 : i32
          %ne3A_599 = arith.constant 0 : i32
          %ne3A_600 = arith.cmpi ne, %rem3A_598, %ne3A_599 : i32
          %lt3A_601 = arith.constant 0 : i32
          %lt3A_602 = arith.cmpi slt, %rem3A_598, %lt3A_601 : i32
          %lt3A_603 = arith.constant 0 : i32
          %lt3A_604 = arith.cmpi slt, %select_n3A_597, %lt3A_603 : i32
          %ne3A_605 = arith.xori %lt3A_602, %lt3A_604 : i1
          %and3A_606 = arith.andi %ne3A_605, %ne3A_600 : i1
          %add3A_607 = arith.addi %rem3A_598, %select_n3A_597 : i32
          %select_n3A_608 = arith.select %and3A_606, %add3A_607, %rem3A_598 : i32
          %dma_start3A_609 = arith.constant 0 : i32
          %dma_start3A_610 = arith.constant 0 : i32
          %dma_start3A_611 = tpu.memref_slice %arg7[%select_n3A_608, %dma_start3A_609, %dma_start3A_610] : memref<3x16x128xi32, #tpu.memory_space<vmem>> -> memref<1x16x128xi32, #tpu.memory_space<vmem>>
          %dma_start3A_612 = tpu.memref_squeeze %dma_start3A_611 : memref<1x16x128xi32, #tpu.memory_space<vmem>> -> memref<16x128xi32, #tpu.memory_space<vmem>>
          %dma_start3A_613 = arith.constant 0 : i32
          %dma_start3A_614 = tpu.memref_slice %arg4[%add3A_592, %dma_start3A_613] : memref<2560x128xi32, #tpu.memory_space<hbm>> -> memref<16x128xi32, #tpu.memory_space<hbm>>
          %dma_start3A_615 = arith.constant 0 : i32
          %dma_start3A_616 = arith.constant 0 : i32
          %dma_start3A_617 = tpu.memref_slice %arg7[%select_n3A_608, %dma_start3A_615, %dma_start3A_616] : memref<3x16x128xi32, #tpu.memory_space<vmem>> -> memref<1x16x128xi32, #tpu.memory_space<vmem>>
          %dma_start3A_618 = tpu.memref_squeeze %dma_start3A_617 : memref<1x16x128xi32, #tpu.memory_space<vmem>> -> memref<16x128xi32, #tpu.memory_space<vmem>>
          %dma_start3A_619 = arith.constant 0 : i32
          %dma_start3A_620 = tpu.memref_slice %arg4[%add3A_592, %dma_start3A_619] : memref<2560x128xi32, #tpu.memory_space<hbm>> -> memref<16x128xi32, #tpu.memory_space<hbm>>
          tpu.enqueue_dma source(%dma_start3A_620 : memref<16x128xi32, #tpu.memory_space<hbm>>) target(%dma_start3A_618 : memref<16x128xi32, #tpu.memory_space<vmem>>) target_semaphore(%arg15 : memref<!tpu.dma_semaphore, #tpu.memory_space<semaphore_mem>>)
        } else {
        }
      } else {
      }
      %dma_wait3A_207 = arith.constant 0 : i32
      %dma_wait3A_208 = arith.constant 0 : i32
      %dma_wait3A_209 = tpu.memref_slice %arg2[%arg0, %dma_wait3A_207, %dma_wait3A_208] : memref<2x10240x64xf32, #tpu.memory_space<hbm>> -> memref<1x128x64xf32, #tpu.memory_space<hbm>>
      %dma_wait3A_210 = tpu.memref_squeeze %dma_wait3A_209 : memref<1x128x64xf32, #tpu.memory_space<hbm>> -> memref<128x64xf32, #tpu.memory_space<hbm>>
      %dma_wait3A_211 = arith.constant 0 : i32
      %dma_wait3A_212 = arith.constant 0 : i32
      %dma_wait3A_213 = tpu.memref_slice %arg2[%arg0, %dma_wait3A_211, %dma_wait3A_212] : memref<2x10240x64xf32, #tpu.memory_space<hbm>> -> memref<1x128x64xf32, #tpu.memory_space<hbm>>
      %dma_wait3A_214 = tpu.memref_squeeze %dma_wait3A_213 : memref<1x128x64xf32, #tpu.memory_space<hbm>> -> memref<128x64xf32, #tpu.memory_space<hbm>>
      tpu.wait_dma2 semaphore(%arg18 : memref<!tpu.dma_semaphore, #tpu.memory_space<semaphore_mem>>) src(%dma_wait3A_214 : memref<128x64xf32, #tpu.memory_space<hbm>>) dst(%arg8 : memref<128x64xf32, #tpu.memory_space<vmem>>)
      %add3A_215 = arith.constant 1 : i32
      %add3A_216 = arith.addi %add3A_194, %add3A_215 : i32
      %jit3A_217 = arith.constant 16 : i32
      %div3A = arith.divsi %add3A_216, %jit3A_217 : i32
      %sign3A = arith.constant 0 : i32
      %sign3A_218 = arith.cmpi sgt, %add3A_216, %sign3A : i32
      %sign3A_219 = arith.extui %sign3A_218 : i1 to i32
      %sign3A_220 = arith.constant 0 : i32
      %sign3A_221 = arith.cmpi slt, %add3A_216, %sign3A_220 : i32
      %sign3A_222 = arith.extui %sign3A_221 : i1 to i32
      %sign3A_223 = arith.subi %sign3A_219, %sign3A_222 : i32
      %sign3A_224 = arith.constant 0 : i32
      %sign3A_225 = arith.cmpi sgt, %jit3A_217, %sign3A_224 : i32
      %sign3A_226 = arith.extui %sign3A_225 : i1 to i32
      %sign3A_227 = arith.constant 0 : i32
      %sign3A_228 = arith.cmpi slt, %jit3A_217, %sign3A_227 : i32
      %sign3A_229 = arith.extui %sign3A_228 : i1 to i32
      %sign3A_230 = arith.subi %sign3A_226, %sign3A_229 : i32
      %ne3A_231 = arith.cmpi ne, %sign3A_223, %sign3A_230 : i32
      %rem3A_232 = arith.remsi %add3A_216, %jit3A_217 : i32
      %ne3A_233 = arith.constant 0 : i32
      %ne3A_234 = arith.cmpi ne, %rem3A_232, %ne3A_233 : i32
      %and3A_235 = arith.andi %ne3A_231, %ne3A_234 : i1
      %sub3A = arith.constant 1 : i32
      %sub3A_236 = arith.subi %div3A, %sub3A : i32
      %select_n3A_237 = arith.select %and3A_235, %sub3A_236, %div3A : i32
      %jit3A_238 = arith.constant 3 : i32
      %eq3A_239 = arith.constant 0 : i32
      %eq3A_240 = arith.cmpi eq, %jit3A_238, %eq3A_239 : i32
      %jit3A_241 = arith.constant 1 : i32
      %select_n3A_242 = arith.select %eq3A_240, %jit3A_241, %jit3A_238 : i32
      %rem3A_243 = arith.remsi %select_n3A_237, %select_n3A_242 : i32
      %ne3A_244 = arith.constant 0 : i32
      %ne3A_245 = arith.cmpi ne, %rem3A_243, %ne3A_244 : i32
      %lt3A_246 = arith.constant 0 : i32
      %lt3A_247 = arith.cmpi slt, %rem3A_243, %lt3A_246 : i32
      %lt3A_248 = arith.constant 0 : i32
      %lt3A_249 = arith.cmpi slt, %select_n3A_242, %lt3A_248 : i32
      %ne3A_250 = arith.xori %lt3A_247, %lt3A_249 : i1
      %and3A_251 = arith.andi %ne3A_250, %ne3A_245 : i1
      %add3A_252 = arith.addi %rem3A_243, %select_n3A_242 : i32
      %select_n3A_253 = arith.select %and3A_251, %add3A_252, %rem3A_243 : i32
      %jit3A_254 = arith.constant 16 : i32
      %eq3A_255 = arith.constant 0 : i32
      %eq3A_256 = arith.cmpi eq, %jit3A_254, %eq3A_255 : i32
      %jit3A_257 = arith.constant 1 : i32
      %select_n3A_258 = arith.select %eq3A_256, %jit3A_257, %jit3A_254 : i32
      %rem3A_259 = arith.remsi %add3A_216, %select_n3A_258 : i32
      %ne3A_260 = arith.constant 0 : i32
      %ne3A_261 = arith.cmpi ne, %rem3A_259, %ne3A_260 : i32
      %lt3A_262 = arith.constant 0 : i32
      %lt3A_263 = arith.cmpi slt, %rem3A_259, %lt3A_262 : i32
      %lt3A_264 = arith.constant 0 : i32
      %lt3A_265 = arith.cmpi slt, %select_n3A_258, %lt3A_264 : i32
      %ne3A_266 = arith.xori %lt3A_263, %lt3A_265 : i1
      %and3A_267 = arith.andi %ne3A_266, %ne3A_261 : i1
      %add3A_268 = arith.addi %rem3A_259, %select_n3A_258 : i32
      %select_n3A_269 = arith.select %and3A_267, %add3A_268, %rem3A_259 : i32
      %dma_start3A_270 = arith.constant 0 : i32
      %dma_start3A_271 = tpu.memref_slice %arg6[%select_n3A_253, %select_n3A_269, %dma_start3A_270] : memref<3x16x128xi32, #tpu.memory_space<vmem>> -> memref<1x1x128xi32, #tpu.memory_space<vmem>>
      %dma_start3A_272 = tpu.memref_squeeze %dma_start3A_271 : memref<1x1x128xi32, #tpu.memory_space<vmem>> -> memref<128xi32, #tpu.memory_space<vmem>>
      %dma_start3A_273 = arith.constant 0 : i32
      %dma_start3A_274 = arith.constant 0 : i32
      %dma_start3A_275 = tpu.memref_slice %arg12[%dma_start3A_273, %dma_start3A_274] : memref<10240x64xf32, #tpu.memory_space<vmem_shared>> -> memref<10240x64xf32, #tpu.memory_space<vmem_shared>>
      tpu.enqueue_indirect_dma source(%dma_start3A_275 : memref<10240x64xf32, #tpu.memory_space<vmem_shared>>) target(%arg8 : memref<128x64xf32, #tpu.memory_space<vmem>>) offsets(%dma_start3A_272 : memref<128xi32, #tpu.memory_space<vmem>>) semaphore(%arg16 : memref<!tpu.dma_semaphore, #tpu.memory_space<semaphore_mem>>)
      %dma_wait3A_276 = arith.constant 0 : i32
      %dma_wait3A_277 = arith.constant 0 : i32
      %dma_wait3A_278 = arith.constant 0 : i32
      %dma_wait3A_279 = tpu.memref_slice %arg6[%dma_wait3A_276, %dma_wait3A_277, %dma_wait3A_278] : memref<3x16x128xi32, #tpu.memory_space<vmem>> -> memref<1x1x128xi32, #tpu.memory_space<vmem>>
      %dma_wait3A_280 = tpu.memref_squeeze %dma_wait3A_279 : memref<1x1x128xi32, #tpu.memory_space<vmem>> -> memref<128xi32, #tpu.memory_space<vmem>>
      %dma_wait3A_281 = arith.constant 0 : i32
      %dma_wait3A_282 = arith.constant 0 : i32
      %dma_wait3A_283 = tpu.memref_slice %arg12[%dma_wait3A_281, %dma_wait3A_282] : memref<10240x64xf32, #tpu.memory_space<vmem_shared>> -> memref<10240x64xf32, #tpu.memory_space<vmem_shared>>
      tpu.wait_indirect_dma semaphore(%arg17 : memref<!tpu.dma_semaphore, #tpu.memory_space<semaphore_mem>>) src(%dma_wait3A_283 : memref<10240x64xf32, #tpu.memory_space<vmem_shared>>) dst(%arg9 : memref<128x64xf32, #tpu.memory_space<vmem>>)
      %jit3A_284 = arith.constant 16 : i32
      %div3A_285 = arith.divsi %add3A_194, %jit3A_284 : i32
      %sign3A_286 = arith.constant 0 : i32
      %sign3A_287 = arith.cmpi sgt, %add3A_194, %sign3A_286 : i32
      %sign3A_288 = arith.extui %sign3A_287 : i1 to i32
      %sign3A_289 = arith.constant 0 : i32
      %sign3A_290 = arith.cmpi slt, %add3A_194, %sign3A_289 : i32
      %sign3A_291 = arith.extui %sign3A_290 : i1 to i32
      %sign3A_292 = arith.subi %sign3A_288, %sign3A_291 : i32
      %sign3A_293 = arith.constant 0 : i32
      %sign3A_294 = arith.cmpi sgt, %jit3A_284, %sign3A_293 : i32
      %sign3A_295 = arith.extui %sign3A_294 : i1 to i32
      %sign3A_296 = arith.constant 0 : i32
      %sign3A_297 = arith.cmpi slt, %jit3A_284, %sign3A_296 : i32
      %sign3A_298 = arith.extui %sign3A_297 : i1 to i32
      %sign3A_299 = arith.subi %sign3A_295, %sign3A_298 : i32
      %ne3A_300 = arith.cmpi ne, %sign3A_292, %sign3A_299 : i32
      %rem3A_301 = arith.remsi %add3A_194, %jit3A_284 : i32
      %ne3A_302 = arith.constant 0 : i32
      %ne3A_303 = arith.cmpi ne, %rem3A_301, %ne3A_302 : i32
      %and3A_304 = arith.andi %ne3A_300, %ne3A_303 : i1
      %sub3A_305 = arith.constant 1 : i32
      %sub3A_306 = arith.subi %div3A_285, %sub3A_305 : i32
      %select_n3A_307 = arith.select %and3A_304, %sub3A_306, %div3A_285 : i32
      %jit3A_308 = arith.constant 3 : i32
      %eq3A_309 = arith.constant 0 : i32
      %eq3A_310 = arith.cmpi eq, %jit3A_308, %eq3A_309 : i32
      %jit3A_311 = arith.constant 1 : i32
      %select_n3A_312 = arith.select %eq3A_310, %jit3A_311, %jit3A_308 : i32
      %rem3A_313 = arith.remsi %select_n3A_307, %select_n3A_312 : i32
      %ne3A_314 = arith.constant 0 : i32
      %ne3A_315 = arith.cmpi ne, %rem3A_313, %ne3A_314 : i32
      %lt3A_316 = arith.constant 0 : i32
      %lt3A_317 = arith.cmpi slt, %rem3A_313, %lt3A_316 : i32
      %lt3A_318 = arith.constant 0 : i32
      %lt3A_319 = arith.cmpi slt, %select_n3A_312, %lt3A_318 : i32
      %ne3A_320 = arith.xori %lt3A_317, %lt3A_319 : i1
      %and3A_321 = arith.andi %ne3A_320, %ne3A_315 : i1
      %add3A_322 = arith.addi %rem3A_313, %select_n3A_312 : i32
      %select_n3A_323 = arith.select %and3A_321, %add3A_322, %rem3A_313 : i32
      %jit3A_324 = arith.constant 16 : i32
      %eq3A_325 = arith.constant 0 : i32
      %eq3A_326 = arith.cmpi eq, %jit3A_324, %eq3A_325 : i32
      %jit3A_327 = arith.constant 1 : i32
      %select_n3A_328 = arith.select %eq3A_326, %jit3A_327, %jit3A_324 : i32
      %rem3A_329 = arith.remsi %add3A_194, %select_n3A_328 : i32
      %ne3A_330 = arith.constant 0 : i32
      %ne3A_331 = arith.cmpi ne, %rem3A_329, %ne3A_330 : i32
      %lt3A_332 = arith.constant 0 : i32
      %lt3A_333 = arith.cmpi slt, %rem3A_329, %lt3A_332 : i32
      %lt3A_334 = arith.constant 0 : i32
      %lt3A_335 = arith.cmpi slt, %select_n3A_328, %lt3A_334 : i32
      %ne3A_336 = arith.xori %lt3A_333, %lt3A_335 : i1
      %and3A_337 = arith.andi %ne3A_336, %ne3A_331 : i1
      %add3A_338 = arith.addi %rem3A_329, %select_n3A_328 : i32
      %select_n3A_339 = arith.select %and3A_337, %add3A_338, %rem3A_329 : i32
      %dma_start3A_340 = arith.constant 0 : i32
      %dma_start3A_341 = tpu.memref_slice %arg7[%select_n3A_323, %select_n3A_339, %dma_start3A_340] : memref<3x16x128xi32, #tpu.memory_space<vmem>> -> memref<1x1x128xi32, #tpu.memory_space<vmem>>
      %dma_start3A_342 = tpu.memref_squeeze %dma_start3A_341 : memref<1x1x128xi32, #tpu.memory_space<vmem>> -> memref<128xi32, #tpu.memory_space<vmem>>
      %dma_start3A_343 = arith.constant 0 : i32
      %dma_start3A_344 = arith.constant 0 : i32
      %dma_start3A_345 = tpu.memref_slice %arg13[%dma_start3A_343, %dma_start3A_344] : memref<10240x64xf32, #tpu.memory_space<vmem_shared>> -> memref<10240x64xf32, #tpu.memory_space<vmem_shared>>
      tpu.enqueue_indirect_dma source(%arg9 : memref<128x64xf32, #tpu.memory_space<vmem>>) target(%dma_start3A_345 : memref<10240x64xf32, #tpu.memory_space<vmem_shared>>) offsets(%dma_start3A_342 : memref<128xi32, #tpu.memory_space<vmem>>) semaphore(%arg19 : memref<!tpu.dma_semaphore, #tpu.memory_space<semaphore_mem>>) {add = true}
      %dma_wait3A_346 = arith.constant 0 : i32
      %dma_wait3A_347 = arith.constant 0 : i32
      %dma_wait3A_348 = tpu.memref_slice %arg2[%arg0, %dma_wait3A_346, %dma_wait3A_347] : memref<2x10240x64xf32, #tpu.memory_space<hbm>> -> memref<1x128x64xf32, #tpu.memory_space<hbm>>
      %dma_wait3A_349 = tpu.memref_squeeze %dma_wait3A_348 : memref<1x128x64xf32, #tpu.memory_space<hbm>> -> memref<128x64xf32, #tpu.memory_space<hbm>>
      %dma_wait3A_350 = arith.constant 0 : i32
      %dma_wait3A_351 = arith.constant 0 : i32
      %dma_wait3A_352 = tpu.memref_slice %arg2[%arg0, %dma_wait3A_350, %dma_wait3A_351] : memref<2x10240x64xf32, #tpu.memory_space<hbm>> -> memref<1x128x64xf32, #tpu.memory_space<hbm>>
      %dma_wait3A_353 = tpu.memref_squeeze %dma_wait3A_352 : memref<1x128x64xf32, #tpu.memory_space<hbm>> -> memref<128x64xf32, #tpu.memory_space<hbm>>
      tpu.wait_dma2 semaphore(%arg19 : memref<!tpu.dma_semaphore, #tpu.memory_space<semaphore_mem>>) src(%dma_wait3A_353 : memref<128x64xf32, #tpu.memory_space<hbm>>) dst(%arg9 : memref<128x64xf32, #tpu.memory_space<vmem>>)
      %add3A_354 = arith.constant 2 : i32
      %add3A_355 = arith.addi %add3A_194, %add3A_354 : i32
      %jit3A_356 = arith.constant 16 : i32
      %div3A_357 = arith.divsi %add3A_355, %jit3A_356 : i32
      %sign3A_358 = arith.constant 0 : i32
      %sign3A_359 = arith.cmpi sgt, %add3A_355, %sign3A_358 : i32
      %sign3A_360 = arith.extui %sign3A_359 : i1 to i32
      %sign3A_361 = arith.constant 0 : i32
      %sign3A_362 = arith.cmpi slt, %add3A_355, %sign3A_361 : i32
      %sign3A_363 = arith.extui %sign3A_362 : i1 to i32
      %sign3A_364 = arith.subi %sign3A_360, %sign3A_363 : i32
      %sign3A_365 = arith.constant 0 : i32
      %sign3A_366 = arith.cmpi sgt, %jit3A_356, %sign3A_365 : i32
      %sign3A_367 = arith.extui %sign3A_366 : i1 to i32
      %sign3A_368 = arith.constant 0 : i32
      %sign3A_369 = arith.cmpi slt, %jit3A_356, %sign3A_368 : i32
      %sign3A_370 = arith.extui %sign3A_369 : i1 to i32
      %sign3A_371 = arith.subi %sign3A_367, %sign3A_370 : i32
      %ne3A_372 = arith.cmpi ne, %sign3A_364, %sign3A_371 : i32
      %rem3A_373 = arith.remsi %add3A_355, %jit3A_356 : i32
      %ne3A_374 = arith.constant 0 : i32
      %ne3A_375 = arith.cmpi ne, %rem3A_373, %ne3A_374 : i32
      %and3A_376 = arith.andi %ne3A_372, %ne3A_375 : i1
      %sub3A_377 = arith.constant 1 : i32
      %sub3A_378 = arith.subi %div3A_357, %sub3A_377 : i32
      %select_n3A_379 = arith.select %and3A_376, %sub3A_378, %div3A_357 : i32
      %jit3A_380 = arith.constant 3 : i32
      %eq3A_381 = arith.constant 0 : i32
      %eq3A_382 = arith.cmpi eq, %jit3A_380, %eq3A_381 : i32
      %jit3A_383 = arith.constant 1 : i32
      %select_n3A_384 = arith.select %eq3A_382, %jit3A_383, %jit3A_380 : i32
      %rem3A_385 = arith.remsi %select_n3A_379, %select_n3A_384 : i32
      %ne3A_386 = arith.constant 0 : i32
      %ne3A_387 = arith.cmpi ne, %rem3A_385, %ne3A_386 : i32
      %lt3A_388 = arith.constant 0 : i32
      %lt3A_389 = arith.cmpi slt, %rem3A_385, %lt3A_388 : i32
      %lt3A_390 = arith.constant 0 : i32
      %lt3A_391 = arith.cmpi slt, %select_n3A_384, %lt3A_390 : i32
      %ne3A_392 = arith.xori %lt3A_389, %lt3A_391 : i1
      %and3A_393 = arith.andi %ne3A_392, %ne3A_387 : i1
      %add3A_394 = arith.addi %rem3A_385, %select_n3A_384 : i32
      %select_n3A_395 = arith.select %and3A_393, %add3A_394, %rem3A_385 : i32
      %jit3A_396 = arith.constant 16 : i32
      %eq3A_397 = arith.constant 0 : i32
      %eq3A_398 = arith.cmpi eq, %jit3A_396, %eq3A_397 : i32
      %jit3A_399 = arith.constant 1 : i32
      %select_n3A_400 = arith.select %eq3A_398, %jit3A_399, %jit3A_396 : i32
      %rem3A_401 = arith.remsi %add3A_355, %select_n3A_400 : i32
      %ne3A_402 = arith.constant 0 : i32
      %ne3A_403 = arith.cmpi ne, %rem3A_401, %ne3A_402 : i32
      %lt3A_404 = arith.constant 0 : i32
      %lt3A_405 = arith.cmpi slt, %rem3A_401, %lt3A_404 : i32
      %lt3A_406 = arith.constant 0 : i32
      %lt3A_407 = arith.cmpi slt, %select_n3A_400, %lt3A_406 : i32
      %ne3A_408 = arith.xori %lt3A_405, %lt3A_407 : i1
      %and3A_409 = arith.andi %ne3A_408, %ne3A_403 : i1
      %add3A_410 = arith.addi %rem3A_401, %select_n3A_400 : i32
      %select_n3A_411 = arith.select %and3A_409, %add3A_410, %rem3A_401 : i32
      %dma_start3A_412 = arith.constant 0 : i32
      %dma_start3A_413 = tpu.memref_slice %arg6[%select_n3A_395, %select_n3A_411, %dma_start3A_412] : memref<3x16x128xi32, #tpu.memory_space<vmem>> -> memref<1x1x128xi32, #tpu.memory_space<vmem>>
      %dma_start3A_414 = tpu.memref_squeeze %dma_start3A_413 : memref<1x1x128xi32, #tpu.memory_space<vmem>> -> memref<128xi32, #tpu.memory_space<vmem>>
      %dma_start3A_415 = arith.constant 0 : i32
      %dma_start3A_416 = arith.constant 0 : i32
      %dma_start3A_417 = tpu.memref_slice %arg12[%dma_start3A_415, %dma_start3A_416] : memref<10240x64xf32, #tpu.memory_space<vmem_shared>> -> memref<10240x64xf32, #tpu.memory_space<vmem_shared>>
      tpu.enqueue_indirect_dma source(%dma_start3A_417 : memref<10240x64xf32, #tpu.memory_space<vmem_shared>>) target(%arg9 : memref<128x64xf32, #tpu.memory_space<vmem>>) offsets(%dma_start3A_414 : memref<128xi32, #tpu.memory_space<vmem>>) semaphore(%arg17 : memref<!tpu.dma_semaphore, #tpu.memory_space<semaphore_mem>>)
      %dma_wait3A_418 = arith.constant 0 : i32
      %dma_wait3A_419 = arith.constant 0 : i32
      %dma_wait3A_420 = arith.constant 0 : i32
      %dma_wait3A_421 = tpu.memref_slice %arg6[%dma_wait3A_418, %dma_wait3A_419, %dma_wait3A_420] : memref<3x16x128xi32, #tpu.memory_space<vmem>> -> memref<1x1x128xi32, #tpu.memory_space<vmem>>
      %dma_wait3A_422 = tpu.memref_squeeze %dma_wait3A_421 : memref<1x1x128xi32, #tpu.memory_space<vmem>> -> memref<128xi32, #tpu.memory_space<vmem>>
      %dma_wait3A_423 = arith.constant 0 : i32
      %dma_wait3A_424 = arith.constant 0 : i32
      %dma_wait3A_425 = tpu.memref_slice %arg12[%dma_wait3A_423, %dma_wait3A_424] : memref<10240x64xf32, #tpu.memory_space<vmem_shared>> -> memref<10240x64xf32, #tpu.memory_space<vmem_shared>>
      tpu.wait_indirect_dma semaphore(%arg16 : memref<!tpu.dma_semaphore, #tpu.memory_space<semaphore_mem>>) src(%dma_wait3A_425 : memref<10240x64xf32, #tpu.memory_space<vmem_shared>>) dst(%arg8 : memref<128x64xf32, #tpu.memory_space<vmem>>)
      %add3A_426 = arith.constant 1 : i32
      %add3A_427 = arith.addi %add3A_194, %add3A_426 : i32
      %jit3A_428 = arith.constant 16 : i32
      %div3A_429 = arith.divsi %add3A_427, %jit3A_428 : i32
      %sign3A_430 = arith.constant 0 : i32
      %sign3A_431 = arith.cmpi sgt, %add3A_427, %sign3A_430 : i32
      %sign3A_432 = arith.extui %sign3A_431 : i1 to i32
      %sign3A_433 = arith.constant 0 : i32
      %sign3A_434 = arith.cmpi slt, %add3A_427, %sign3A_433 : i32
      %sign3A_435 = arith.extui %sign3A_434 : i1 to i32
      %sign3A_436 = arith.subi %sign3A_432, %sign3A_435 : i32
      %sign3A_437 = arith.constant 0 : i32
      %sign3A_438 = arith.cmpi sgt, %jit3A_428, %sign3A_437 : i32
      %sign3A_439 = arith.extui %sign3A_438 : i1 to i32
      %sign3A_440 = arith.constant 0 : i32
      %sign3A_441 = arith.cmpi slt, %jit3A_428, %sign3A_440 : i32
      %sign3A_442 = arith.extui %sign3A_441 : i1 to i32
      %sign3A_443 = arith.subi %sign3A_439, %sign3A_442 : i32
      %ne3A_444 = arith.cmpi ne, %sign3A_436, %sign3A_443 : i32
      %rem3A_445 = arith.remsi %add3A_427, %jit3A_428 : i32
      %ne3A_446 = arith.constant 0 : i32
      %ne3A_447 = arith.cmpi ne, %rem3A_445, %ne3A_446 : i32
      %and3A_448 = arith.andi %ne3A_444, %ne3A_447 : i1
      %sub3A_449 = arith.constant 1 : i32
      %sub3A_450 = arith.subi %div3A_429, %sub3A_449 : i32
      %select_n3A_451 = arith.select %and3A_448, %sub3A_450, %div3A_429 : i32
      %jit3A_452 = arith.constant 3 : i32
      %eq3A_453 = arith.constant 0 : i32
      %eq3A_454 = arith.cmpi eq, %jit3A_452, %eq3A_453 : i32
      %jit3A_455 = arith.constant 1 : i32
      %select_n3A_456 = arith.select %eq3A_454, %jit3A_455, %jit3A_452 : i32
      %rem3A_457 = arith.remsi %select_n3A_451, %select_n3A_456 : i32
      %ne3A_458 = arith.constant 0 : i32
      %ne3A_459 = arith.cmpi ne, %rem3A_457, %ne3A_458 : i32
      %lt3A_460 = arith.constant 0 : i32
      %lt3A_461 = arith.cmpi slt, %rem3A_457, %lt3A_460 : i32
      %lt3A_462 = arith.constant 0 : i32
      %lt3A_463 = arith.cmpi slt, %select_n3A_456, %lt3A_462 : i32
      %ne3A_464 = arith.xori %lt3A_461, %lt3A_463 : i1
      %and3A_465 = arith.andi %ne3A_464, %ne3A_459 : i1
      %add3A_466 = arith.addi %rem3A_457, %select_n3A_456 : i32
      %select_n3A_467 = arith.select %and3A_465, %add3A_466, %rem3A_457 : i32
      %jit3A_468 = arith.constant 16 : i32
      %eq3A_469 = arith.constant 0 : i32
      %eq3A_470 = arith.cmpi eq, %jit3A_468, %eq3A_469 : i32
      %jit3A_471 = arith.constant 1 : i32
      %select_n3A_472 = arith.select %eq3A_470, %jit3A_471, %jit3A_468 : i32
      %rem3A_473 = arith.remsi %add3A_427, %select_n3A_472 : i32
      %ne3A_474 = arith.constant 0 : i32
      %ne3A_475 = arith.cmpi ne, %rem3A_473, %ne3A_474 : i32
      %lt3A_476 = arith.constant 0 : i32
      %lt3A_477 = arith.cmpi slt, %rem3A_473, %lt3A_476 : i32
      %lt3A_478 = arith.constant 0 : i32
      %lt3A_479 = arith.cmpi slt, %select_n3A_472, %lt3A_478 : i32
      %ne3A_480 = arith.xori %lt3A_477, %lt3A_479 : i1
      %and3A_481 = arith.andi %ne3A_480, %ne3A_475 : i1
      %add3A_482 = arith.addi %rem3A_473, %select_n3A_472 : i32
      %select_n3A_483 = arith.select %and3A_481, %add3A_482, %rem3A_473 : i32
      %dma_start3A_484 = arith.constant 0 : i32
      %dma_start3A_485 = tpu.memref_slice %arg7[%select_n3A_467, %select_n3A_483, %dma_start3A_484] : memref<3x16x128xi32, #tpu.memory_space<vmem>> -> memref<1x1x128xi32, #tpu.memory_space<vmem>>
      %dma_start3A_486 = tpu.memref_squeeze %dma_start3A_485 : memref<1x1x128xi32, #tpu.memory_space<vmem>> -> memref<128xi32, #tpu.memory_space<vmem>>
      %dma_start3A_487 = arith.constant 0 : i32
      %dma_start3A_488 = arith.constant 0 : i32
      %dma_start3A_489 = tpu.memref_slice %arg13[%dma_start3A_487, %dma_start3A_488] : memref<10240x64xf32, #tpu.memory_space<vmem_shared>> -> memref<10240x64xf32, #tpu.memory_space<vmem_shared>>
      tpu.enqueue_indirect_dma source(%arg8 : memref<128x64xf32, #tpu.memory_space<vmem>>) target(%dma_start3A_489 : memref<10240x64xf32, #tpu.memory_space<vmem_shared>>) offsets(%dma_start3A_486 : memref<128xi32, #tpu.memory_space<vmem>>) semaphore(%arg18 : memref<!tpu.dma_semaphore, #tpu.memory_space<semaphore_mem>>) {add = true}
      %add3A_490 = arith.constant 1 : i32
      %add3A_491 = arith.addi %add3A_194, %add3A_490 : i32
    }
    %scan3A_152 = arith.constant 79 : i32
    %dma_wait3A_153 = arith.constant 0 : i32
    %dma_wait3A_154 = arith.constant 0 : i32
    %dma_wait3A_155 = tpu.memref_slice %arg2[%arg0, %dma_wait3A_153, %dma_wait3A_154] : memref<2x10240x64xf32, #tpu.memory_space<hbm>> -> memref<1x128x64xf32, #tpu.memory_space<hbm>>
    %dma_wait3A_156 = tpu.memref_squeeze %dma_wait3A_155 : memref<1x128x64xf32, #tpu.memory_space<hbm>> -> memref<128x64xf32, #tpu.memory_space<hbm>>
    %dma_wait3A_157 = arith.constant 0 : i32
    %dma_wait3A_158 = arith.constant 0 : i32
    %dma_wait3A_159 = tpu.memref_slice %arg2[%arg0, %dma_wait3A_157, %dma_wait3A_158] : memref<2x10240x64xf32, #tpu.memory_space<hbm>> -> memref<1x128x64xf32, #tpu.memory_space<hbm>>
    %dma_wait3A_160 = tpu.memref_squeeze %dma_wait3A_159 : memref<1x128x64xf32, #tpu.memory_space<hbm>> -> memref<128x64xf32, #tpu.memory_space<hbm>>
    tpu.wait_dma2 semaphore(%arg18 : memref<!tpu.dma_semaphore, #tpu.memory_space<semaphore_mem>>) src(%dma_wait3A_160 : memref<128x64xf32, #tpu.memory_space<hbm>>) dst(%arg8 : memref<128x64xf32, #tpu.memory_space<vmem>>)
    %dma_wait3A_161 = arith.constant 0 : i32
    %dma_wait3A_162 = arith.constant 0 : i32
    %dma_wait3A_163 = arith.constant 0 : i32
    %dma_wait3A_164 = tpu.memref_slice %arg6[%dma_wait3A_161, %dma_wait3A_162, %dma_wait3A_163] : memref<3x16x128xi32, #tpu.memory_space<vmem>> -> memref<1x1x128xi32, #tpu.memory_space<vmem>>
    %dma_wait3A_165 = tpu.memref_squeeze %dma_wait3A_164 : memref<1x1x128xi32, #tpu.memory_space<vmem>> -> memref<128xi32, #tpu.memory_space<vmem>>
    %dma_wait3A_166 = arith.constant 0 : i32
    %dma_wait3A_167 = arith.constant 0 : i32
    %dma_wait3A_168 = tpu.memref_slice %arg12[%dma_wait3A_166, %dma_wait3A_167] : memref<10240x64xf32, #tpu.memory_space<vmem_shared>> -> memref<10240x64xf32, #tpu.memory_space<vmem_shared>>
    tpu.wait_indirect_dma semaphore(%arg17 : memref<!tpu.dma_semaphore, #tpu.memory_space<semaphore_mem>>) src(%dma_wait3A_168 : memref<10240x64xf32, #tpu.memory_space<vmem_shared>>) dst(%arg9 : memref<128x64xf32, #tpu.memory_space<vmem>>)
    %dma_start3A_169 = arith.constant 0 : i32
    %dma_start3A_170 = arith.constant 15 : i32
    %dma_start3A_171 = arith.constant 0 : i32
    %dma_start3A_172 = tpu.memref_slice %arg7[%dma_start3A_169, %dma_start3A_170, %dma_start3A_171] : memref<3x16x128xi32, #tpu.memory_space<vmem>> -> memref<1x1x128xi32, #tpu.memory_space<vmem>>
    %dma_start3A_173 = tpu.memref_squeeze %dma_start3A_172 : memref<1x1x128xi32, #tpu.memory_space<vmem>> -> memref<128xi32, #tpu.memory_space<vmem>>
    %dma_start3A_174 = arith.constant 0 : i32
    %dma_start3A_175 = arith.constant 0 : i32
    %dma_start3A_176 = tpu.memref_slice %arg13[%dma_start3A_174, %dma_start3A_175] : memref<10240x64xf32, #tpu.memory_space<vmem_shared>> -> memref<10240x64xf32, #tpu.memory_space<vmem_shared>>
    tpu.enqueue_indirect_dma source(%arg9 : memref<128x64xf32, #tpu.memory_space<vmem>>) target(%dma_start3A_176 : memref<10240x64xf32, #tpu.memory_space<vmem_shared>>) offsets(%dma_start3A_173 : memref<128xi32, #tpu.memory_space<vmem>>) semaphore(%arg19 : memref<!tpu.dma_semaphore, #tpu.memory_space<semaphore_mem>>) {add = true}
    %dma_wait3A_177 = arith.constant 0 : i32
    %dma_wait3A_178 = arith.constant 0 : i32
    %dma_wait3A_179 = tpu.memref_slice %arg2[%arg0, %dma_wait3A_177, %dma_wait3A_178] : memref<2x10240x64xf32, #tpu.memory_space<hbm>> -> memref<1x128x64xf32, #tpu.memory_space<hbm>>
    %dma_wait3A_180 = tpu.memref_squeeze %dma_wait3A_179 : memref<1x128x64xf32, #tpu.memory_space<hbm>> -> memref<128x64xf32, #tpu.memory_space<hbm>>
    %dma_wait3A_181 = arith.constant 0 : i32
    %dma_wait3A_182 = arith.constant 0 : i32
    %dma_wait3A_183 = tpu.memref_slice %arg2[%arg0, %dma_wait3A_181, %dma_wait3A_182] : memref<2x10240x64xf32, #tpu.memory_space<hbm>> -> memref<1x128x64xf32, #tpu.memory_space<hbm>>
    %dma_wait3A_184 = tpu.memref_squeeze %dma_wait3A_183 : memref<1x128x64xf32, #tpu.memory_space<hbm>> -> memref<128x64xf32, #tpu.memory_space<hbm>>
    tpu.wait_dma2 semaphore(%arg19 : memref<!tpu.dma_semaphore, #tpu.memory_space<semaphore_mem>>) src(%dma_wait3A_184 : memref<128x64xf32, #tpu.memory_space<hbm>>) dst(%arg9 : memref<128x64xf32, #tpu.memory_space<vmem>>)
    %barrier3A_185 = arith.constant 0 : index
    tpu.barrier barrier_id(%barrier3A_185)
    "tpu.region"() ({
      %run_scoped3A = tpu.sem_alloc : memref<!tpu.dma_semaphore, #tpu.memory_space<semaphore_mem>>
      %dma_start3A_186 = arith.constant 0 : i32
      %dma_start3A_187 = tpu.memref_slice %arg5[%arg0, %mul3A_0, %dma_start3A_186] : memref<2x10240x64xf32, #tpu.memory_space<hbm>> -> memref<1x640x64xf32, #tpu.memory_space<hbm>>
      %dma_start3A_188 = tpu.memref_squeeze %dma_start3A_187 : memref<1x640x64xf32, #tpu.memory_space<hbm>> -> memref<640x64xf32, #tpu.memory_space<hbm>>
      %dma_start3A_189 = arith.constant 0 : i32
      %dma_start3A_190 = tpu.memref_slice %arg13[%mul3A_0, %dma_start3A_189] : memref<10240x64xf32, #tpu.memory_space<vmem_shared>> -> memref<640x64xf32, #tpu.memory_space<vmem_shared>>
      tpu.enqueue_dma source(%dma_start3A_190 : memref<640x64xf32, #tpu.memory_space<vmem_shared>>) target(%dma_start3A_188 : memref<640x64xf32, #tpu.memory_space<hbm>>) target_semaphore(%run_scoped3A : memref<!tpu.dma_semaphore, #tpu.memory_space<semaphore_mem>>)
      %dma_wait3A_191 = arith.constant 0 : i32
      %dma_wait3A_192 = tpu.memref_slice %arg5[%arg0, %mul3A_0, %dma_wait3A_191] : memref<2x10240x64xf32, #tpu.memory_space<hbm>> -> memref<1x640x64xf32, #tpu.memory_space<hbm>>
      %dma_wait3A_193 = tpu.memref_squeeze %dma_wait3A_192 : memref<1x640x64xf32, #tpu.memory_space<hbm>> -> memref<640x64xf32, #tpu.memory_space<hbm>>
      %dma_wait3A_194 = arith.constant 0 : i32
      %dma_wait3A_195 = tpu.memref_slice %arg13[%mul3A_0, %dma_wait3A_194] : memref<10240x64xf32, #tpu.memory_space<vmem_shared>> -> memref<640x64xf32, #tpu.memory_space<vmem_shared>>
      tpu.wait_dma2 semaphore(%run_scoped3A : memref<!tpu.dma_semaphore, #tpu.memory_space<semaphore_mem>>) src(%dma_wait3A_195 : memref<640x64xf32, #tpu.memory_space<vmem_shared>>) dst(%dma_wait3A_193 : memref<640x64xf32, #tpu.memory_space<hbm>>)
      tpu.yield
    }) : () -> ()
    return
  }
}

#map = affine_map<(d0, d1) -> (0, 0, 0)>
#map1 = affine_map<(d0, d1) -> (0, 0)>
module attributes {stable_mosaic.version = 14 : i64} {
  func.func @body(%arg0: i32, %arg1: i32, %arg2: memref<2x10240x64xf32, #tpu.memory_space<hbm>>, %arg3: memref<2560x128xi32, #tpu.memory_space<hbm>>, %arg4: memref<2560x128xi32, #tpu.memory_space<hbm>>, %arg5: memref<2x10240x64xf32, #tpu.memory_space<hbm>>, %arg6: memref<2x10240x16xf32, #tpu.memory_space<hbm>>, %arg7: memref<3x16x128xi32, #tpu.memory_space<vmem>>, %arg8: memref<3x16x128xi32, #tpu.memory_space<vmem>>, %arg9: memref<128x64xf32, #tpu.memory_space<vmem>>, %arg10: memref<128x64xf32, #tpu.memory_space<vmem>>, %arg11: memref<128x16xf32, #tpu.memory_space<vmem>>, %arg12: memref<128x16xf32, #tpu.memory_space<vmem>>, %arg13: memref<10240x64xf32, #tpu.memory_space<vmem_shared>>, %arg14: memref<10240x64xf32, #tpu.memory_space<vmem_shared>>, %arg15: memref<10240x16xf32, #tpu.memory_space<vmem_shared>>, %arg16: memref<!tpu.dma_semaphore, #tpu.memory_space<semaphore_mem>>, %arg17: memref<!tpu.dma_semaphore, #tpu.memory_space<semaphore_mem>>, %arg18: memref<!tpu.dma_semaphore, #tpu.memory_space<semaphore_mem>>, %arg19: memref<!tpu.dma_semaphore, #tpu.memory_space<semaphore_mem>>, %arg20: memref<!tpu.dma_semaphore, #tpu.memory_space<semaphore_mem>>, %arg21: memref<!tpu.dma_semaphore, #tpu.memory_space<semaphore_mem>>) attributes {dimension_semantics = [#tpu.dimension_semantics<core_parallel>, #tpu.dimension_semantics<subcore_parallel>], iteration_bounds = array<i64: 2, 16>, scalar_prefetch = 0 : i64, scratch_operands = 15 : i64, tpu.core_type = #tpu.core_type<sc_vector_subcore>, window_params = [{transform_indices = #map}, {transform_indices = #map1}, {transform_indices = #map1}, {transform_indices = #map}, {transform_indices = #map}]} {
    %mul3A = arith.constant 640 : i32
    %mul3A_0 = arith.muli %arg1, %mul3A : i32
    %mul3A_1 = arith.constant 160 : i32
    %mul3A_2 = arith.muli %arg1, %mul3A_1 : i32
    %add3A = arith.constant 0 : i32
    %add3A_3 = arith.addi %mul3A_2, %add3A : i32
    %dma_start3A = arith.constant 0 : i32
    %dma_start3A_4 = arith.constant 0 : i32
    %dma_start3A_5 = arith.constant 0 : i32
    %dma_start3A_6 = tpu.memref_slice %arg7[%dma_start3A, %dma_start3A_4, %dma_start3A_5] : memref<3x16x128xi32, #tpu.memory_space<vmem>> -> memref<1x16x128xi32, #tpu.memory_space<vmem>>
    %dma_start3A_7 = tpu.memref_squeeze %dma_start3A_6 : memref<1x16x128xi32, #tpu.memory_space<vmem>> -> memref<16x128xi32, #tpu.memory_space<vmem>>
    %dma_start3A_8 = arith.constant 0 : i32
    %dma_start3A_9 = tpu.memref_slice %arg3[%add3A_3, %dma_start3A_8] : memref<2560x128xi32, #tpu.memory_space<hbm>> -> memref<16x128xi32, #tpu.memory_space<hbm>>
    %dma_start3A_10 = arith.constant 0 : i32
    %dma_start3A_11 = arith.constant 0 : i32
    %dma_start3A_12 = tpu.memref_slice %arg7[%dma_start3A, %dma_start3A_10, %dma_start3A_11] : memref<3x16x128xi32, #tpu.memory_space<vmem>> -> memref<1x16x128xi32, #tpu.memory_space<vmem>>
    %dma_start3A_13 = tpu.memref_squeeze %dma_start3A_12 : memref<1x16x128xi32, #tpu.memory_space<vmem>> -> memref<16x128xi32, #tpu.memory_space<vmem>>
    %dma_start3A_14 = arith.constant 0 : i32
    %dma_start3A_15 = tpu.memref_slice %arg3[%add3A_3, %dma_start3A_14] : memref<2560x128xi32, #tpu.memory_space<hbm>> -> memref<16x128xi32, #tpu.memory_space<hbm>>
    tpu.enqueue_dma source(%dma_start3A_15 : memref<16x128xi32, #tpu.memory_space<hbm>>) target(%dma_start3A_13 : memref<16x128xi32, #tpu.memory_space<vmem>>) target_semaphore(%arg16 : memref<!tpu.dma_semaphore, #tpu.memory_space<semaphore_mem>>)
    %mul3A_16 = arith.constant 160 : i32
    %mul3A_17 = arith.muli %arg1, %mul3A_16 : i32
    %add3A_18 = arith.constant 0 : i32
    %add3A_19 = arith.addi %mul3A_17, %add3A_18 : i32
    %dma_start3A_20 = arith.constant 0 : i32
    %dma_start3A_21 = arith.constant 0 : i32
    %dma_start3A_22 = arith.constant 0 : i32
    %dma_start3A_23 = tpu.memref_slice %arg8[%dma_start3A_20, %dma_start3A_21, %dma_start3A_22] : memref<3x16x128xi32, #tpu.memory_space<vmem>> -> memref<1x16x128xi32, #tpu.memory_space<vmem>>
    %dma_start3A_24 = tpu.memref_squeeze %dma_start3A_23 : memref<1x16x128xi32, #tpu.memory_space<vmem>> -> memref<16x128xi32, #tpu.memory_space<vmem>>
    %dma_start3A_25 = arith.constant 0 : i32
    %dma_start3A_26 = tpu.memref_slice %arg4[%add3A_19, %dma_start3A_25] : memref<2560x128xi32, #tpu.memory_space<hbm>> -> memref<16x128xi32, #tpu.memory_space<hbm>>
    %dma_start3A_27 = arith.constant 0 : i32
    %dma_start3A_28 = arith.constant 0 : i32
    %dma_start3A_29 = tpu.memref_slice %arg8[%dma_start3A_20, %dma_start3A_27, %dma_start3A_28] : memref<3x16x128xi32, #tpu.memory_space<vmem>> -> memref<1x16x128xi32, #tpu.memory_space<vmem>>
    %dma_start3A_30 = tpu.memref_squeeze %dma_start3A_29 : memref<1x16x128xi32, #tpu.memory_space<vmem>> -> memref<16x128xi32, #tpu.memory_space<vmem>>
    %dma_start3A_31 = arith.constant 0 : i32
    %dma_start3A_32 = tpu.memref_slice %arg4[%add3A_19, %dma_start3A_31] : memref<2560x128xi32, #tpu.memory_space<hbm>> -> memref<16x128xi32, #tpu.memory_space<hbm>>
    tpu.enqueue_dma source(%dma_start3A_32 : memref<16x128xi32, #tpu.memory_space<hbm>>) target(%dma_start3A_30 : memref<16x128xi32, #tpu.memory_space<vmem>>) target_semaphore(%arg16 : memref<!tpu.dma_semaphore, #tpu.memory_space<semaphore_mem>>)
    "tpu.region"() ({
      %run_scoped3A = tpu.sem_alloc : memref<!tpu.dma_semaphore, #tpu.memory_space<semaphore_mem>>
      %dma_start3A_211 = arith.constant 0 : i32
      %dma_start3A_212 = tpu.memref_slice %arg13[%mul3A_0, %dma_start3A_211] : memref<10240x64xf32, #tpu.memory_space<vmem_shared>> -> memref<640x64xf32, #tpu.memory_space<vmem_shared>>
      %dma_start3A_213 = arith.constant 0 : i32
      %dma_start3A_214 = tpu.memref_slice %arg2[%arg0, %mul3A_0, %dma_start3A_213] : memref<2x10240x64xf32, #tpu.memory_space<hbm>> -> memref<1x640x64xf32, #tpu.memory_space<hbm>>
      %dma_start3A_215 = tpu.memref_squeeze %dma_start3A_214 : memref<1x640x64xf32, #tpu.memory_space<hbm>> -> memref<640x64xf32, #tpu.memory_space<hbm>>
      tpu.enqueue_dma source(%dma_start3A_215 : memref<640x64xf32, #tpu.memory_space<hbm>>) target(%dma_start3A_212 : memref<640x64xf32, #tpu.memory_space<vmem_shared>>) target_semaphore(%run_scoped3A : memref<!tpu.dma_semaphore, #tpu.memory_space<semaphore_mem>>)
      %dma_wait3A_216 = arith.constant 0 : i32
      %dma_wait3A_217 = tpu.memref_slice %arg13[%mul3A_0, %dma_wait3A_216] : memref<10240x64xf32, #tpu.memory_space<vmem_shared>> -> memref<640x64xf32, #tpu.memory_space<vmem_shared>>
      %dma_wait3A_218 = arith.constant 0 : i32
      %dma_wait3A_219 = tpu.memref_slice %arg2[%arg0, %mul3A_0, %dma_wait3A_218] : memref<2x10240x64xf32, #tpu.memory_space<hbm>> -> memref<1x640x64xf32, #tpu.memory_space<hbm>>
      %dma_wait3A_220 = tpu.memref_squeeze %dma_wait3A_219 : memref<1x640x64xf32, #tpu.memory_space<hbm>> -> memref<640x64xf32, #tpu.memory_space<hbm>>
      tpu.wait_dma2 semaphore(%run_scoped3A : memref<!tpu.dma_semaphore, #tpu.memory_space<semaphore_mem>>) src(%dma_wait3A_220 : memref<640x64xf32, #tpu.memory_space<hbm>>) dst(%dma_wait3A_217 : memref<640x64xf32, #tpu.memory_space<vmem_shared>>)
      tpu.yield
    }) : () -> ()
    %broadcast_in_dim3A = arith.constant 0.000000e+00 : f32
    %broadcast_in_dim3A_33 = vector.broadcast %broadcast_in_dim3A : f32 to vector<16xf32>
    %scan3A = arith.constant 0 : i32
    %scan3A_34 = arith.constant 512 : i32
    %scan3A_35 = arith.addi %scan3A, %scan3A_34 : i32
    %scan3A_36 = arith.constant 1 : i32
    scf.for %scan3A_211 = %scan3A to %scan3A_35 step %scan3A_36  : i32 {
      %mul3A_212 = arith.constant 1 : i32
      %mul3A_213 = arith.muli %scan3A_211, %mul3A_212 : i32
      %add3A_214 = arith.constant 0 : i32
      %add3A_215 = arith.addi %add3A_214, %mul3A_213 : i32
      %jit3A = arith.constant 4 : i32
      %div3A = arith.divsi %add3A_215, %jit3A : i32
      %sign3A = arith.constant 0 : i32
      %sign3A_216 = arith.cmpi sgt, %add3A_215, %sign3A : i32
      %sign3A_217 = arith.extui %sign3A_216 : i1 to i32
      %sign3A_218 = arith.constant 0 : i32
      %sign3A_219 = arith.cmpi slt, %add3A_215, %sign3A_218 : i32
      %sign3A_220 = arith.extui %sign3A_219 : i1 to i32
      %sign3A_221 = arith.subi %sign3A_217, %sign3A_220 : i32
      %sign3A_222 = arith.constant 0 : i32
      %sign3A_223 = arith.cmpi sgt, %jit3A, %sign3A_222 : i32
      %sign3A_224 = arith.extui %sign3A_223 : i1 to i32
      %sign3A_225 = arith.constant 0 : i32
      %sign3A_226 = arith.cmpi slt, %jit3A, %sign3A_225 : i32
      %sign3A_227 = arith.extui %sign3A_226 : i1 to i32
      %sign3A_228 = arith.subi %sign3A_224, %sign3A_227 : i32
      %ne3A = arith.cmpi ne, %sign3A_221, %sign3A_228 : i32
      %rem3A = arith.remsi %add3A_215, %jit3A : i32
      %ne3A_229 = arith.constant 0 : i32
      %ne3A_230 = arith.cmpi ne, %rem3A, %ne3A_229 : i32
      %and3A = arith.andi %ne3A, %ne3A_230 : i1
      %sub3A = arith.constant 1 : i32
      %sub3A_231 = arith.subi %div3A, %sub3A : i32
      %select_n3A = arith.select %and3A, %sub3A_231, %div3A : i32
      %jit3A_232 = arith.constant 4 : i32
      %eq3A_233 = arith.constant 0 : i32
      %eq3A_234 = arith.cmpi eq, %jit3A_232, %eq3A_233 : i32
      %jit3A_235 = arith.constant 1 : i32
      %select_n3A_236 = arith.select %eq3A_234, %jit3A_235, %jit3A_232 : i32
      %rem3A_237 = arith.remsi %add3A_215, %select_n3A_236 : i32
      %ne3A_238 = arith.constant 0 : i32
      %ne3A_239 = arith.cmpi ne, %rem3A_237, %ne3A_238 : i32
      %lt3A = arith.constant 0 : i32
      %lt3A_240 = arith.cmpi slt, %rem3A_237, %lt3A : i32
      %lt3A_241 = arith.constant 0 : i32
      %lt3A_242 = arith.cmpi slt, %select_n3A_236, %lt3A_241 : i32
      %ne3A_243 = arith.xori %lt3A_240, %lt3A_242 : i1
      %and3A_244 = arith.andi %ne3A_243, %ne3A_239 : i1
      %add3A_245 = arith.addi %rem3A_237, %select_n3A_236 : i32
      %select_n3A_246 = arith.select %and3A_244, %add3A_245, %rem3A_237 : i32
      %mul3A_247 = arith.constant 16 : i32
      %mul3A_248 = arith.muli %select_n3A_246, %mul3A_247 : i32
      %swap3A = arith.index_cast %select_n3A : i32 to index
      %swap3A_249 = arith.index_cast %mul3A_248 : i32 to index
      %swap3A_250 = tpu.vector_load %arg9[%swap3A, %swap3A_249] {strides = array<i32>} : memref<128x64xf32, #tpu.memory_space<vmem>>, vector<1x16xf32>,
      %swap3A_251 = vector.shape_cast %swap3A_250 : vector<1x16xf32> to vector<16xf32>
      %swap3A_252 = vector.shape_cast %broadcast_in_dim3A_33 : vector<16xf32> to vector<1x16xf32>
      tpu.vector_store %arg9[%swap3A, %swap3A_249], %swap3A_252 {strides = array<i32>} : memref<128x64xf32, #tpu.memory_space<vmem>>, vector<1x16xf32>,
    }
    %scan3A_37 = arith.constant 512 : i32
    %scan3A_38 = arith.constant 0 : i32
    %scan3A_39 = arith.constant 128 : i32
    %scan3A_40 = arith.addi %scan3A_38, %scan3A_39 : i32
    %scan3A_41 = arith.constant 1 : i32
    scf.for %scan3A_211 = %scan3A_38 to %scan3A_40 step %scan3A_41  : i32 {
      %mul3A_212 = arith.constant 1 : i32
      %mul3A_213 = arith.muli %scan3A_211, %mul3A_212 : i32
      %add3A_214 = arith.constant 0 : i32
      %add3A_215 = arith.addi %add3A_214, %mul3A_213 : i32
      %swap3A = arith.index_cast %add3A_215 : i32 to index
      %swap3A_216 = arith.constant 0 : index
      %swap3A_217 = tpu.vector_load %arg12[%swap3A, %swap3A_216] {strides = array<i32>} : memref<128x16xf32, #tpu.memory_space<vmem>>, vector<1x16xf32>,
      %swap3A_218 = vector.shape_cast %swap3A_217 : vector<1x16xf32> to vector<16xf32>
      %swap3A_219 = vector.shape_cast %broadcast_in_dim3A_33 : vector<16xf32> to vector<1x16xf32>
      tpu.vector_store %arg12[%swap3A, %swap3A_216], %swap3A_219 {strides = array<i32>} : memref<128x16xf32, #tpu.memory_space<vmem>>, vector<1x16xf32>,
      %add3A_220 = arith.constant 1.000000e+00 : f32
      %add3A_221 = vector.broadcast %add3A_220 : f32 to vector<16xf32>
      %add3A_222 = arith.addf %broadcast_in_dim3A_33, %add3A_221 : vector<16xf32>
      %swap3A_223 = arith.index_cast %add3A_215 : i32 to index
      %swap3A_224 = arith.constant 0 : index
      %swap3A_225 = tpu.vector_load %arg11[%swap3A_223, %swap3A_224] {strides = array<i32>} : memref<128x16xf32, #tpu.memory_space<vmem>>, vector<1x16xf32>,
      %swap3A_226 = vector.shape_cast %swap3A_225 : vector<1x16xf32> to vector<16xf32>
      %swap3A_227 = vector.shape_cast %add3A_222 : vector<16xf32> to vector<1x16xf32>
      tpu.vector_store %arg11[%swap3A_223, %swap3A_224], %swap3A_227 {strides = array<i32>} : memref<128x16xf32, #tpu.memory_space<vmem>>, vector<1x16xf32>,
    }
    %scan3A_42 = arith.constant 128 : i32
    %add3A_43 = arith.constant 0 : i32
    %add3A_44 = arith.addi %mul3A_0, %add3A_43 : i32
    "tpu.region"() ({
      %run_scoped3A = tpu.sem_alloc : memref<!tpu.dma_semaphore, #tpu.memory_space<semaphore_mem>>
      %dma_start3A_211 = arith.constant 0 : i32
      %dma_start3A_212 = tpu.memref_slice %arg14[%add3A_44, %dma_start3A_211] : memref<10240x64xf32, #tpu.memory_space<vmem_shared>> -> memref<128x64xf32, #tpu.memory_space<vmem_shared>>
      %dma_start3A_213 = arith.constant 0 : i32
      %dma_start3A_214 = tpu.memref_slice %arg14[%add3A_44, %dma_start3A_213] : memref<10240x64xf32, #tpu.memory_space<vmem_shared>> -> memref<128x64xf32, #tpu.memory_space<vmem_shared>>
      tpu.enqueue_dma source(%arg9 : memref<128x64xf32, #tpu.memory_space<vmem>>) target(%dma_start3A_214 : memref<128x64xf32, #tpu.memory_space<vmem_shared>>) target_semaphore(%run_scoped3A : memref<!tpu.dma_semaphore, #tpu.memory_space<semaphore_mem>>)
      %dma_wait3A_215 = arith.constant 0 : i32
      %dma_wait3A_216 = tpu.memref_slice %arg14[%add3A_44, %dma_wait3A_215] : memref<10240x64xf32, #tpu.memory_space<vmem_shared>> -> memref<128x64xf32, #tpu.memory_space<vmem_shared>>
      %dma_wait3A_217 = arith.constant 0 : i32
      %dma_wait3A_218 = tpu.memref_slice %arg14[%add3A_44, %dma_wait3A_217] : memref<10240x64xf32, #tpu.memory_space<vmem_shared>> -> memref<128x64xf32, #tpu.memory_space<vmem_shared>>
      tpu.wait_dma2 semaphore(%run_scoped3A : memref<!tpu.dma_semaphore, #tpu.memory_space<semaphore_mem>>) src(%arg9 : memref<128x64xf32, #tpu.memory_space<vmem>>) dst(%dma_wait3A_218 : memref<128x64xf32, #tpu.memory_space<vmem_shared>>)
      tpu.yield
    }) : () -> ()
    %add3A_45 = arith.constant 0 : i32
    %add3A_46 = arith.addi %mul3A_0, %add3A_45 : i32
    "tpu.region"() ({
      %run_scoped3A = tpu.sem_alloc : memref<!tpu.dma_semaphore, #tpu.memory_space<semaphore_mem>>
      %dma_start3A_211 = arith.constant 0 : i32
      %dma_start3A_212 = tpu.memref_slice %arg15[%add3A_46, %dma_start3A_211] : memref<10240x16xf32, #tpu.memory_space<vmem_shared>> -> memref<128x16xf32, #tpu.memory_space<vmem_shared>>
      %dma_start3A_213 = arith.constant 0 : i32
      %dma_start3A_214 = tpu.memref_slice %arg15[%add3A_46, %dma_start3A_213] : memref<10240x16xf32, #tpu.memory_space<vmem_shared>> -> memref<128x16xf32, #tpu.memory_space<vmem_shared>>
      tpu.enqueue_dma source(%arg12 : memref<128x16xf32, #tpu.memory_space<vmem>>) target(%dma_start3A_214 : memref<128x16xf32, #tpu.memory_space<vmem_shared>>) target_semaphore(%run_scoped3A : memref<!tpu.dma_semaphore, #tpu.memory_space<semaphore_mem>>)
      %dma_wait3A_215 = arith.constant 0 : i32
      %dma_wait3A_216 = tpu.memref_slice %arg15[%add3A_46, %dma_wait3A_215] : memref<10240x16xf32, #tpu.memory_space<vmem_shared>> -> memref<128x16xf32, #tpu.memory_space<vmem_shared>>
      %dma_wait3A_217 = arith.constant 0 : i32
      %dma_wait3A_218 = tpu.memref_slice %arg15[%add3A_46, %dma_wait3A_217] : memref<10240x16xf32, #tpu.memory_space<vmem_shared>> -> memref<128x16xf32, #tpu.memory_space<vmem_shared>>
      tpu.wait_dma2 semaphore(%run_scoped3A : memref<!tpu.dma_semaphore, #tpu.memory_space<semaphore_mem>>) src(%arg12 : memref<128x16xf32, #tpu.memory_space<vmem>>) dst(%dma_wait3A_218 : memref<128x16xf32, #tpu.memory_space<vmem_shared>>)
      tpu.yield
    }) : () -> ()
    %add3A_47 = arith.constant 128 : i32
    %add3A_48 = arith.addi %mul3A_0, %add3A_47 : i32
    "tpu.region"() ({
      %run_scoped3A = tpu.sem_alloc : memref<!tpu.dma_semaphore, #tpu.memory_space<semaphore_mem>>
      %dma_start3A_211 = arith.constant 0 : i32
      %dma_start3A_212 = tpu.memref_slice %arg14[%add3A_48, %dma_start3A_211] : memref<10240x64xf32, #tpu.memory_space<vmem_shared>> -> memref<128x64xf32, #tpu.memory_space<vmem_shared>>
      %dma_start3A_213 = arith.constant 0 : i32
      %dma_start3A_214 = tpu.memref_slice %arg14[%add3A_48, %dma_start3A_213] : memref<10240x64xf32, #tpu.memory_space<vmem_shared>> -> memref<128x64xf32, #tpu.memory_space<vmem_shared>>
      tpu.enqueue_dma source(%arg9 : memref<128x64xf32, #tpu.memory_space<vmem>>) target(%dma_start3A_214 : memref<128x64xf32, #tpu.memory_space<vmem_shared>>) target_semaphore(%run_scoped3A : memref<!tpu.dma_semaphore, #tpu.memory_space<semaphore_mem>>)
      %dma_wait3A_215 = arith.constant 0 : i32
      %dma_wait3A_216 = tpu.memref_slice %arg14[%add3A_48, %dma_wait3A_215] : memref<10240x64xf32, #tpu.memory_space<vmem_shared>> -> memref<128x64xf32, #tpu.memory_space<vmem_shared>>
      %dma_wait3A_217 = arith.constant 0 : i32
      %dma_wait3A_218 = tpu.memref_slice %arg14[%add3A_48, %dma_wait3A_217] : memref<10240x64xf32, #tpu.memory_space<vmem_shared>> -> memref<128x64xf32, #tpu.memory_space<vmem_shared>>
      tpu.wait_dma2 semaphore(%run_scoped3A : memref<!tpu.dma_semaphore, #tpu.memory_space<semaphore_mem>>) src(%arg9 : memref<128x64xf32, #tpu.memory_space<vmem>>) dst(%dma_wait3A_218 : memref<128x64xf32, #tpu.memory_space<vmem_shared>>)
      tpu.yield
    }) : () -> ()
    %add3A_49 = arith.constant 128 : i32
    %add3A_50 = arith.addi %mul3A_0, %add3A_49 : i32
    "tpu.region"() ({
      %run_scoped3A = tpu.sem_alloc : memref<!tpu.dma_semaphore, #tpu.memory_space<semaphore_mem>>
      %dma_start3A_211 = arith.constant 0 : i32
      %dma_start3A_212 = tpu.memref_slice %arg15[%add3A_50, %dma_start3A_211] : memref<10240x16xf32, #tpu.memory_space<vmem_shared>> -> memref<128x16xf32, #tpu.memory_space<vmem_shared>>
      %dma_start3A_213 = arith.constant 0 : i32
      %dma_start3A_214 = tpu.memref_slice %arg15[%add3A_50, %dma_start3A_213] : memref<10240x16xf32, #tpu.memory_space<vmem_shared>> -> memref<128x16xf32, #tpu.memory_space<vmem_shared>>
      tpu.enqueue_dma source(%arg12 : memref<128x16xf32, #tpu.memory_space<vmem>>) target(%dma_start3A_214 : memref<128x16xf32, #tpu.memory_space<vmem_shared>>) target_semaphore(%run_scoped3A : memref<!tpu.dma_semaphore, #tpu.memory_space<semaphore_mem>>)
      %dma_wait3A_215 = arith.constant 0 : i32
      %dma_wait3A_216 = tpu.memref_slice %arg15[%add3A_50, %dma_wait3A_215] : memref<10240x16xf32, #tpu.memory_space<vmem_shared>> -> memref<128x16xf32, #tpu.memory_space<vmem_shared>>
      %dma_wait3A_217 = arith.constant 0 : i32
      %dma_wait3A_218 = tpu.memref_slice %arg15[%add3A_50, %dma_wait3A_217] : memref<10240x16xf32, #tpu.memory_space<vmem_shared>> -> memref<128x16xf32, #tpu.memory_space<vmem_shared>>
      tpu.wait_dma2 semaphore(%run_scoped3A : memref<!tpu.dma_semaphore, #tpu.memory_space<semaphore_mem>>) src(%arg12 : memref<128x16xf32, #tpu.memory_space<vmem>>) dst(%dma_wait3A_218 : memref<128x16xf32, #tpu.memory_space<vmem_shared>>)
      tpu.yield
    }) : () -> ()
    %add3A_51 = arith.constant 256 : i32
    %add3A_52 = arith.addi %mul3A_0, %add3A_51 : i32
    "tpu.region"() ({
      %run_scoped3A = tpu.sem_alloc : memref<!tpu.dma_semaphore, #tpu.memory_space<semaphore_mem>>
      %dma_start3A_211 = arith.constant 0 : i32
      %dma_start3A_212 = tpu.memref_slice %arg14[%add3A_52, %dma_start3A_211] : memref<10240x64xf32, #tpu.memory_space<vmem_shared>> -> memref<128x64xf32, #tpu.memory_space<vmem_shared>>
      %dma_start3A_213 = arith.constant 0 : i32
      %dma_start3A_214 = tpu.memref_slice %arg14[%add3A_52, %dma_start3A_213] : memref<10240x64xf32, #tpu.memory_space<vmem_shared>> -> memref<128x64xf32, #tpu.memory_space<vmem_shared>>
      tpu.enqueue_dma source(%arg9 : memref<128x64xf32, #tpu.memory_space<vmem>>) target(%dma_start3A_214 : memref<128x64xf32, #tpu.memory_space<vmem_shared>>) target_semaphore(%run_scoped3A : memref<!tpu.dma_semaphore, #tpu.memory_space<semaphore_mem>>)
      %dma_wait3A_215 = arith.constant 0 : i32
      %dma_wait3A_216 = tpu.memref_slice %arg14[%add3A_52, %dma_wait3A_215] : memref<10240x64xf32, #tpu.memory_space<vmem_shared>> -> memref<128x64xf32, #tpu.memory_space<vmem_shared>>
      %dma_wait3A_217 = arith.constant 0 : i32
      %dma_wait3A_218 = tpu.memref_slice %arg14[%add3A_52, %dma_wait3A_217] : memref<10240x64xf32, #tpu.memory_space<vmem_shared>> -> memref<128x64xf32, #tpu.memory_space<vmem_shared>>
      tpu.wait_dma2 semaphore(%run_scoped3A : memref<!tpu.dma_semaphore, #tpu.memory_space<semaphore_mem>>) src(%arg9 : memref<128x64xf32, #tpu.memory_space<vmem>>) dst(%dma_wait3A_218 : memref<128x64xf32, #tpu.memory_space<vmem_shared>>)
      tpu.yield
    }) : () -> ()
    %add3A_53 = arith.constant 256 : i32
    %add3A_54 = arith.addi %mul3A_0, %add3A_53 : i32
    "tpu.region"() ({
      %run_scoped3A = tpu.sem_alloc : memref<!tpu.dma_semaphore, #tpu.memory_space<semaphore_mem>>
      %dma_start3A_211 = arith.constant 0 : i32
      %dma_start3A_212 = tpu.memref_slice %arg15[%add3A_54, %dma_start3A_211] : memref<10240x16xf32, #tpu.memory_space<vmem_shared>> -> memref<128x16xf32, #tpu.memory_space<vmem_shared>>
      %dma_start3A_213 = arith.constant 0 : i32
      %dma_start3A_214 = tpu.memref_slice %arg15[%add3A_54, %dma_start3A_213] : memref<10240x16xf32, #tpu.memory_space<vmem_shared>> -> memref<128x16xf32, #tpu.memory_space<vmem_shared>>
      tpu.enqueue_dma source(%arg12 : memref<128x16xf32, #tpu.memory_space<vmem>>) target(%dma_start3A_214 : memref<128x16xf32, #tpu.memory_space<vmem_shared>>) target_semaphore(%run_scoped3A : memref<!tpu.dma_semaphore, #tpu.memory_space<semaphore_mem>>)
      %dma_wait3A_215 = arith.constant 0 : i32
      %dma_wait3A_216 = tpu.memref_slice %arg15[%add3A_54, %dma_wait3A_215] : memref<10240x16xf32, #tpu.memory_space<vmem_shared>> -> memref<128x16xf32, #tpu.memory_space<vmem_shared>>
      %dma_wait3A_217 = arith.constant 0 : i32
      %dma_wait3A_218 = tpu.memref_slice %arg15[%add3A_54, %dma_wait3A_217] : memref<10240x16xf32, #tpu.memory_space<vmem_shared>> -> memref<128x16xf32, #tpu.memory_space<vmem_shared>>
      tpu.wait_dma2 semaphore(%run_scoped3A : memref<!tpu.dma_semaphore, #tpu.memory_space<semaphore_mem>>) src(%arg12 : memref<128x16xf32, #tpu.memory_space<vmem>>) dst(%dma_wait3A_218 : memref<128x16xf32, #tpu.memory_space<vmem_shared>>)
      tpu.yield
    }) : () -> ()
    %add3A_55 = arith.constant 384 : i32
    %add3A_56 = arith.addi %mul3A_0, %add3A_55 : i32
    "tpu.region"() ({
      %run_scoped3A = tpu.sem_alloc : memref<!tpu.dma_semaphore, #tpu.memory_space<semaphore_mem>>
      %dma_start3A_211 = arith.constant 0 : i32
      %dma_start3A_212 = tpu.memref_slice %arg14[%add3A_56, %dma_start3A_211] : memref<10240x64xf32, #tpu.memory_space<vmem_shared>> -> memref<128x64xf32, #tpu.memory_space<vmem_shared>>
      %dma_start3A_213 = arith.constant 0 : i32
      %dma_start3A_214 = tpu.memref_slice %arg14[%add3A_56, %dma_start3A_213] : memref<10240x64xf32, #tpu.memory_space<vmem_shared>> -> memref<128x64xf32, #tpu.memory_space<vmem_shared>>
      tpu.enqueue_dma source(%arg9 : memref<128x64xf32, #tpu.memory_space<vmem>>) target(%dma_start3A_214 : memref<128x64xf32, #tpu.memory_space<vmem_shared>>) target_semaphore(%run_scoped3A : memref<!tpu.dma_semaphore, #tpu.memory_space<semaphore_mem>>)
      %dma_wait3A_215 = arith.constant 0 : i32
      %dma_wait3A_216 = tpu.memref_slice %arg14[%add3A_56, %dma_wait3A_215] : memref<10240x64xf32, #tpu.memory_space<vmem_shared>> -> memref<128x64xf32, #tpu.memory_space<vmem_shared>>
      %dma_wait3A_217 = arith.constant 0 : i32
      %dma_wait3A_218 = tpu.memref_slice %arg14[%add3A_56, %dma_wait3A_217] : memref<10240x64xf32, #tpu.memory_space<vmem_shared>> -> memref<128x64xf32, #tpu.memory_space<vmem_shared>>
      tpu.wait_dma2 semaphore(%run_scoped3A : memref<!tpu.dma_semaphore, #tpu.memory_space<semaphore_mem>>) src(%arg9 : memref<128x64xf32, #tpu.memory_space<vmem>>) dst(%dma_wait3A_218 : memref<128x64xf32, #tpu.memory_space<vmem_shared>>)
      tpu.yield
    }) : () -> ()
    %add3A_57 = arith.constant 384 : i32
    %add3A_58 = arith.addi %mul3A_0, %add3A_57 : i32
    "tpu.region"() ({
      %run_scoped3A = tpu.sem_alloc : memref<!tpu.dma_semaphore, #tpu.memory_space<semaphore_mem>>
      %dma_start3A_211 = arith.constant 0 : i32
      %dma_start3A_212 = tpu.memref_slice %arg15[%add3A_58, %dma_start3A_211] : memref<10240x16xf32, #tpu.memory_space<vmem_shared>> -> memref<128x16xf32, #tpu.memory_space<vmem_shared>>
      %dma_start3A_213 = arith.constant 0 : i32
      %dma_start3A_214 = tpu.memref_slice %arg15[%add3A_58, %dma_start3A_213] : memref<10240x16xf32, #tpu.memory_space<vmem_shared>> -> memref<128x16xf32, #tpu.memory_space<vmem_shared>>
      tpu.enqueue_dma source(%arg12 : memref<128x16xf32, #tpu.memory_space<vmem>>) target(%dma_start3A_214 : memref<128x16xf32, #tpu.memory_space<vmem_shared>>) target_semaphore(%run_scoped3A : memref<!tpu.dma_semaphore, #tpu.memory_space<semaphore_mem>>)
      %dma_wait3A_215 = arith.constant 0 : i32
      %dma_wait3A_216 = tpu.memref_slice %arg15[%add3A_58, %dma_wait3A_215] : memref<10240x16xf32, #tpu.memory_space<vmem_shared>> -> memref<128x16xf32, #tpu.memory_space<vmem_shared>>
      %dma_wait3A_217 = arith.constant 0 : i32
      %dma_wait3A_218 = tpu.memref_slice %arg15[%add3A_58, %dma_wait3A_217] : memref<10240x16xf32, #tpu.memory_space<vmem_shared>> -> memref<128x16xf32, #tpu.memory_space<vmem_shared>>
      tpu.wait_dma2 semaphore(%run_scoped3A : memref<!tpu.dma_semaphore, #tpu.memory_space<semaphore_mem>>) src(%arg12 : memref<128x16xf32, #tpu.memory_space<vmem>>) dst(%dma_wait3A_218 : memref<128x16xf32, #tpu.memory_space<vmem_shared>>)
      tpu.yield
    }) : () -> ()
    %add3A_59 = arith.constant 512 : i32
    %add3A_60 = arith.addi %mul3A_0, %add3A_59 : i32
    "tpu.region"() ({
      %run_scoped3A = tpu.sem_alloc : memref<!tpu.dma_semaphore, #tpu.memory_space<semaphore_mem>>
      %dma_start3A_211 = arith.constant 0 : i32
      %dma_start3A_212 = tpu.memref_slice %arg14[%add3A_60, %dma_start3A_211] : memref<10240x64xf32, #tpu.memory_space<vmem_shared>> -> memref<128x64xf32, #tpu.memory_space<vmem_shared>>
      %dma_start3A_213 = arith.constant 0 : i32
      %dma_start3A_214 = tpu.memref_slice %arg14[%add3A_60, %dma_start3A_213] : memref<10240x64xf32, #tpu.memory_space<vmem_shared>> -> memref<128x64xf32, #tpu.memory_space<vmem_shared>>
      tpu.enqueue_dma source(%arg9 : memref<128x64xf32, #tpu.memory_space<vmem>>) target(%dma_start3A_214 : memref<128x64xf32, #tpu.memory_space<vmem_shared>>) target_semaphore(%run_scoped3A : memref<!tpu.dma_semaphore, #tpu.memory_space<semaphore_mem>>)
      %dma_wait3A_215 = arith.constant 0 : i32
      %dma_wait3A_216 = tpu.memref_slice %arg14[%add3A_60, %dma_wait3A_215] : memref<10240x64xf32, #tpu.memory_space<vmem_shared>> -> memref<128x64xf32, #tpu.memory_space<vmem_shared>>
      %dma_wait3A_217 = arith.constant 0 : i32
      %dma_wait3A_218 = tpu.memref_slice %arg14[%add3A_60, %dma_wait3A_217] : memref<10240x64xf32, #tpu.memory_space<vmem_shared>> -> memref<128x64xf32, #tpu.memory_space<vmem_shared>>
      tpu.wait_dma2 semaphore(%run_scoped3A : memref<!tpu.dma_semaphore, #tpu.memory_space<semaphore_mem>>) src(%arg9 : memref<128x64xf32, #tpu.memory_space<vmem>>) dst(%dma_wait3A_218 : memref<128x64xf32, #tpu.memory_space<vmem_shared>>)
      tpu.yield
    }) : () -> ()
    %add3A_61 = arith.constant 512 : i32
    %add3A_62 = arith.addi %mul3A_0, %add3A_61 : i32
    "tpu.region"() ({
      %run_scoped3A = tpu.sem_alloc : memref<!tpu.dma_semaphore, #tpu.memory_space<semaphore_mem>>
      %dma_start3A_211 = arith.constant 0 : i32
      %dma_start3A_212 = tpu.memref_slice %arg15[%add3A_62, %dma_start3A_211] : memref<10240x16xf32, #tpu.memory_space<vmem_shared>> -> memref<128x16xf32, #tpu.memory_space<vmem_shared>>
      %dma_start3A_213 = arith.constant 0 : i32
      %dma_start3A_214 = tpu.memref_slice %arg15[%add3A_62, %dma_start3A_213] : memref<10240x16xf32, #tpu.memory_space<vmem_shared>> -> memref<128x16xf32, #tpu.memory_space<vmem_shared>>
      tpu.enqueue_dma source(%arg12 : memref<128x16xf32, #tpu.memory_space<vmem>>) target(%dma_start3A_214 : memref<128x16xf32, #tpu.memory_space<vmem_shared>>) target_semaphore(%run_scoped3A : memref<!tpu.dma_semaphore, #tpu.memory_space<semaphore_mem>>)
      %dma_wait3A_215 = arith.constant 0 : i32
      %dma_wait3A_216 = tpu.memref_slice %arg15[%add3A_62, %dma_wait3A_215] : memref<10240x16xf32, #tpu.memory_space<vmem_shared>> -> memref<128x16xf32, #tpu.memory_space<vmem_shared>>
      %dma_wait3A_217 = arith.constant 0 : i32
      %dma_wait3A_218 = tpu.memref_slice %arg15[%add3A_62, %dma_wait3A_217] : memref<10240x16xf32, #tpu.memory_space<vmem_shared>> -> memref<128x16xf32, #tpu.memory_space<vmem_shared>>
      tpu.wait_dma2 semaphore(%run_scoped3A : memref<!tpu.dma_semaphore, #tpu.memory_space<semaphore_mem>>) src(%arg12 : memref<128x16xf32, #tpu.memory_space<vmem>>) dst(%dma_wait3A_218 : memref<128x16xf32, #tpu.memory_space<vmem_shared>>)
      tpu.yield
    }) : () -> ()
    %barrier3A = arith.constant 0 : index
    tpu.barrier barrier_id(%barrier3A)
    %dma_wait3A = arith.constant 0 : i32
    %dma_wait3A_63 = arith.constant 0 : i32
    %dma_wait3A_64 = arith.constant 0 : i32
    %dma_wait3A_65 = tpu.memref_slice %arg7[%dma_wait3A, %dma_wait3A_63, %dma_wait3A_64] : memref<3x16x128xi32, #tpu.memory_space<vmem>> -> memref<1x16x128xi32, #tpu.memory_space<vmem>>
    %dma_wait3A_66 = tpu.memref_squeeze %dma_wait3A_65 : memref<1x16x128xi32, #tpu.memory_space<vmem>> -> memref<16x128xi32, #tpu.memory_space<vmem>>
    %dma_wait3A_67 = arith.constant 0 : i32
    %dma_wait3A_68 = arith.constant 0 : i32
    %dma_wait3A_69 = tpu.memref_slice %arg3[%dma_wait3A_67, %dma_wait3A_68] : memref<2560x128xi32, #tpu.memory_space<hbm>> -> memref<16x128xi32, #tpu.memory_space<hbm>>
    %dma_wait3A_70 = arith.constant 0 : i32
    %dma_wait3A_71 = arith.constant 0 : i32
    %dma_wait3A_72 = tpu.memref_slice %arg7[%dma_wait3A, %dma_wait3A_70, %dma_wait3A_71] : memref<3x16x128xi32, #tpu.memory_space<vmem>> -> memref<1x16x128xi32, #tpu.memory_space<vmem>>
    %dma_wait3A_73 = tpu.memref_squeeze %dma_wait3A_72 : memref<1x16x128xi32, #tpu.memory_space<vmem>> -> memref<16x128xi32, #tpu.memory_space<vmem>>
    %dma_wait3A_74 = arith.constant 0 : i32
    %dma_wait3A_75 = arith.constant 0 : i32
    %dma_wait3A_76 = tpu.memref_slice %arg3[%dma_wait3A_74, %dma_wait3A_75] : memref<2560x128xi32, #tpu.memory_space<hbm>> -> memref<16x128xi32, #tpu.memory_space<hbm>>
    tpu.wait_dma2 semaphore(%arg16 : memref<!tpu.dma_semaphore, #tpu.memory_space<semaphore_mem>>) src(%dma_wait3A_76 : memref<16x128xi32, #tpu.memory_space<hbm>>) dst(%dma_wait3A_73 : memref<16x128xi32, #tpu.memory_space<vmem>>)
    %dma_wait3A_77 = arith.constant 0 : i32
    %dma_wait3A_78 = arith.constant 0 : i32
    %dma_wait3A_79 = arith.constant 0 : i32
    %dma_wait3A_80 = tpu.memref_slice %arg8[%dma_wait3A_77, %dma_wait3A_78, %dma_wait3A_79] : memref<3x16x128xi32, #tpu.memory_space<vmem>> -> memref<1x16x128xi32, #tpu.memory_space<vmem>>
    %dma_wait3A_81 = tpu.memref_squeeze %dma_wait3A_80 : memref<1x16x128xi32, #tpu.memory_space<vmem>> -> memref<16x128xi32, #tpu.memory_space<vmem>>
    %dma_wait3A_82 = arith.constant 0 : i32
    %dma_wait3A_83 = arith.constant 0 : i32
    %dma_wait3A_84 = tpu.memref_slice %arg4[%dma_wait3A_82, %dma_wait3A_83] : memref<2560x128xi32, #tpu.memory_space<hbm>> -> memref<16x128xi32, #tpu.memory_space<hbm>>
    %dma_wait3A_85 = arith.constant 0 : i32
    %dma_wait3A_86 = arith.constant 0 : i32
    %dma_wait3A_87 = tpu.memref_slice %arg8[%dma_wait3A_77, %dma_wait3A_85, %dma_wait3A_86] : memref<3x16x128xi32, #tpu.memory_space<vmem>> -> memref<1x16x128xi32, #tpu.memory_space<vmem>>
    %dma_wait3A_88 = tpu.memref_squeeze %dma_wait3A_87 : memref<1x16x128xi32, #tpu.memory_space<vmem>> -> memref<16x128xi32, #tpu.memory_space<vmem>>
    %dma_wait3A_89 = arith.constant 0 : i32
    %dma_wait3A_90 = arith.constant 0 : i32
    %dma_wait3A_91 = tpu.memref_slice %arg4[%dma_wait3A_89, %dma_wait3A_90] : memref<2560x128xi32, #tpu.memory_space<hbm>> -> memref<16x128xi32, #tpu.memory_space<hbm>>
    tpu.wait_dma2 semaphore(%arg16 : memref<!tpu.dma_semaphore, #tpu.memory_space<semaphore_mem>>) src(%dma_wait3A_91 : memref<16x128xi32, #tpu.memory_space<hbm>>) dst(%dma_wait3A_88 : memref<16x128xi32, #tpu.memory_space<vmem>>)
    %mul3A_92 = arith.constant 160 : i32
    %mul3A_93 = arith.muli %arg1, %mul3A_92 : i32
    %add3A_94 = arith.constant 16 : i32
    %add3A_95 = arith.addi %mul3A_93, %add3A_94 : i32
    %dma_start3A_96 = arith.constant 1 : i32
    %dma_start3A_97 = arith.constant 0 : i32
    %dma_start3A_98 = arith.constant 0 : i32
    %dma_start3A_99 = tpu.memref_slice %arg7[%dma_start3A_96, %dma_start3A_97, %dma_start3A_98] : memref<3x16x128xi32, #tpu.memory_space<vmem>> -> memref<1x16x128xi32, #tpu.memory_space<vmem>>
    %dma_start3A_100 = tpu.memref_squeeze %dma_start3A_99 : memref<1x16x128xi32, #tpu.memory_space<vmem>> -> memref<16x128xi32, #tpu.memory_space<vmem>>
    %dma_start3A_101 = arith.constant 0 : i32
    %dma_start3A_102 = tpu.memref_slice %arg3[%add3A_95, %dma_start3A_101] : memref<2560x128xi32, #tpu.memory_space<hbm>> -> memref<16x128xi32, #tpu.memory_space<hbm>>
    %dma_start3A_103 = arith.constant 0 : i32
    %dma_start3A_104 = arith.constant 0 : i32
    %dma_start3A_105 = tpu.memref_slice %arg7[%dma_start3A_96, %dma_start3A_103, %dma_start3A_104] : memref<3x16x128xi32, #tpu.memory_space<vmem>> -> memref<1x16x128xi32, #tpu.memory_space<vmem>>
    %dma_start3A_106 = tpu.memref_squeeze %dma_start3A_105 : memref<1x16x128xi32, #tpu.memory_space<vmem>> -> memref<16x128xi32, #tpu.memory_space<vmem>>
    %dma_start3A_107 = arith.constant 0 : i32
    %dma_start3A_108 = tpu.memref_slice %arg3[%add3A_95, %dma_start3A_107] : memref<2560x128xi32, #tpu.memory_space<hbm>> -> memref<16x128xi32, #tpu.memory_space<hbm>>
    tpu.enqueue_dma source(%dma_start3A_108 : memref<16x128xi32, #tpu.memory_space<hbm>>) target(%dma_start3A_106 : memref<16x128xi32, #tpu.memory_space<vmem>>) target_semaphore(%arg16 : memref<!tpu.dma_semaphore, #tpu.memory_space<semaphore_mem>>)
    %mul3A_109 = arith.constant 160 : i32
    %mul3A_110 = arith.muli %arg1, %mul3A_109 : i32
    %add3A_111 = arith.constant 16 : i32
    %add3A_112 = arith.addi %mul3A_110, %add3A_111 : i32
    %dma_start3A_113 = arith.constant 1 : i32
    %dma_start3A_114 = arith.constant 0 : i32
    %dma_start3A_115 = arith.constant 0 : i32
    %dma_start3A_116 = tpu.memref_slice %arg8[%dma_start3A_113, %dma_start3A_114, %dma_start3A_115] : memref<3x16x128xi32, #tpu.memory_space<vmem>> -> memref<1x16x128xi32, #tpu.memory_space<vmem>>
    %dma_start3A_117 = tpu.memref_squeeze %dma_start3A_116 : memref<1x16x128xi32, #tpu.memory_space<vmem>> -> memref<16x128xi32, #tpu.memory_space<vmem>>
    %dma_start3A_118 = arith.constant 0 : i32
    %dma_start3A_119 = tpu.memref_slice %arg4[%add3A_112, %dma_start3A_118] : memref<2560x128xi32, #tpu.memory_space<hbm>> -> memref<16x128xi32, #tpu.memory_space<hbm>>
    %dma_start3A_120 = arith.constant 0 : i32
    %dma_start3A_121 = arith.constant 0 : i32
    %dma_start3A_122 = tpu.memref_slice %arg8[%dma_start3A_113, %dma_start3A_120, %dma_start3A_121] : memref<3x16x128xi32, #tpu.memory_space<vmem>> -> memref<1x16x128xi32, #tpu.memory_space<vmem>>
    %dma_start3A_123 = tpu.memref_squeeze %dma_start3A_122 : memref<1x16x128xi32, #tpu.memory_space<vmem>> -> memref<16x128xi32, #tpu.memory_space<vmem>>
    %dma_start3A_124 = arith.constant 0 : i32
    %dma_start3A_125 = tpu.memref_slice %arg4[%add3A_112, %dma_start3A_124] : memref<2560x128xi32, #tpu.memory_space<hbm>> -> memref<16x128xi32, #tpu.memory_space<hbm>>
    tpu.enqueue_dma source(%dma_start3A_125 : memref<16x128xi32, #tpu.memory_space<hbm>>) target(%dma_start3A_123 : memref<16x128xi32, #tpu.memory_space<vmem>>) target_semaphore(%arg16 : memref<!tpu.dma_semaphore, #tpu.memory_space<semaphore_mem>>)
    %dma_start3A_126 = arith.constant 0 : i32
    %dma_start3A_127 = arith.constant 0 : i32
    %dma_start3A_128 = arith.constant 0 : i32
    %dma_start3A_129 = tpu.memref_slice %arg7[%dma_start3A_126, %dma_start3A_127, %dma_start3A_128] : memref<3x16x128xi32, #tpu.memory_space<vmem>> -> memref<1x1x128xi32, #tpu.memory_space<vmem>>
    %dma_start3A_130 = tpu.memref_squeeze %dma_start3A_129 : memref<1x1x128xi32, #tpu.memory_space<vmem>> -> memref<128xi32, #tpu.memory_space<vmem>>
    %dma_start3A_131 = arith.constant 0 : i32
    %dma_start3A_132 = arith.constant 0 : i32
    %dma_start3A_133 = tpu.memref_slice %arg13[%dma_start3A_131, %dma_start3A_132] : memref<10240x64xf32, #tpu.memory_space<vmem_shared>> -> memref<10240x64xf32, #tpu.memory_space<vmem_shared>>
    tpu.enqueue_indirect_dma source(%dma_start3A_133 : memref<10240x64xf32, #tpu.memory_space<vmem_shared>>) target(%arg9 : memref<128x64xf32, #tpu.memory_space<vmem>>) offsets(%dma_start3A_130 : memref<128xi32, #tpu.memory_space<vmem>>) semaphore(%arg17 : memref<!tpu.dma_semaphore, #tpu.memory_space<semaphore_mem>>)
    %dma_start3A_134 = arith.constant 0 : i32
    %dma_start3A_135 = arith.constant 1 : i32
    %dma_start3A_136 = arith.constant 0 : i32
    %dma_start3A_137 = tpu.memref_slice %arg7[%dma_start3A_134, %dma_start3A_135, %dma_start3A_136] : memref<3x16x128xi32, #tpu.memory_space<vmem>> -> memref<1x1x128xi32, #tpu.memory_space<vmem>>
    %dma_start3A_138 = tpu.memref_squeeze %dma_start3A_137 : memref<1x1x128xi32, #tpu.memory_space<vmem>> -> memref<128xi32, #tpu.memory_space<vmem>>
    %dma_start3A_139 = arith.constant 0 : i32
    %dma_start3A_140 = arith.constant 0 : i32
    %dma_start3A_141 = tpu.memref_slice %arg13[%dma_start3A_139, %dma_start3A_140] : memref<10240x64xf32, #tpu.memory_space<vmem_shared>> -> memref<10240x64xf32, #tpu.memory_space<vmem_shared>>
    tpu.enqueue_indirect_dma source(%dma_start3A_141 : memref<10240x64xf32, #tpu.memory_space<vmem_shared>>) target(%arg10 : memref<128x64xf32, #tpu.memory_space<vmem>>) offsets(%dma_start3A_138 : memref<128xi32, #tpu.memory_space<vmem>>) semaphore(%arg18 : memref<!tpu.dma_semaphore, #tpu.memory_space<semaphore_mem>>)
    %dma_wait3A_142 = arith.constant 0 : i32
    %dma_wait3A_143 = arith.constant 0 : i32
    %dma_wait3A_144 = arith.constant 0 : i32
    %dma_wait3A_145 = tpu.memref_slice %arg7[%dma_wait3A_142, %dma_wait3A_143, %dma_wait3A_144] : memref<3x16x128xi32, #tpu.memory_space<vmem>> -> memref<1x1x128xi32, #tpu.memory_space<vmem>>
    %dma_wait3A_146 = tpu.memref_squeeze %dma_wait3A_145 : memref<1x1x128xi32, #tpu.memory_space<vmem>> -> memref<128xi32, #tpu.memory_space<vmem>>
    %dma_wait3A_147 = arith.constant 0 : i32
    %dma_wait3A_148 = arith.constant 0 : i32
    %dma_wait3A_149 = tpu.memref_slice %arg13[%dma_wait3A_147, %dma_wait3A_148] : memref<10240x64xf32, #tpu.memory_space<vmem_shared>> -> memref<10240x64xf32, #tpu.memory_space<vmem_shared>>
    tpu.wait_indirect_dma semaphore(%arg17 : memref<!tpu.dma_semaphore, #tpu.memory_space<semaphore_mem>>) src(%dma_wait3A_149 : memref<10240x64xf32, #tpu.memory_space<vmem_shared>>) dst(%arg9 : memref<128x64xf32, #tpu.memory_space<vmem>>)
    %dma_start3A_150 = arith.constant 0 : i32
    %dma_start3A_151 = arith.constant 0 : i32
    %dma_start3A_152 = arith.constant 0 : i32
    %dma_start3A_153 = tpu.memref_slice %arg8[%dma_start3A_150, %dma_start3A_151, %dma_start3A_152] : memref<3x16x128xi32, #tpu.memory_space<vmem>> -> memref<1x1x128xi32, #tpu.memory_space<vmem>>
    %dma_start3A_154 = tpu.memref_squeeze %dma_start3A_153 : memref<1x1x128xi32, #tpu.memory_space<vmem>> -> memref<128xi32, #tpu.memory_space<vmem>>
    %dma_start3A_155 = arith.constant 0 : i32
    %dma_start3A_156 = arith.constant 0 : i32
    %dma_start3A_157 = tpu.memref_slice %arg14[%dma_start3A_155, %dma_start3A_156] : memref<10240x64xf32, #tpu.memory_space<vmem_shared>> -> memref<10240x64xf32, #tpu.memory_space<vmem_shared>>
    tpu.enqueue_indirect_dma source(%arg9 : memref<128x64xf32, #tpu.memory_space<vmem>>) target(%dma_start3A_157 : memref<10240x64xf32, #tpu.memory_space<vmem_shared>>) offsets(%dma_start3A_154 : memref<128xi32, #tpu.memory_space<vmem>>) semaphore(%arg19 : memref<!tpu.dma_semaphore, #tpu.memory_space<semaphore_mem>>) {add = true}
    %eq3A = arith.constant 0 : i32
    %eq3A_158 = arith.cmpi eq, %arg0, %eq3A : i32
    %convert_element_type3A = arith.extui %eq3A_158 : i1 to i32
    %cond3A = arith.constant 0 : i32
    %cond3A_159 = arith.cmpi ne, %convert_element_type3A, %cond3A : i32
    scf.if %cond3A_159 {
      %dma_start3A_211 = arith.constant 0 : i32
      %dma_start3A_212 = arith.constant 0 : i32
      %dma_start3A_213 = arith.constant 0 : i32
      %dma_start3A_214 = tpu.memref_slice %arg8[%dma_start3A_211, %dma_start3A_212, %dma_start3A_213] : memref<3x16x128xi32, #tpu.memory_space<vmem>> -> memref<1x1x128xi32, #tpu.memory_space<vmem>>
      %dma_start3A_215 = tpu.memref_squeeze %dma_start3A_214 : memref<1x1x128xi32, #tpu.memory_space<vmem>> -> memref<128xi32, #tpu.memory_space<vmem>>
      %dma_start3A_216 = arith.constant 0 : i32
      %dma_start3A_217 = arith.constant 0 : i32
      %dma_start3A_218 = tpu.memref_slice %arg15[%dma_start3A_216, %dma_start3A_217] : memref<10240x16xf32, #tpu.memory_space<vmem_shared>> -> memref<10240x16xf32, #tpu.memory_space<vmem_shared>>
      tpu.enqueue_indirect_dma source(%arg11 : memref<128x16xf32, #tpu.memory_space<vmem>>) target(%dma_start3A_218 : memref<10240x16xf32, #tpu.memory_space<vmem_shared>>) offsets(%dma_start3A_215 : memref<128xi32, #tpu.memory_space<vmem>>) semaphore(%arg21 : memref<!tpu.dma_semaphore, #tpu.memory_space<semaphore_mem>>) {add = true}
    } else {
    }
    %scan3A_160 = arith.constant 0 : i32
    %scan3A_161 = arith.constant 79 : i32
    %scan3A_162 = arith.addi %scan3A_160, %scan3A_161 : i32
    %scan3A_163 = arith.constant 1 : i32
    scf.for %scan3A_211 = %scan3A_160 to %scan3A_162 step %scan3A_163  : i32 {
      %mul3A_212 = arith.constant 1 : i32
      %mul3A_213 = arith.muli %scan3A_211, %mul3A_212 : i32
      %add3A_214 = arith.constant 0 : i32
      %add3A_215 = arith.addi %add3A_214, %mul3A_213 : i32
      %mul3A_216 = arith.constant 2 : i32
      %mul3A_217 = arith.muli %mul3A_216, %add3A_215 : i32
      %add3A_218 = arith.constant 1 : i32
      %add3A_219 = arith.addi %mul3A_217, %add3A_218 : i32
      %jit3A = arith.constant 16 : i32
      %eq3A_220 = arith.constant 0 : i32
      %eq3A_221 = arith.cmpi eq, %jit3A, %eq3A_220 : i32
      %jit3A_222 = arith.constant 1 : i32
      %select_n3A = arith.select %eq3A_221, %jit3A_222, %jit3A : i32
      %rem3A = arith.remsi %add3A_219, %select_n3A : i32
      %ne3A = arith.constant 0 : i32
      %ne3A_223 = arith.cmpi ne, %rem3A, %ne3A : i32
      %lt3A = arith.constant 0 : i32
      %lt3A_224 = arith.cmpi slt, %rem3A, %lt3A : i32
      %lt3A_225 = arith.constant 0 : i32
      %lt3A_226 = arith.cmpi slt, %select_n3A, %lt3A_225 : i32
      %ne3A_227 = arith.xori %lt3A_224, %lt3A_226 : i1
      %and3A = arith.andi %ne3A_227, %ne3A_223 : i1
      %add3A_228 = arith.addi %rem3A, %select_n3A : i32
      %select_n3A_229 = arith.select %and3A, %add3A_228, %rem3A : i32
      %eq3A_230 = arith.constant 15 : i32
      %eq3A_231 = arith.cmpi eq, %select_n3A_229, %eq3A_230 : i32
      %convert_element_type3A_232 = arith.extui %eq3A_231 : i1 to i32
      %cond3A_233 = arith.constant 0 : i32
      %cond3A_234 = arith.cmpi ne, %convert_element_type3A_232, %cond3A_233 : i32
      scf.if %cond3A_234 {
        %dma_wait3A_537 = arith.constant 0 : i32
        %dma_wait3A_538 = arith.constant 0 : i32
        %dma_wait3A_539 = arith.constant 0 : i32
        %dma_wait3A_540 = tpu.memref_slice %arg7[%dma_wait3A_537, %dma_wait3A_538, %dma_wait3A_539] : memref<3x16x128xi32, #tpu.memory_space<vmem>> -> memref<1x16x128xi32, #tpu.memory_space<vmem>>
        %dma_wait3A_541 = tpu.memref_squeeze %dma_wait3A_540 : memref<1x16x128xi32, #tpu.memory_space<vmem>> -> memref<16x128xi32, #tpu.memory_space<vmem>>
        %dma_wait3A_542 = arith.constant 0 : i32
        %dma_wait3A_543 = arith.constant 0 : i32
        %dma_wait3A_544 = tpu.memref_slice %arg3[%dma_wait3A_542, %dma_wait3A_543] : memref<2560x128xi32, #tpu.memory_space<hbm>> -> memref<16x128xi32, #tpu.memory_space<hbm>>
        %dma_wait3A_545 = arith.constant 0 : i32
        %dma_wait3A_546 = arith.constant 0 : i32
        %dma_wait3A_547 = tpu.memref_slice %arg7[%dma_wait3A_537, %dma_wait3A_545, %dma_wait3A_546] : memref<3x16x128xi32, #tpu.memory_space<vmem>> -> memref<1x16x128xi32, #tpu.memory_space<vmem>>
        %dma_wait3A_548 = tpu.memref_squeeze %dma_wait3A_547 : memref<1x16x128xi32, #tpu.memory_space<vmem>> -> memref<16x128xi32, #tpu.memory_space<vmem>>
        %dma_wait3A_549 = arith.constant 0 : i32
        %dma_wait3A_550 = arith.constant 0 : i32
        %dma_wait3A_551 = tpu.memref_slice %arg3[%dma_wait3A_549, %dma_wait3A_550] : memref<2560x128xi32, #tpu.memory_space<hbm>> -> memref<16x128xi32, #tpu.memory_space<hbm>>
        tpu.wait_dma2 semaphore(%arg16 : memref<!tpu.dma_semaphore, #tpu.memory_space<semaphore_mem>>) src(%dma_wait3A_551 : memref<16x128xi32, #tpu.memory_space<hbm>>) dst(%dma_wait3A_548 : memref<16x128xi32, #tpu.memory_space<vmem>>)
        %dma_wait3A_552 = arith.constant 0 : i32
        %dma_wait3A_553 = arith.constant 0 : i32
        %dma_wait3A_554 = arith.constant 0 : i32
        %dma_wait3A_555 = tpu.memref_slice %arg8[%dma_wait3A_552, %dma_wait3A_553, %dma_wait3A_554] : memref<3x16x128xi32, #tpu.memory_space<vmem>> -> memref<1x16x128xi32, #tpu.memory_space<vmem>>
        %dma_wait3A_556 = tpu.memref_squeeze %dma_wait3A_555 : memref<1x16x128xi32, #tpu.memory_space<vmem>> -> memref<16x128xi32, #tpu.memory_space<vmem>>
        %dma_wait3A_557 = arith.constant 0 : i32
        %dma_wait3A_558 = arith.constant 0 : i32
        %dma_wait3A_559 = tpu.memref_slice %arg4[%dma_wait3A_557, %dma_wait3A_558] : memref<2560x128xi32, #tpu.memory_space<hbm>> -> memref<16x128xi32, #tpu.memory_space<hbm>>
        %dma_wait3A_560 = arith.constant 0 : i32
        %dma_wait3A_561 = arith.constant 0 : i32
        %dma_wait3A_562 = tpu.memref_slice %arg8[%dma_wait3A_552, %dma_wait3A_560, %dma_wait3A_561] : memref<3x16x128xi32, #tpu.memory_space<vmem>> -> memref<1x16x128xi32, #tpu.memory_space<vmem>>
        %dma_wait3A_563 = tpu.memref_squeeze %dma_wait3A_562 : memref<1x16x128xi32, #tpu.memory_space<vmem>> -> memref<16x128xi32, #tpu.memory_space<vmem>>
        %dma_wait3A_564 = arith.constant 0 : i32
        %dma_wait3A_565 = arith.constant 0 : i32
        %dma_wait3A_566 = tpu.memref_slice %arg4[%dma_wait3A_564, %dma_wait3A_565] : memref<2560x128xi32, #tpu.memory_space<hbm>> -> memref<16x128xi32, #tpu.memory_space<hbm>>
        tpu.wait_dma2 semaphore(%arg16 : memref<!tpu.dma_semaphore, #tpu.memory_space<semaphore_mem>>) src(%dma_wait3A_566 : memref<16x128xi32, #tpu.memory_space<hbm>>) dst(%dma_wait3A_563 : memref<16x128xi32, #tpu.memory_space<vmem>>)
        %lt3A_567 = arith.constant 128 : i32
        %lt3A_568 = arith.cmpi slt, %add3A_219, %lt3A_567 : i32
        %convert_element_type3A_569 = arith.extui %lt3A_568 : i1 to i32
        %cond3A_570 = arith.constant 0 : i32
        %cond3A_571 = arith.cmpi ne, %convert_element_type3A_569, %cond3A_570 : i32
        scf.if %cond3A_571 {
          %add3A_572 = arith.constant 1 : i32
          %add3A_573 = arith.addi %add3A_219, %add3A_572 : i32
          %jit3A_574 = arith.constant 16 : i32
          %div3A_575 = arith.divsi %add3A_573, %jit3A_574 : i32
          %sign3A_576 = arith.constant 0 : i32
          %sign3A_577 = arith.cmpi sgt, %add3A_573, %sign3A_576 : i32
          %sign3A_578 = arith.extui %sign3A_577 : i1 to i32
          %sign3A_579 = arith.constant 0 : i32
          %sign3A_580 = arith.cmpi slt, %add3A_573, %sign3A_579 : i32
          %sign3A_581 = arith.extui %sign3A_580 : i1 to i32
          %sign3A_582 = arith.subi %sign3A_578, %sign3A_581 : i32
          %sign3A_583 = arith.constant 0 : i32
          %sign3A_584 = arith.cmpi sgt, %jit3A_574, %sign3A_583 : i32
          %sign3A_585 = arith.extui %sign3A_584 : i1 to i32
          %sign3A_586 = arith.constant 0 : i32
          %sign3A_587 = arith.cmpi slt, %jit3A_574, %sign3A_586 : i32
          %sign3A_588 = arith.extui %sign3A_587 : i1 to i32
          %sign3A_589 = arith.subi %sign3A_585, %sign3A_588 : i32
          %ne3A_590 = arith.cmpi ne, %sign3A_582, %sign3A_589 : i32
          %rem3A_591 = arith.remsi %add3A_573, %jit3A_574 : i32
          %ne3A_592 = arith.constant 0 : i32
          %ne3A_593 = arith.cmpi ne, %rem3A_591, %ne3A_592 : i32
          %and3A_594 = arith.andi %ne3A_590, %ne3A_593 : i1
          %sub3A_595 = arith.constant 1 : i32
          %sub3A_596 = arith.subi %div3A_575, %sub3A_595 : i32
          %select_n3A_597 = arith.select %and3A_594, %sub3A_596, %div3A_575 : i32
          %add3A_598 = arith.constant 1 : i32
          %add3A_599 = arith.addi %select_n3A_597, %add3A_598 : i32
          %mul3A_600 = arith.constant 160 : i32
          %mul3A_601 = arith.muli %arg1, %mul3A_600 : i32
          %mul3A_602 = arith.constant 16 : i32
          %mul3A_603 = arith.muli %add3A_599, %mul3A_602 : i32
          %add3A_604 = arith.addi %mul3A_601, %mul3A_603 : i32
          %jit3A_605 = arith.constant 3 : i32
          %eq3A_606 = arith.constant 0 : i32
          %eq3A_607 = arith.cmpi eq, %jit3A_605, %eq3A_606 : i32
          %jit3A_608 = arith.constant 1 : i32
          %select_n3A_609 = arith.select %eq3A_607, %jit3A_608, %jit3A_605 : i32
          %rem3A_610 = arith.remsi %add3A_599, %select_n3A_609 : i32
          %ne3A_611 = arith.constant 0 : i32
          %ne3A_612 = arith.cmpi ne, %rem3A_610, %ne3A_611 : i32
          %lt3A_613 = arith.constant 0 : i32
          %lt3A_614 = arith.cmpi slt, %rem3A_610, %lt3A_613 : i32
          %lt3A_615 = arith.constant 0 : i32
          %lt3A_616 = arith.cmpi slt, %select_n3A_609, %lt3A_615 : i32
          %ne3A_617 = arith.xori %lt3A_614, %lt3A_616 : i1
          %and3A_618 = arith.andi %ne3A_617, %ne3A_612 : i1
          %add3A_619 = arith.addi %rem3A_610, %select_n3A_609 : i32
          %select_n3A_620 = arith.select %and3A_618, %add3A_619, %rem3A_610 : i32
          %dma_start3A_621 = arith.constant 0 : i32
          %dma_start3A_622 = arith.constant 0 : i32
          %dma_start3A_623 = tpu.memref_slice %arg7[%select_n3A_620, %dma_start3A_621, %dma_start3A_622] : memref<3x16x128xi32, #tpu.memory_space<vmem>> -> memref<1x16x128xi32, #tpu.memory_space<vmem>>
          %dma_start3A_624 = tpu.memref_squeeze %dma_start3A_623 : memref<1x16x128xi32, #tpu.memory_space<vmem>> -> memref<16x128xi32, #tpu.memory_space<vmem>>
          %dma_start3A_625 = arith.constant 0 : i32
          %dma_start3A_626 = tpu.memref_slice %arg3[%add3A_604, %dma_start3A_625] : memref<2560x128xi32, #tpu.memory_space<hbm>> -> memref<16x128xi32, #tpu.memory_space<hbm>>
          %dma_start3A_627 = arith.constant 0 : i32
          %dma_start3A_628 = arith.constant 0 : i32
          %dma_start3A_629 = tpu.memref_slice %arg7[%select_n3A_620, %dma_start3A_627, %dma_start3A_628] : memref<3x16x128xi32, #tpu.memory_space<vmem>> -> memref<1x16x128xi32, #tpu.memory_space<vmem>>
          %dma_start3A_630 = tpu.memref_squeeze %dma_start3A_629 : memref<1x16x128xi32, #tpu.memory_space<vmem>> -> memref<16x128xi32, #tpu.memory_space<vmem>>
          %dma_start3A_631 = arith.constant 0 : i32
          %dma_start3A_632 = tpu.memref_slice %arg3[%add3A_604, %dma_start3A_631] : memref<2560x128xi32, #tpu.memory_space<hbm>> -> memref<16x128xi32, #tpu.memory_space<hbm>>
          tpu.enqueue_dma source(%dma_start3A_632 : memref<16x128xi32, #tpu.memory_space<hbm>>) target(%dma_start3A_630 : memref<16x128xi32, #tpu.memory_space<vmem>>) target_semaphore(%arg16 : memref<!tpu.dma_semaphore, #tpu.memory_space<semaphore_mem>>)
          %mul3A_633 = arith.constant 160 : i32
          %mul3A_634 = arith.muli %arg1, %mul3A_633 : i32
          %mul3A_635 = arith.constant 16 : i32
          %mul3A_636 = arith.muli %add3A_599, %mul3A_635 : i32
          %add3A_637 = arith.addi %mul3A_634, %mul3A_636 : i32
          %jit3A_638 = arith.constant 3 : i32
          %eq3A_639 = arith.constant 0 : i32
          %eq3A_640 = arith.cmpi eq, %jit3A_638, %eq3A_639 : i32
          %jit3A_641 = arith.constant 1 : i32
          %select_n3A_642 = arith.select %eq3A_640, %jit3A_641, %jit3A_638 : i32
          %rem3A_643 = arith.remsi %add3A_599, %select_n3A_642 : i32
          %ne3A_644 = arith.constant 0 : i32
          %ne3A_645 = arith.cmpi ne, %rem3A_643, %ne3A_644 : i32
          %lt3A_646 = arith.constant 0 : i32
          %lt3A_647 = arith.cmpi slt, %rem3A_643, %lt3A_646 : i32
          %lt3A_648 = arith.constant 0 : i32
          %lt3A_649 = arith.cmpi slt, %select_n3A_642, %lt3A_648 : i32
          %ne3A_650 = arith.xori %lt3A_647, %lt3A_649 : i1
          %and3A_651 = arith.andi %ne3A_650, %ne3A_645 : i1
          %add3A_652 = arith.addi %rem3A_643, %select_n3A_642 : i32
          %select_n3A_653 = arith.select %and3A_651, %add3A_652, %rem3A_643 : i32
          %dma_start3A_654 = arith.constant 0 : i32
          %dma_start3A_655 = arith.constant 0 : i32
          %dma_start3A_656 = tpu.memref_slice %arg8[%select_n3A_653, %dma_start3A_654, %dma_start3A_655] : memref<3x16x128xi32, #tpu.memory_space<vmem>> -> memref<1x16x128xi32, #tpu.memory_space<vmem>>
          %dma_start3A_657 = tpu.memref_squeeze %dma_start3A_656 : memref<1x16x128xi32, #tpu.memory_space<vmem>> -> memref<16x128xi32, #tpu.memory_space<vmem>>
          %dma_start3A_658 = arith.constant 0 : i32
          %dma_start3A_659 = tpu.memref_slice %arg4[%add3A_637, %dma_start3A_658] : memref<2560x128xi32, #tpu.memory_space<hbm>> -> memref<16x128xi32, #tpu.memory_space<hbm>>
          %dma_start3A_660 = arith.constant 0 : i32
          %dma_start3A_661 = arith.constant 0 : i32
          %dma_start3A_662 = tpu.memref_slice %arg8[%select_n3A_653, %dma_start3A_660, %dma_start3A_661] : memref<3x16x128xi32, #tpu.memory_space<vmem>> -> memref<1x16x128xi32, #tpu.memory_space<vmem>>
          %dma_start3A_663 = tpu.memref_squeeze %dma_start3A_662 : memref<1x16x128xi32, #tpu.memory_space<vmem>> -> memref<16x128xi32, #tpu.memory_space<vmem>>
          %dma_start3A_664 = arith.constant 0 : i32
          %dma_start3A_665 = tpu.memref_slice %arg4[%add3A_637, %dma_start3A_664] : memref<2560x128xi32, #tpu.memory_space<hbm>> -> memref<16x128xi32, #tpu.memory_space<hbm>>
          tpu.enqueue_dma source(%dma_start3A_665 : memref<16x128xi32, #tpu.memory_space<hbm>>) target(%dma_start3A_663 : memref<16x128xi32, #tpu.memory_space<vmem>>) target_semaphore(%arg16 : memref<!tpu.dma_semaphore, #tpu.memory_space<semaphore_mem>>)
        } else {
        }
      } else {
      }
      %dma_wait3A_235 = arith.constant 0 : i32
      %dma_wait3A_236 = arith.constant 0 : i32
      %dma_wait3A_237 = tpu.memref_slice %arg2[%arg0, %dma_wait3A_235, %dma_wait3A_236] : memref<2x10240x64xf32, #tpu.memory_space<hbm>> -> memref<1x128x64xf32, #tpu.memory_space<hbm>>
      %dma_wait3A_238 = tpu.memref_squeeze %dma_wait3A_237 : memref<1x128x64xf32, #tpu.memory_space<hbm>> -> memref<128x64xf32, #tpu.memory_space<hbm>>
      %dma_wait3A_239 = arith.constant 0 : i32
      %dma_wait3A_240 = arith.constant 0 : i32
      %dma_wait3A_241 = tpu.memref_slice %arg2[%arg0, %dma_wait3A_239, %dma_wait3A_240] : memref<2x10240x64xf32, #tpu.memory_space<hbm>> -> memref<1x128x64xf32, #tpu.memory_space<hbm>>
      %dma_wait3A_242 = tpu.memref_squeeze %dma_wait3A_241 : memref<1x128x64xf32, #tpu.memory_space<hbm>> -> memref<128x64xf32, #tpu.memory_space<hbm>>
      tpu.wait_dma2 semaphore(%arg19 : memref<!tpu.dma_semaphore, #tpu.memory_space<semaphore_mem>>) src(%dma_wait3A_242 : memref<128x64xf32, #tpu.memory_space<hbm>>) dst(%arg9 : memref<128x64xf32, #tpu.memory_space<vmem>>)
      %add3A_243 = arith.constant 1 : i32
      %add3A_244 = arith.addi %add3A_219, %add3A_243 : i32
      %jit3A_245 = arith.constant 16 : i32
      %div3A = arith.divsi %add3A_244, %jit3A_245 : i32
      %sign3A = arith.constant 0 : i32
      %sign3A_246 = arith.cmpi sgt, %add3A_244, %sign3A : i32
      %sign3A_247 = arith.extui %sign3A_246 : i1 to i32
      %sign3A_248 = arith.constant 0 : i32
      %sign3A_249 = arith.cmpi slt, %add3A_244, %sign3A_248 : i32
      %sign3A_250 = arith.extui %sign3A_249 : i1 to i32
      %sign3A_251 = arith.subi %sign3A_247, %sign3A_250 : i32
      %sign3A_252 = arith.constant 0 : i32
      %sign3A_253 = arith.cmpi sgt, %jit3A_245, %sign3A_252 : i32
      %sign3A_254 = arith.extui %sign3A_253 : i1 to i32
      %sign3A_255 = arith.constant 0 : i32
      %sign3A_256 = arith.cmpi slt, %jit3A_245, %sign3A_255 : i32
      %sign3A_257 = arith.extui %sign3A_256 : i1 to i32
      %sign3A_258 = arith.subi %sign3A_254, %sign3A_257 : i32
      %ne3A_259 = arith.cmpi ne, %sign3A_251, %sign3A_258 : i32
      %rem3A_260 = arith.remsi %add3A_244, %jit3A_245 : i32
      %ne3A_261 = arith.constant 0 : i32
      %ne3A_262 = arith.cmpi ne, %rem3A_260, %ne3A_261 : i32
      %and3A_263 = arith.andi %ne3A_259, %ne3A_262 : i1
      %sub3A = arith.constant 1 : i32
      %sub3A_264 = arith.subi %div3A, %sub3A : i32
      %select_n3A_265 = arith.select %and3A_263, %sub3A_264, %div3A : i32
      %jit3A_266 = arith.constant 3 : i32
      %eq3A_267 = arith.constant 0 : i32
      %eq3A_268 = arith.cmpi eq, %jit3A_266, %eq3A_267 : i32
      %jit3A_269 = arith.constant 1 : i32
      %select_n3A_270 = arith.select %eq3A_268, %jit3A_269, %jit3A_266 : i32
      %rem3A_271 = arith.remsi %select_n3A_265, %select_n3A_270 : i32
      %ne3A_272 = arith.constant 0 : i32
      %ne3A_273 = arith.cmpi ne, %rem3A_271, %ne3A_272 : i32
      %lt3A_274 = arith.constant 0 : i32
      %lt3A_275 = arith.cmpi slt, %rem3A_271, %lt3A_274 : i32
      %lt3A_276 = arith.constant 0 : i32
      %lt3A_277 = arith.cmpi slt, %select_n3A_270, %lt3A_276 : i32
      %ne3A_278 = arith.xori %lt3A_275, %lt3A_277 : i1
      %and3A_279 = arith.andi %ne3A_278, %ne3A_273 : i1
      %add3A_280 = arith.addi %rem3A_271, %select_n3A_270 : i32
      %select_n3A_281 = arith.select %and3A_279, %add3A_280, %rem3A_271 : i32
      %jit3A_282 = arith.constant 16 : i32
      %eq3A_283 = arith.constant 0 : i32
      %eq3A_284 = arith.cmpi eq, %jit3A_282, %eq3A_283 : i32
      %jit3A_285 = arith.constant 1 : i32
      %select_n3A_286 = arith.select %eq3A_284, %jit3A_285, %jit3A_282 : i32
      %rem3A_287 = arith.remsi %add3A_244, %select_n3A_286 : i32
      %ne3A_288 = arith.constant 0 : i32
      %ne3A_289 = arith.cmpi ne, %rem3A_287, %ne3A_288 : i32
      %lt3A_290 = arith.constant 0 : i32
      %lt3A_291 = arith.cmpi slt, %rem3A_287, %lt3A_290 : i32
      %lt3A_292 = arith.constant 0 : i32
      %lt3A_293 = arith.cmpi slt, %select_n3A_286, %lt3A_292 : i32
      %ne3A_294 = arith.xori %lt3A_291, %lt3A_293 : i1
      %and3A_295 = arith.andi %ne3A_294, %ne3A_289 : i1
      %add3A_296 = arith.addi %rem3A_287, %select_n3A_286 : i32
      %select_n3A_297 = arith.select %and3A_295, %add3A_296, %rem3A_287 : i32
      %dma_start3A_298 = arith.constant 0 : i32
      %dma_start3A_299 = tpu.memref_slice %arg7[%select_n3A_281, %select_n3A_297, %dma_start3A_298] : memref<3x16x128xi32, #tpu.memory_space<vmem>> -> memref<1x1x128xi32, #tpu.memory_space<vmem>>
      %dma_start3A_300 = tpu.memref_squeeze %dma_start3A_299 : memref<1x1x128xi32, #tpu.memory_space<vmem>> -> memref<128xi32, #tpu.memory_space<vmem>>
      %dma_start3A_301 = arith.constant 0 : i32
      %dma_start3A_302 = arith.constant 0 : i32
      %dma_start3A_303 = tpu.memref_slice %arg13[%dma_start3A_301, %dma_start3A_302] : memref<10240x64xf32, #tpu.memory_space<vmem_shared>> -> memref<10240x64xf32, #tpu.memory_space<vmem_shared>>
      tpu.enqueue_indirect_dma source(%dma_start3A_303 : memref<10240x64xf32, #tpu.memory_space<vmem_shared>>) target(%arg9 : memref<128x64xf32, #tpu.memory_space<vmem>>) offsets(%dma_start3A_300 : memref<128xi32, #tpu.memory_space<vmem>>) semaphore(%arg17 : memref<!tpu.dma_semaphore, #tpu.memory_space<semaphore_mem>>)
      %dma_wait3A_304 = arith.constant 0 : i32
      %dma_wait3A_305 = arith.constant 0 : i32
      %dma_wait3A_306 = arith.constant 0 : i32
      %dma_wait3A_307 = tpu.memref_slice %arg7[%dma_wait3A_304, %dma_wait3A_305, %dma_wait3A_306] : memref<3x16x128xi32, #tpu.memory_space<vmem>> -> memref<1x1x128xi32, #tpu.memory_space<vmem>>
      %dma_wait3A_308 = tpu.memref_squeeze %dma_wait3A_307 : memref<1x1x128xi32, #tpu.memory_space<vmem>> -> memref<128xi32, #tpu.memory_space<vmem>>
      %dma_wait3A_309 = arith.constant 0 : i32
      %dma_wait3A_310 = arith.constant 0 : i32
      %dma_wait3A_311 = tpu.memref_slice %arg13[%dma_wait3A_309, %dma_wait3A_310] : memref<10240x64xf32, #tpu.memory_space<vmem_shared>> -> memref<10240x64xf32, #tpu.memory_space<vmem_shared>>
      tpu.wait_indirect_dma semaphore(%arg18 : memref<!tpu.dma_semaphore, #tpu.memory_space<semaphore_mem>>) src(%dma_wait3A_311 : memref<10240x64xf32, #tpu.memory_space<vmem_shared>>) dst(%arg10 : memref<128x64xf32, #tpu.memory_space<vmem>>)
      %jit3A_312 = arith.constant 16 : i32
      %div3A_313 = arith.divsi %add3A_219, %jit3A_312 : i32
      %sign3A_314 = arith.constant 0 : i32
      %sign3A_315 = arith.cmpi sgt, %add3A_219, %sign3A_314 : i32
      %sign3A_316 = arith.extui %sign3A_315 : i1 to i32
      %sign3A_317 = arith.constant 0 : i32
      %sign3A_318 = arith.cmpi slt, %add3A_219, %sign3A_317 : i32
      %sign3A_319 = arith.extui %sign3A_318 : i1 to i32
      %sign3A_320 = arith.subi %sign3A_316, %sign3A_319 : i32
      %sign3A_321 = arith.constant 0 : i32
      %sign3A_322 = arith.cmpi sgt, %jit3A_312, %sign3A_321 : i32
      %sign3A_323 = arith.extui %sign3A_322 : i1 to i32
      %sign3A_324 = arith.constant 0 : i32
      %sign3A_325 = arith.cmpi slt, %jit3A_312, %sign3A_324 : i32
      %sign3A_326 = arith.extui %sign3A_325 : i1 to i32
      %sign3A_327 = arith.subi %sign3A_323, %sign3A_326 : i32
      %ne3A_328 = arith.cmpi ne, %sign3A_320, %sign3A_327 : i32
      %rem3A_329 = arith.remsi %add3A_219, %jit3A_312 : i32
      %ne3A_330 = arith.constant 0 : i32
      %ne3A_331 = arith.cmpi ne, %rem3A_329, %ne3A_330 : i32
      %and3A_332 = arith.andi %ne3A_328, %ne3A_331 : i1
      %sub3A_333 = arith.constant 1 : i32
      %sub3A_334 = arith.subi %div3A_313, %sub3A_333 : i32
      %select_n3A_335 = arith.select %and3A_332, %sub3A_334, %div3A_313 : i32
      %jit3A_336 = arith.constant 3 : i32
      %eq3A_337 = arith.constant 0 : i32
      %eq3A_338 = arith.cmpi eq, %jit3A_336, %eq3A_337 : i32
      %jit3A_339 = arith.constant 1 : i32
      %select_n3A_340 = arith.select %eq3A_338, %jit3A_339, %jit3A_336 : i32
      %rem3A_341 = arith.remsi %select_n3A_335, %select_n3A_340 : i32
      %ne3A_342 = arith.constant 0 : i32
      %ne3A_343 = arith.cmpi ne, %rem3A_341, %ne3A_342 : i32
      %lt3A_344 = arith.constant 0 : i32
      %lt3A_345 = arith.cmpi slt, %rem3A_341, %lt3A_344 : i32
      %lt3A_346 = arith.constant 0 : i32
      %lt3A_347 = arith.cmpi slt, %select_n3A_340, %lt3A_346 : i32
      %ne3A_348 = arith.xori %lt3A_345, %lt3A_347 : i1
      %and3A_349 = arith.andi %ne3A_348, %ne3A_343 : i1
      %add3A_350 = arith.addi %rem3A_341, %select_n3A_340 : i32
      %select_n3A_351 = arith.select %and3A_349, %add3A_350, %rem3A_341 : i32
      %jit3A_352 = arith.constant 16 : i32
      %eq3A_353 = arith.constant 0 : i32
      %eq3A_354 = arith.cmpi eq, %jit3A_352, %eq3A_353 : i32
      %jit3A_355 = arith.constant 1 : i32
      %select_n3A_356 = arith.select %eq3A_354, %jit3A_355, %jit3A_352 : i32
      %rem3A_357 = arith.remsi %add3A_219, %select_n3A_356 : i32
      %ne3A_358 = arith.constant 0 : i32
      %ne3A_359 = arith.cmpi ne, %rem3A_357, %ne3A_358 : i32
      %lt3A_360 = arith.constant 0 : i32
      %lt3A_361 = arith.cmpi slt, %rem3A_357, %lt3A_360 : i32
      %lt3A_362 = arith.constant 0 : i32
      %lt3A_363 = arith.cmpi slt, %select_n3A_356, %lt3A_362 : i32
      %ne3A_364 = arith.xori %lt3A_361, %lt3A_363 : i1
      %and3A_365 = arith.andi %ne3A_364, %ne3A_359 : i1
      %add3A_366 = arith.addi %rem3A_357, %select_n3A_356 : i32
      %select_n3A_367 = arith.select %and3A_365, %add3A_366, %rem3A_357 : i32
      %dma_start3A_368 = arith.constant 0 : i32
      %dma_start3A_369 = tpu.memref_slice %arg8[%select_n3A_351, %select_n3A_367, %dma_start3A_368] : memref<3x16x128xi32, #tpu.memory_space<vmem>> -> memref<1x1x128xi32, #tpu.memory_space<vmem>>
      %dma_start3A_370 = tpu.memref_squeeze %dma_start3A_369 : memref<1x1x128xi32, #tpu.memory_space<vmem>> -> memref<128xi32, #tpu.memory_space<vmem>>
      %dma_start3A_371 = arith.constant 0 : i32
      %dma_start3A_372 = arith.constant 0 : i32
      %dma_start3A_373 = tpu.memref_slice %arg14[%dma_start3A_371, %dma_start3A_372] : memref<10240x64xf32, #tpu.memory_space<vmem_shared>> -> memref<10240x64xf32, #tpu.memory_space<vmem_shared>>
      tpu.enqueue_indirect_dma source(%arg10 : memref<128x64xf32, #tpu.memory_space<vmem>>) target(%dma_start3A_373 : memref<10240x64xf32, #tpu.memory_space<vmem_shared>>) offsets(%dma_start3A_370 : memref<128xi32, #tpu.memory_space<vmem>>) semaphore(%arg20 : memref<!tpu.dma_semaphore, #tpu.memory_space<semaphore_mem>>) {add = true}
      %eq3A_374 = arith.constant 1 : i32
      %eq3A_375 = arith.cmpi eq, %arg0, %eq3A_374 : i32
      %gt3A = arith.constant 0 : i32
      %gt3A_376 = arith.cmpi sgt, %add3A_215, %gt3A : i32
      %and3A_377 = arith.andi %eq3A_375, %gt3A_376 : i1
      %convert_element_type3A_378 = arith.extui %and3A_377 : i1 to i32
      %cond3A_379 = arith.constant 0 : i32
      %cond3A_380 = arith.cmpi ne, %convert_element_type3A_378, %cond3A_379 : i32
      scf.if %cond3A_380 {
        %dma_wait3A_537 = arith.constant 0 : i32
        %dma_wait3A_538 = arith.constant 0 : i32
        %dma_wait3A_539 = tpu.memref_slice %arg6[%arg0, %dma_wait3A_537, %dma_wait3A_538] : memref<2x10240x16xf32, #tpu.memory_space<hbm>> -> memref<1x128x16xf32, #tpu.memory_space<hbm>>
        %dma_wait3A_540 = tpu.memref_squeeze %dma_wait3A_539 : memref<1x128x16xf32, #tpu.memory_space<hbm>> -> memref<128x16xf32, #tpu.memory_space<hbm>>
        %dma_wait3A_541 = arith.constant 0 : i32
        %dma_wait3A_542 = arith.constant 0 : i32
        %dma_wait3A_543 = tpu.memref_slice %arg6[%arg0, %dma_wait3A_541, %dma_wait3A_542] : memref<2x10240x16xf32, #tpu.memory_space<hbm>> -> memref<1x128x16xf32, #tpu.memory_space<hbm>>
        %dma_wait3A_544 = tpu.memref_squeeze %dma_wait3A_543 : memref<1x128x16xf32, #tpu.memory_space<hbm>> -> memref<128x16xf32, #tpu.memory_space<hbm>>
        tpu.wait_dma2 semaphore(%arg21 : memref<!tpu.dma_semaphore, #tpu.memory_space<semaphore_mem>>) src(%dma_wait3A_544 : memref<128x16xf32, #tpu.memory_space<hbm>>) dst(%arg11 : memref<128x16xf32, #tpu.memory_space<vmem>>)
      } else {
      }
      %eq3A_381 = arith.constant 1 : i32
      %eq3A_382 = arith.cmpi eq, %arg0, %eq3A_381 : i32
      %convert_element_type3A_383 = arith.extui %eq3A_382 : i1 to i32
      %cond3A_384 = arith.constant 0 : i32
      %cond3A_385 = arith.cmpi ne, %convert_element_type3A_383, %cond3A_384 : i32
      scf.if %cond3A_385 {
        %jit3A_537 = arith.constant 16 : i32
        %div3A_538 = arith.divsi %add3A_219, %jit3A_537 : i32
        %sign3A_539 = arith.constant 0 : i32
        %sign3A_540 = arith.cmpi sgt, %add3A_219, %sign3A_539 : i32
        %sign3A_541 = arith.extui %sign3A_540 : i1 to i32
        %sign3A_542 = arith.constant 0 : i32
        %sign3A_543 = arith.cmpi slt, %add3A_219, %sign3A_542 : i32
        %sign3A_544 = arith.extui %sign3A_543 : i1 to i32
        %sign3A_545 = arith.subi %sign3A_541, %sign3A_544 : i32
        %sign3A_546 = arith.constant 0 : i32
        %sign3A_547 = arith.cmpi sgt, %jit3A_537, %sign3A_546 : i32
        %sign3A_548 = arith.extui %sign3A_547 : i1 to i32
        %sign3A_549 = arith.constant 0 : i32
        %sign3A_550 = arith.cmpi slt, %jit3A_537, %sign3A_549 : i32
        %sign3A_551 = arith.extui %sign3A_550 : i1 to i32
        %sign3A_552 = arith.subi %sign3A_548, %sign3A_551 : i32
        %ne3A_553 = arith.cmpi ne, %sign3A_545, %sign3A_552 : i32
        %rem3A_554 = arith.remsi %add3A_219, %jit3A_537 : i32
        %ne3A_555 = arith.constant 0 : i32
        %ne3A_556 = arith.cmpi ne, %rem3A_554, %ne3A_555 : i32
        %and3A_557 = arith.andi %ne3A_553, %ne3A_556 : i1
        %sub3A_558 = arith.constant 1 : i32
        %sub3A_559 = arith.subi %div3A_538, %sub3A_558 : i32
        %select_n3A_560 = arith.select %and3A_557, %sub3A_559, %div3A_538 : i32
        %jit3A_561 = arith.constant 3 : i32
        %eq3A_562 = arith.constant 0 : i32
        %eq3A_563 = arith.cmpi eq, %jit3A_561, %eq3A_562 : i32
        %jit3A_564 = arith.constant 1 : i32
        %select_n3A_565 = arith.select %eq3A_563, %jit3A_564, %jit3A_561 : i32
        %rem3A_566 = arith.remsi %select_n3A_560, %select_n3A_565 : i32
        %ne3A_567 = arith.constant 0 : i32
        %ne3A_568 = arith.cmpi ne, %rem3A_566, %ne3A_567 : i32
        %lt3A_569 = arith.constant 0 : i32
        %lt3A_570 = arith.cmpi slt, %rem3A_566, %lt3A_569 : i32
        %lt3A_571 = arith.constant 0 : i32
        %lt3A_572 = arith.cmpi slt, %select_n3A_565, %lt3A_571 : i32
        %ne3A_573 = arith.xori %lt3A_570, %lt3A_572 : i1
        %and3A_574 = arith.andi %ne3A_573, %ne3A_568 : i1
        %add3A_575 = arith.addi %rem3A_566, %select_n3A_565 : i32
        %select_n3A_576 = arith.select %and3A_574, %add3A_575, %rem3A_566 : i32
        %jit3A_577 = arith.constant 16 : i32
        %eq3A_578 = arith.constant 0 : i32
        %eq3A_579 = arith.cmpi eq, %jit3A_577, %eq3A_578 : i32
        %jit3A_580 = arith.constant 1 : i32
        %select_n3A_581 = arith.select %eq3A_579, %jit3A_580, %jit3A_577 : i32
        %rem3A_582 = arith.remsi %add3A_219, %select_n3A_581 : i32
        %ne3A_583 = arith.constant 0 : i32
        %ne3A_584 = arith.cmpi ne, %rem3A_582, %ne3A_583 : i32
        %lt3A_585 = arith.constant 0 : i32
        %lt3A_586 = arith.cmpi slt, %rem3A_582, %lt3A_585 : i32
        %lt3A_587 = arith.constant 0 : i32
        %lt3A_588 = arith.cmpi slt, %select_n3A_581, %lt3A_587 : i32
        %ne3A_589 = arith.xori %lt3A_586, %lt3A_588 : i1
        %and3A_590 = arith.andi %ne3A_589, %ne3A_584 : i1
        %add3A_591 = arith.addi %rem3A_582, %select_n3A_581 : i32
        %select_n3A_592 = arith.select %and3A_590, %add3A_591, %rem3A_582 : i32
        %dma_start3A_593 = arith.constant 0 : i32
        %dma_start3A_594 = tpu.memref_slice %arg8[%select_n3A_576, %select_n3A_592, %dma_start3A_593] : memref<3x16x128xi32, #tpu.memory_space<vmem>> -> memref<1x1x128xi32, #tpu.memory_space<vmem>>
        %dma_start3A_595 = tpu.memref_squeeze %dma_start3A_594 : memref<1x1x128xi32, #tpu.memory_space<vmem>> -> memref<128xi32, #tpu.memory_space<vmem>>
        %dma_start3A_596 = arith.constant 0 : i32
        %dma_start3A_597 = arith.constant 0 : i32
        %dma_start3A_598 = tpu.memref_slice %arg15[%dma_start3A_596, %dma_start3A_597] : memref<10240x16xf32, #tpu.memory_space<vmem_shared>> -> memref<10240x16xf32, #tpu.memory_space<vmem_shared>>
        tpu.enqueue_indirect_dma source(%arg11 : memref<128x16xf32, #tpu.memory_space<vmem>>) target(%dma_start3A_598 : memref<10240x16xf32, #tpu.memory_space<vmem_shared>>) offsets(%dma_start3A_595 : memref<128xi32, #tpu.memory_space<vmem>>) semaphore(%arg21 : memref<!tpu.dma_semaphore, #tpu.memory_space<semaphore_mem>>) {add = true}
      } else {
      }
      %dma_wait3A_386 = arith.constant 0 : i32
      %dma_wait3A_387 = arith.constant 0 : i32
      %dma_wait3A_388 = tpu.memref_slice %arg2[%arg0, %dma_wait3A_386, %dma_wait3A_387] : memref<2x10240x64xf32, #tpu.memory_space<hbm>> -> memref<1x128x64xf32, #tpu.memory_space<hbm>>
      %dma_wait3A_389 = tpu.memref_squeeze %dma_wait3A_388 : memref<1x128x64xf32, #tpu.memory_space<hbm>> -> memref<128x64xf32, #tpu.memory_space<hbm>>
      %dma_wait3A_390 = arith.constant 0 : i32
      %dma_wait3A_391 = arith.constant 0 : i32
      %dma_wait3A_392 = tpu.memref_slice %arg2[%arg0, %dma_wait3A_390, %dma_wait3A_391] : memref<2x10240x64xf32, #tpu.memory_space<hbm>> -> memref<1x128x64xf32, #tpu.memory_space<hbm>>
      %dma_wait3A_393 = tpu.memref_squeeze %dma_wait3A_392 : memref<1x128x64xf32, #tpu.memory_space<hbm>> -> memref<128x64xf32, #tpu.memory_space<hbm>>
      tpu.wait_dma2 semaphore(%arg20 : memref<!tpu.dma_semaphore, #tpu.memory_space<semaphore_mem>>) src(%dma_wait3A_393 : memref<128x64xf32, #tpu.memory_space<hbm>>) dst(%arg10 : memref<128x64xf32, #tpu.memory_space<vmem>>)
      %add3A_394 = arith.constant 2 : i32
      %add3A_395 = arith.addi %add3A_219, %add3A_394 : i32
      %jit3A_396 = arith.constant 16 : i32
      %div3A_397 = arith.divsi %add3A_395, %jit3A_396 : i32
      %sign3A_398 = arith.constant 0 : i32
      %sign3A_399 = arith.cmpi sgt, %add3A_395, %sign3A_398 : i32
      %sign3A_400 = arith.extui %sign3A_399 : i1 to i32
      %sign3A_401 = arith.constant 0 : i32
      %sign3A_402 = arith.cmpi slt, %add3A_395, %sign3A_401 : i32
      %sign3A_403 = arith.extui %sign3A_402 : i1 to i32
      %sign3A_404 = arith.subi %sign3A_400, %sign3A_403 : i32
      %sign3A_405 = arith.constant 0 : i32
      %sign3A_406 = arith.cmpi sgt, %jit3A_396, %sign3A_405 : i32
      %sign3A_407 = arith.extui %sign3A_406 : i1 to i32
      %sign3A_408 = arith.constant 0 : i32
      %sign3A_409 = arith.cmpi slt, %jit3A_396, %sign3A_408 : i32
      %sign3A_410 = arith.extui %sign3A_409 : i1 to i32
      %sign3A_411 = arith.subi %sign3A_407, %sign3A_410 : i32
      %ne3A_412 = arith.cmpi ne, %sign3A_404, %sign3A_411 : i32
      %rem3A_413 = arith.remsi %add3A_395, %jit3A_396 : i32
      %ne3A_414 = arith.constant 0 : i32
      %ne3A_415 = arith.cmpi ne, %rem3A_413, %ne3A_414 : i32
      %and3A_416 = arith.andi %ne3A_412, %ne3A_415 : i1
      %sub3A_417 = arith.constant 1 : i32
      %sub3A_418 = arith.subi %div3A_397, %sub3A_417 : i32
      %select_n3A_419 = arith.select %and3A_416, %sub3A_418, %div3A_397 : i32
      %jit3A_420 = arith.constant 3 : i32
      %eq3A_421 = arith.constant 0 : i32
      %eq3A_422 = arith.cmpi eq, %jit3A_420, %eq3A_421 : i32
      %jit3A_423 = arith.constant 1 : i32
      %select_n3A_424 = arith.select %eq3A_422, %jit3A_423, %jit3A_420 : i32
      %rem3A_425 = arith.remsi %select_n3A_419, %select_n3A_424 : i32
      %ne3A_426 = arith.constant 0 : i32
      %ne3A_427 = arith.cmpi ne, %rem3A_425, %ne3A_426 : i32
      %lt3A_428 = arith.constant 0 : i32
      %lt3A_429 = arith.cmpi slt, %rem3A_425, %lt3A_428 : i32
      %lt3A_430 = arith.constant 0 : i32
      %lt3A_431 = arith.cmpi slt, %select_n3A_424, %lt3A_430 : i32
      %ne3A_432 = arith.xori %lt3A_429, %lt3A_431 : i1
      %and3A_433 = arith.andi %ne3A_432, %ne3A_427 : i1
      %add3A_434 = arith.addi %rem3A_425, %select_n3A_424 : i32
      %select_n3A_435 = arith.select %and3A_433, %add3A_434, %rem3A_425 : i32
      %jit3A_436 = arith.constant 16 : i32
      %eq3A_437 = arith.constant 0 : i32
      %eq3A_438 = arith.cmpi eq, %jit3A_436, %eq3A_437 : i32
      %jit3A_439 = arith.constant 1 : i32
      %select_n3A_440 = arith.select %eq3A_438, %jit3A_439, %jit3A_436 : i32
      %rem3A_441 = arith.remsi %add3A_395, %select_n3A_440 : i32
      %ne3A_442 = arith.constant 0 : i32
      %ne3A_443 = arith.cmpi ne, %rem3A_441, %ne3A_442 : i32
      %lt3A_444 = arith.constant 0 : i32
      %lt3A_445 = arith.cmpi slt, %rem3A_441, %lt3A_444 : i32
      %lt3A_446 = arith.constant 0 : i32
      %lt3A_447 = arith.cmpi slt, %select_n3A_440, %lt3A_446 : i32
      %ne3A_448 = arith.xori %lt3A_445, %lt3A_447 : i1
      %and3A_449 = arith.andi %ne3A_448, %ne3A_443 : i1
      %add3A_450 = arith.addi %rem3A_441, %select_n3A_440 : i32
      %select_n3A_451 = arith.select %and3A_449, %add3A_450, %rem3A_441 : i32
      %dma_start3A_452 = arith.constant 0 : i32
      %dma_start3A_453 = tpu.memref_slice %arg7[%select_n3A_435, %select_n3A_451, %dma_start3A_452] : memref<3x16x128xi32, #tpu.memory_space<vmem>> -> memref<1x1x128xi32, #tpu.memory_space<vmem>>
      %dma_start3A_454 = tpu.memref_squeeze %dma_start3A_453 : memref<1x1x128xi32, #tpu.memory_space<vmem>> -> memref<128xi32, #tpu.memory_space<vmem>>
      %dma_start3A_455 = arith.constant 0 : i32
      %dma_start3A_456 = arith.constant 0 : i32
      %dma_start3A_457 = tpu.memref_slice %arg13[%dma_start3A_455, %dma_start3A_456] : memref<10240x64xf32, #tpu.memory_space<vmem_shared>> -> memref<10240x64xf32, #tpu.memory_space<vmem_shared>>
      tpu.enqueue_indirect_dma source(%dma_start3A_457 : memref<10240x64xf32, #tpu.memory_space<vmem_shared>>) target(%arg10 : memref<128x64xf32, #tpu.memory_space<vmem>>) offsets(%dma_start3A_454 : memref<128xi32, #tpu.memory_space<vmem>>) semaphore(%arg18 : memref<!tpu.dma_semaphore, #tpu.memory_space<semaphore_mem>>)
      %dma_wait3A_458 = arith.constant 0 : i32
      %dma_wait3A_459 = arith.constant 0 : i32
      %dma_wait3A_460 = arith.constant 0 : i32
      %dma_wait3A_461 = tpu.memref_slice %arg7[%dma_wait3A_458, %dma_wait3A_459, %dma_wait3A_460] : memref<3x16x128xi32, #tpu.memory_space<vmem>> -> memref<1x1x128xi32, #tpu.memory_space<vmem>>
      %dma_wait3A_462 = tpu.memref_squeeze %dma_wait3A_461 : memref<1x1x128xi32, #tpu.memory_space<vmem>> -> memref<128xi32, #tpu.memory_space<vmem>>
      %dma_wait3A_463 = arith.constant 0 : i32
      %dma_wait3A_464 = arith.constant 0 : i32
      %dma_wait3A_465 = tpu.memref_slice %arg13[%dma_wait3A_463, %dma_wait3A_464] : memref<10240x64xf32, #tpu.memory_space<vmem_shared>> -> memref<10240x64xf32, #tpu.memory_space<vmem_shared>>
      tpu.wait_indirect_dma semaphore(%arg17 : memref<!tpu.dma_semaphore, #tpu.memory_space<semaphore_mem>>) src(%dma_wait3A_465 : memref<10240x64xf32, #tpu.memory_space<vmem_shared>>) dst(%arg9 : memref<128x64xf32, #tpu.memory_space<vmem>>)
      %add3A_466 = arith.constant 1 : i32
      %add3A_467 = arith.addi %add3A_219, %add3A_466 : i32
      %jit3A_468 = arith.constant 16 : i32
      %div3A_469 = arith.divsi %add3A_467, %jit3A_468 : i32
      %sign3A_470 = arith.constant 0 : i32
      %sign3A_471 = arith.cmpi sgt, %add3A_467, %sign3A_470 : i32
      %sign3A_472 = arith.extui %sign3A_471 : i1 to i32
      %sign3A_473 = arith.constant 0 : i32
      %sign3A_474 = arith.cmpi slt, %add3A_467, %sign3A_473 : i32
      %sign3A_475 = arith.extui %sign3A_474 : i1 to i32
      %sign3A_476 = arith.subi %sign3A_472, %sign3A_475 : i32
      %sign3A_477 = arith.constant 0 : i32
      %sign3A_478 = arith.cmpi sgt, %jit3A_468, %sign3A_477 : i32
      %sign3A_479 = arith.extui %sign3A_478 : i1 to i32
      %sign3A_480 = arith.constant 0 : i32
      %sign3A_481 = arith.cmpi slt, %jit3A_468, %sign3A_480 : i32
      %sign3A_482 = arith.extui %sign3A_481 : i1 to i32
      %sign3A_483 = arith.subi %sign3A_479, %sign3A_482 : i32
      %ne3A_484 = arith.cmpi ne, %sign3A_476, %sign3A_483 : i32
      %rem3A_485 = arith.remsi %add3A_467, %jit3A_468 : i32
      %ne3A_486 = arith.constant 0 : i32
      %ne3A_487 = arith.cmpi ne, %rem3A_485, %ne3A_486 : i32
      %and3A_488 = arith.andi %ne3A_484, %ne3A_487 : i1
      %sub3A_489 = arith.constant 1 : i32
      %sub3A_490 = arith.subi %div3A_469, %sub3A_489 : i32
      %select_n3A_491 = arith.select %and3A_488, %sub3A_490, %div3A_469 : i32
      %jit3A_492 = arith.constant 3 : i32
      %eq3A_493 = arith.constant 0 : i32
      %eq3A_494 = arith.cmpi eq, %jit3A_492, %eq3A_493 : i32
      %jit3A_495 = arith.constant 1 : i32
      %select_n3A_496 = arith.select %eq3A_494, %jit3A_495, %jit3A_492 : i32
      %rem3A_497 = arith.remsi %select_n3A_491, %select_n3A_496 : i32
      %ne3A_498 = arith.constant 0 : i32
      %ne3A_499 = arith.cmpi ne, %rem3A_497, %ne3A_498 : i32
      %lt3A_500 = arith.constant 0 : i32
      %lt3A_501 = arith.cmpi slt, %rem3A_497, %lt3A_500 : i32
      %lt3A_502 = arith.constant 0 : i32
      %lt3A_503 = arith.cmpi slt, %select_n3A_496, %lt3A_502 : i32
      %ne3A_504 = arith.xori %lt3A_501, %lt3A_503 : i1
      %and3A_505 = arith.andi %ne3A_504, %ne3A_499 : i1
      %add3A_506 = arith.addi %rem3A_497, %select_n3A_496 : i32
      %select_n3A_507 = arith.select %and3A_505, %add3A_506, %rem3A_497 : i32
      %jit3A_508 = arith.constant 16 : i32
      %eq3A_509 = arith.constant 0 : i32
      %eq3A_510 = arith.cmpi eq, %jit3A_508, %eq3A_509 : i32
      %jit3A_511 = arith.constant 1 : i32
      %select_n3A_512 = arith.select %eq3A_510, %jit3A_511, %jit3A_508 : i32
      %rem3A_513 = arith.remsi %add3A_467, %select_n3A_512 : i32
      %ne3A_514 = arith.constant 0 : i32
      %ne3A_515 = arith.cmpi ne, %rem3A_513, %ne3A_514 : i32
      %lt3A_516 = arith.constant 0 : i32
      %lt3A_517 = arith.cmpi slt, %rem3A_513, %lt3A_516 : i32
      %lt3A_518 = arith.constant 0 : i32
      %lt3A_519 = arith.cmpi slt, %select_n3A_512, %lt3A_518 : i32
      %ne3A_520 = arith.xori %lt3A_517, %lt3A_519 : i1
      %and3A_521 = arith.andi %ne3A_520, %ne3A_515 : i1
      %add3A_522 = arith.addi %rem3A_513, %select_n3A_512 : i32
      %select_n3A_523 = arith.select %and3A_521, %add3A_522, %rem3A_513 : i32
      %dma_start3A_524 = arith.constant 0 : i32
      %dma_start3A_525 = tpu.memref_slice %arg8[%select_n3A_507, %select_n3A_523, %dma_start3A_524] : memref<3x16x128xi32, #tpu.memory_space<vmem>> -> memref<1x1x128xi32, #tpu.memory_space<vmem>>
      %dma_start3A_526 = tpu.memref_squeeze %dma_start3A_525 : memref<1x1x128xi32, #tpu.memory_space<vmem>> -> memref<128xi32, #tpu.memory_space<vmem>>
      %dma_start3A_527 = arith.constant 0 : i32
      %dma_start3A_528 = arith.constant 0 : i32
      %dma_start3A_529 = tpu.memref_slice %arg14[%dma_start3A_527, %dma_start3A_528] : memref<10240x64xf32, #tpu.memory_space<vmem_shared>> -> memref<10240x64xf32, #tpu.memory_space<vmem_shared>>
      tpu.enqueue_indirect_dma source(%arg9 : memref<128x64xf32, #tpu.memory_space<vmem>>) target(%dma_start3A_529 : memref<10240x64xf32, #tpu.memory_space<vmem_shared>>) offsets(%dma_start3A_526 : memref<128xi32, #tpu.memory_space<vmem>>) semaphore(%arg19 : memref<!tpu.dma_semaphore, #tpu.memory_space<semaphore_mem>>) {add = true}
      %add3A_530 = arith.constant 1 : i32
      %add3A_531 = arith.addi %add3A_219, %add3A_530 : i32
      %eq3A_532 = arith.constant 0 : i32
      %eq3A_533 = arith.cmpi eq, %arg0, %eq3A_532 : i32
      %convert_element_type3A_534 = arith.extui %eq3A_533 : i1 to i32
      %cond3A_535 = arith.constant 0 : i32
      %cond3A_536 = arith.cmpi ne, %convert_element_type3A_534, %cond3A_535 : i32
      scf.if %cond3A_536 {
        %dma_wait3A_537 = arith.constant 0 : i32
        %dma_wait3A_538 = arith.constant 0 : i32
        %dma_wait3A_539 = tpu.memref_slice %arg6[%arg0, %dma_wait3A_537, %dma_wait3A_538] : memref<2x10240x16xf32, #tpu.memory_space<hbm>> -> memref<1x128x16xf32, #tpu.memory_space<hbm>>
        %dma_wait3A_540 = tpu.memref_squeeze %dma_wait3A_539 : memref<1x128x16xf32, #tpu.memory_space<hbm>> -> memref<128x16xf32, #tpu.memory_space<hbm>>
        %dma_wait3A_541 = arith.constant 0 : i32
        %dma_wait3A_542 = arith.constant 0 : i32
        %dma_wait3A_543 = tpu.memref_slice %arg6[%arg0, %dma_wait3A_541, %dma_wait3A_542] : memref<2x10240x16xf32, #tpu.memory_space<hbm>> -> memref<1x128x16xf32, #tpu.memory_space<hbm>>
        %dma_wait3A_544 = tpu.memref_squeeze %dma_wait3A_543 : memref<1x128x16xf32, #tpu.memory_space<hbm>> -> memref<128x16xf32, #tpu.memory_space<hbm>>
        tpu.wait_dma2 semaphore(%arg21 : memref<!tpu.dma_semaphore, #tpu.memory_space<semaphore_mem>>) src(%dma_wait3A_544 : memref<128x16xf32, #tpu.memory_space<hbm>>) dst(%arg11 : memref<128x16xf32, #tpu.memory_space<vmem>>)
        %jit3A_545 = arith.constant 16 : i32
        %div3A_546 = arith.divsi %add3A_531, %jit3A_545 : i32
        %sign3A_547 = arith.constant 0 : i32
        %sign3A_548 = arith.cmpi sgt, %add3A_531, %sign3A_547 : i32
        %sign3A_549 = arith.extui %sign3A_548 : i1 to i32
        %sign3A_550 = arith.constant 0 : i32
        %sign3A_551 = arith.cmpi slt, %add3A_531, %sign3A_550 : i32
        %sign3A_552 = arith.extui %sign3A_551 : i1 to i32
        %sign3A_553 = arith.subi %sign3A_549, %sign3A_552 : i32
        %sign3A_554 = arith.constant 0 : i32
        %sign3A_555 = arith.cmpi sgt, %jit3A_545, %sign3A_554 : i32
        %sign3A_556 = arith.extui %sign3A_555 : i1 to i32
        %sign3A_557 = arith.constant 0 : i32
        %sign3A_558 = arith.cmpi slt, %jit3A_545, %sign3A_557 : i32
        %sign3A_559 = arith.extui %sign3A_558 : i1 to i32
        %sign3A_560 = arith.subi %sign3A_556, %sign3A_559 : i32
        %ne3A_561 = arith.cmpi ne, %sign3A_553, %sign3A_560 : i32
        %rem3A_562 = arith.remsi %add3A_531, %jit3A_545 : i32
        %ne3A_563 = arith.constant 0 : i32
        %ne3A_564 = arith.cmpi ne, %rem3A_562, %ne3A_563 : i32
        %and3A_565 = arith.andi %ne3A_561, %ne3A_564 : i1
        %sub3A_566 = arith.constant 1 : i32
        %sub3A_567 = arith.subi %div3A_546, %sub3A_566 : i32
        %select_n3A_568 = arith.select %and3A_565, %sub3A_567, %div3A_546 : i32
        %jit3A_569 = arith.constant 3 : i32
        %eq3A_570 = arith.constant 0 : i32
        %eq3A_571 = arith.cmpi eq, %jit3A_569, %eq3A_570 : i32
        %jit3A_572 = arith.constant 1 : i32
        %select_n3A_573 = arith.select %eq3A_571, %jit3A_572, %jit3A_569 : i32
        %rem3A_574 = arith.remsi %select_n3A_568, %select_n3A_573 : i32
        %ne3A_575 = arith.constant 0 : i32
        %ne3A_576 = arith.cmpi ne, %rem3A_574, %ne3A_575 : i32
        %lt3A_577 = arith.constant 0 : i32
        %lt3A_578 = arith.cmpi slt, %rem3A_574, %lt3A_577 : i32
        %lt3A_579 = arith.constant 0 : i32
        %lt3A_580 = arith.cmpi slt, %select_n3A_573, %lt3A_579 : i32
        %ne3A_581 = arith.xori %lt3A_578, %lt3A_580 : i1
        %and3A_582 = arith.andi %ne3A_581, %ne3A_576 : i1
        %add3A_583 = arith.addi %rem3A_574, %select_n3A_573 : i32
        %select_n3A_584 = arith.select %and3A_582, %add3A_583, %rem3A_574 : i32
        %jit3A_585 = arith.constant 16 : i32
        %eq3A_586 = arith.constant 0 : i32
        %eq3A_587 = arith.cmpi eq, %jit3A_585, %eq3A_586 : i32
        %jit3A_588 = arith.constant 1 : i32
        %select_n3A_589 = arith.select %eq3A_587, %jit3A_588, %jit3A_585 : i32
        %rem3A_590 = arith.remsi %add3A_531, %select_n3A_589 : i32
        %ne3A_591 = arith.constant 0 : i32
        %ne3A_592 = arith.cmpi ne, %rem3A_590, %ne3A_591 : i32
        %lt3A_593 = arith.constant 0 : i32
        %lt3A_594 = arith.cmpi slt, %rem3A_590, %lt3A_593 : i32
        %lt3A_595 = arith.constant 0 : i32
        %lt3A_596 = arith.cmpi slt, %select_n3A_589, %lt3A_595 : i32
        %ne3A_597 = arith.xori %lt3A_594, %lt3A_596 : i1
        %and3A_598 = arith.andi %ne3A_597, %ne3A_592 : i1
        %add3A_599 = arith.addi %rem3A_590, %select_n3A_589 : i32
        %select_n3A_600 = arith.select %and3A_598, %add3A_599, %rem3A_590 : i32
        %dma_start3A_601 = arith.constant 0 : i32
        %dma_start3A_602 = tpu.memref_slice %arg8[%select_n3A_584, %select_n3A_600, %dma_start3A_601] : memref<3x16x128xi32, #tpu.memory_space<vmem>> -> memref<1x1x128xi32, #tpu.memory_space<vmem>>
        %dma_start3A_603 = tpu.memref_squeeze %dma_start3A_602 : memref<1x1x128xi32, #tpu.memory_space<vmem>> -> memref<128xi32, #tpu.memory_space<vmem>>
        %dma_start3A_604 = arith.constant 0 : i32
        %dma_start3A_605 = arith.constant 0 : i32
        %dma_start3A_606 = tpu.memref_slice %arg15[%dma_start3A_604, %dma_start3A_605] : memref<10240x16xf32, #tpu.memory_space<vmem_shared>> -> memref<10240x16xf32, #tpu.memory_space<vmem_shared>>
        tpu.enqueue_indirect_dma source(%arg11 : memref<128x16xf32, #tpu.memory_space<vmem>>) target(%dma_start3A_606 : memref<10240x16xf32, #tpu.memory_space<vmem_shared>>) offsets(%dma_start3A_603 : memref<128xi32, #tpu.memory_space<vmem>>) semaphore(%arg21 : memref<!tpu.dma_semaphore, #tpu.memory_space<semaphore_mem>>) {add = true}
      } else {
      }
    }
    %scan3A_164 = arith.constant 79 : i32
    %dma_wait3A_165 = arith.constant 0 : i32
    %dma_wait3A_166 = arith.constant 0 : i32
    %dma_wait3A_167 = tpu.memref_slice %arg2[%arg0, %dma_wait3A_165, %dma_wait3A_166] : memref<2x10240x64xf32, #tpu.memory_space<hbm>> -> memref<1x128x64xf32, #tpu.memory_space<hbm>>
    %dma_wait3A_168 = tpu.memref_squeeze %dma_wait3A_167 : memref<1x128x64xf32, #tpu.memory_space<hbm>> -> memref<128x64xf32, #tpu.memory_space<hbm>>
    %dma_wait3A_169 = arith.constant 0 : i32
    %dma_wait3A_170 = arith.constant 0 : i32
    %dma_wait3A_171 = tpu.memref_slice %arg2[%arg0, %dma_wait3A_169, %dma_wait3A_170] : memref<2x10240x64xf32, #tpu.memory_space<hbm>> -> memref<1x128x64xf32, #tpu.memory_space<hbm>>
    %dma_wait3A_172 = tpu.memref_squeeze %dma_wait3A_171 : memref<1x128x64xf32, #tpu.memory_space<hbm>> -> memref<128x64xf32, #tpu.memory_space<hbm>>
    tpu.wait_dma2 semaphore(%arg19 : memref<!tpu.dma_semaphore, #tpu.memory_space<semaphore_mem>>) src(%dma_wait3A_172 : memref<128x64xf32, #tpu.memory_space<hbm>>) dst(%arg9 : memref<128x64xf32, #tpu.memory_space<vmem>>)
    %dma_wait3A_173 = arith.constant 0 : i32
    %dma_wait3A_174 = arith.constant 0 : i32
    %dma_wait3A_175 = arith.constant 0 : i32
    %dma_wait3A_176 = tpu.memref_slice %arg7[%dma_wait3A_173, %dma_wait3A_174, %dma_wait3A_175] : memref<3x16x128xi32, #tpu.memory_space<vmem>> -> memref<1x1x128xi32, #tpu.memory_space<vmem>>
    %dma_wait3A_177 = tpu.memref_squeeze %dma_wait3A_176 : memref<1x1x128xi32, #tpu.memory_space<vmem>> -> memref<128xi32, #tpu.memory_space<vmem>>
    %dma_wait3A_178 = arith.constant 0 : i32
    %dma_wait3A_179 = arith.constant 0 : i32
    %dma_wait3A_180 = tpu.memref_slice %arg13[%dma_wait3A_178, %dma_wait3A_179] : memref<10240x64xf32, #tpu.memory_space<vmem_shared>> -> memref<10240x64xf32, #tpu.memory_space<vmem_shared>>
    tpu.wait_indirect_dma semaphore(%arg18 : memref<!tpu.dma_semaphore, #tpu.memory_space<semaphore_mem>>) src(%dma_wait3A_180 : memref<10240x64xf32, #tpu.memory_space<vmem_shared>>) dst(%arg10 : memref<128x64xf32, #tpu.memory_space<vmem>>)
    %dma_start3A_181 = arith.constant 0 : i32
    %dma_start3A_182 = arith.constant 15 : i32
    %dma_start3A_183 = arith.constant 0 : i32
    %dma_start3A_184 = tpu.memref_slice %arg8[%dma_start3A_181, %dma_start3A_182, %dma_start3A_183] : memref<3x16x128xi32, #tpu.memory_space<vmem>> -> memref<1x1x128xi32, #tpu.memory_space<vmem>>
    %dma_start3A_185 = tpu.memref_squeeze %dma_start3A_184 : memref<1x1x128xi32, #tpu.memory_space<vmem>> -> memref<128xi32, #tpu.memory_space<vmem>>
    %dma_start3A_186 = arith.constant 0 : i32
    %dma_start3A_187 = arith.constant 0 : i32
    %dma_start3A_188 = tpu.memref_slice %arg14[%dma_start3A_186, %dma_start3A_187] : memref<10240x64xf32, #tpu.memory_space<vmem_shared>> -> memref<10240x64xf32, #tpu.memory_space<vmem_shared>>
    tpu.enqueue_indirect_dma source(%arg10 : memref<128x64xf32, #tpu.memory_space<vmem>>) target(%dma_start3A_188 : memref<10240x64xf32, #tpu.memory_space<vmem_shared>>) offsets(%dma_start3A_185 : memref<128xi32, #tpu.memory_space<vmem>>) semaphore(%arg20 : memref<!tpu.dma_semaphore, #tpu.memory_space<semaphore_mem>>) {add = true}
    %eq3A_189 = arith.constant 1 : i32
    %eq3A_190 = arith.cmpi eq, %arg0, %eq3A_189 : i32
    %convert_element_type3A_191 = arith.extui %eq3A_190 : i1 to i32
    %cond3A_192 = arith.constant 0 : i32
    %cond3A_193 = arith.cmpi ne, %convert_element_type3A_191, %cond3A_192 : i32
    scf.if %cond3A_193 {
      %dma_wait3A_211 = arith.constant 0 : i32
      %dma_wait3A_212 = arith.constant 0 : i32
      %dma_wait3A_213 = tpu.memref_slice %arg6[%arg0, %dma_wait3A_211, %dma_wait3A_212] : memref<2x10240x16xf32, #tpu.memory_space<hbm>> -> memref<1x128x16xf32, #tpu.memory_space<hbm>>
      %dma_wait3A_214 = tpu.memref_squeeze %dma_wait3A_213 : memref<1x128x16xf32, #tpu.memory_space<hbm>> -> memref<128x16xf32, #tpu.memory_space<hbm>>
      %dma_wait3A_215 = arith.constant 0 : i32
      %dma_wait3A_216 = arith.constant 0 : i32
      %dma_wait3A_217 = tpu.memref_slice %arg6[%arg0, %dma_wait3A_215, %dma_wait3A_216] : memref<2x10240x16xf32, #tpu.memory_space<hbm>> -> memref<1x128x16xf32, #tpu.memory_space<hbm>>
      %dma_wait3A_218 = tpu.memref_squeeze %dma_wait3A_217 : memref<1x128x16xf32, #tpu.memory_space<hbm>> -> memref<128x16xf32, #tpu.memory_space<hbm>>
      tpu.wait_dma2 semaphore(%arg21 : memref<!tpu.dma_semaphore, #tpu.memory_space<semaphore_mem>>) src(%dma_wait3A_218 : memref<128x16xf32, #tpu.memory_space<hbm>>) dst(%arg11 : memref<128x16xf32, #tpu.memory_space<vmem>>)
      %dma_start3A_219 = arith.constant 0 : i32
      %dma_start3A_220 = arith.constant 15 : i32
      %dma_start3A_221 = arith.constant 0 : i32
      %dma_start3A_222 = tpu.memref_slice %arg8[%dma_start3A_219, %dma_start3A_220, %dma_start3A_221] : memref<3x16x128xi32, #tpu.memory_space<vmem>> -> memref<1x1x128xi32, #tpu.memory_space<vmem>>
      %dma_start3A_223 = tpu.memref_squeeze %dma_start3A_222 : memref<1x1x128xi32, #tpu.memory_space<vmem>> -> memref<128xi32, #tpu.memory_space<vmem>>
      %dma_start3A_224 = arith.constant 0 : i32
      %dma_start3A_225 = arith.constant 0 : i32
      %dma_start3A_226 = tpu.memref_slice %arg15[%dma_start3A_224, %dma_start3A_225] : memref<10240x16xf32, #tpu.memory_space<vmem_shared>> -> memref<10240x16xf32, #tpu.memory_space<vmem_shared>>
      tpu.enqueue_indirect_dma source(%arg11 : memref<128x16xf32, #tpu.memory_space<vmem>>) target(%dma_start3A_226 : memref<10240x16xf32, #tpu.memory_space<vmem_shared>>) offsets(%dma_start3A_223 : memref<128xi32, #tpu.memory_space<vmem>>) semaphore(%arg21 : memref<!tpu.dma_semaphore, #tpu.memory_space<semaphore_mem>>) {add = true}
    } else {
    }
    %dma_wait3A_194 = arith.constant 0 : i32
    %dma_wait3A_195 = arith.constant 0 : i32
    %dma_wait3A_196 = tpu.memref_slice %arg2[%arg0, %dma_wait3A_194, %dma_wait3A_195] : memref<2x10240x64xf32, #tpu.memory_space<hbm>> -> memref<1x128x64xf32, #tpu.memory_space<hbm>>
    %dma_wait3A_197 = tpu.memref_squeeze %dma_wait3A_196 : memref<1x128x64xf32, #tpu.memory_space<hbm>> -> memref<128x64xf32, #tpu.memory_space<hbm>>
    %dma_wait3A_198 = arith.constant 0 : i32
    %dma_wait3A_199 = arith.constant 0 : i32
    %dma_wait3A_200 = tpu.memref_slice %arg2[%arg0, %dma_wait3A_198, %dma_wait3A_199] : memref<2x10240x64xf32, #tpu.memory_space<hbm>> -> memref<1x128x64xf32, #tpu.memory_space<hbm>>
    %dma_wait3A_201 = tpu.memref_squeeze %dma_wait3A_200 : memref<1x128x64xf32, #tpu.memory_space<hbm>> -> memref<128x64xf32, #tpu.memory_space<hbm>>
    tpu.wait_dma2 semaphore(%arg20 : memref<!tpu.dma_semaphore, #tpu.memory_space<semaphore_mem>>) src(%dma_wait3A_201 : memref<128x64xf32, #tpu.memory_space<hbm>>) dst(%arg10 : memref<128x64xf32, #tpu.memory_space<vmem>>)
    %dma_wait3A_202 = arith.constant 0 : i32
    %dma_wait3A_203 = arith.constant 0 : i32
    %dma_wait3A_204 = tpu.memref_slice %arg6[%arg0, %dma_wait3A_202, %dma_wait3A_203] : memref<2x10240x16xf32, #tpu.memory_space<hbm>> -> memref<1x128x16xf32, #tpu.memory_space<hbm>>
    %dma_wait3A_205 = tpu.memref_squeeze %dma_wait3A_204 : memref<1x128x16xf32, #tpu.memory_space<hbm>> -> memref<128x16xf32, #tpu.memory_space<hbm>>
    %dma_wait3A_206 = arith.constant 0 : i32
    %dma_wait3A_207 = arith.constant 0 : i32
    %dma_wait3A_208 = tpu.memref_slice %arg6[%arg0, %dma_wait3A_206, %dma_wait3A_207] : memref<2x10240x16xf32, #tpu.memory_space<hbm>> -> memref<1x128x16xf32, #tpu.memory_space<hbm>>
    %dma_wait3A_209 = tpu.memref_squeeze %dma_wait3A_208 : memref<1x128x16xf32, #tpu.memory_space<hbm>> -> memref<128x16xf32, #tpu.memory_space<hbm>>
    tpu.wait_dma2 semaphore(%arg21 : memref<!tpu.dma_semaphore, #tpu.memory_space<semaphore_mem>>) src(%dma_wait3A_209 : memref<128x16xf32, #tpu.memory_space<hbm>>) dst(%arg11 : memref<128x16xf32, #tpu.memory_space<vmem>>)
    %barrier3A_210 = arith.constant 0 : index
    tpu.barrier barrier_id(%barrier3A_210)
    "tpu.region"() ({
      %run_scoped3A = tpu.sem_alloc : memref<!tpu.dma_semaphore, #tpu.memory_space<semaphore_mem>>
      %dma_start3A_211 = arith.constant 0 : i32
      %dma_start3A_212 = tpu.memref_slice %arg5[%arg0, %mul3A_0, %dma_start3A_211] : memref<2x10240x64xf32, #tpu.memory_space<hbm>> -> memref<1x640x64xf32, #tpu.memory_space<hbm>>
      %dma_start3A_213 = tpu.memref_squeeze %dma_start3A_212 : memref<1x640x64xf32, #tpu.memory_space<hbm>> -> memref<640x64xf32, #tpu.memory_space<hbm>>
      %dma_start3A_214 = arith.constant 0 : i32
      %dma_start3A_215 = tpu.memref_slice %arg14[%mul3A_0, %dma_start3A_214] : memref<10240x64xf32, #tpu.memory_space<vmem_shared>> -> memref<640x64xf32, #tpu.memory_space<vmem_shared>>
      tpu.enqueue_dma source(%dma_start3A_215 : memref<640x64xf32, #tpu.memory_space<vmem_shared>>) target(%dma_start3A_213 : memref<640x64xf32, #tpu.memory_space<hbm>>) target_semaphore(%run_scoped3A : memref<!tpu.dma_semaphore, #tpu.memory_space<semaphore_mem>>)
      %dma_wait3A_216 = arith.constant 0 : i32
      %dma_wait3A_217 = tpu.memref_slice %arg5[%arg0, %mul3A_0, %dma_wait3A_216] : memref<2x10240x64xf32, #tpu.memory_space<hbm>> -> memref<1x640x64xf32, #tpu.memory_space<hbm>>
      %dma_wait3A_218 = tpu.memref_squeeze %dma_wait3A_217 : memref<1x640x64xf32, #tpu.memory_space<hbm>> -> memref<640x64xf32, #tpu.memory_space<hbm>>
      %dma_wait3A_219 = arith.constant 0 : i32
      %dma_wait3A_220 = tpu.memref_slice %arg14[%mul3A_0, %dma_wait3A_219] : memref<10240x64xf32, #tpu.memory_space<vmem_shared>> -> memref<640x64xf32, #tpu.memory_space<vmem_shared>>
      tpu.wait_dma2 semaphore(%run_scoped3A : memref<!tpu.dma_semaphore, #tpu.memory_space<semaphore_mem>>) src(%dma_wait3A_220 : memref<640x64xf32, #tpu.memory_space<vmem_shared>>) dst(%dma_wait3A_218 : memref<640x64xf32, #tpu.memory_space<hbm>>)
      tpu.yield
    }) : () -> ()
    "tpu.region"() ({
      %run_scoped3A = tpu.sem_alloc : memref<!tpu.dma_semaphore, #tpu.memory_space<semaphore_mem>>
      %dma_start3A_211 = arith.constant 0 : i32
      %dma_start3A_212 = tpu.memref_slice %arg6[%arg0, %mul3A_0, %dma_start3A_211] : memref<2x10240x16xf32, #tpu.memory_space<hbm>> -> memref<1x640x16xf32, #tpu.memory_space<hbm>>
      %dma_start3A_213 = tpu.memref_squeeze %dma_start3A_212 : memref<1x640x16xf32, #tpu.memory_space<hbm>> -> memref<640x16xf32, #tpu.memory_space<hbm>>
      %dma_start3A_214 = arith.constant 0 : i32
      %dma_start3A_215 = tpu.memref_slice %arg15[%mul3A_0, %dma_start3A_214] : memref<10240x16xf32, #tpu.memory_space<vmem_shared>> -> memref<640x16xf32, #tpu.memory_space<vmem_shared>>
      tpu.enqueue_dma source(%dma_start3A_215 : memref<640x16xf32, #tpu.memory_space<vmem_shared>>) target(%dma_start3A_213 : memref<640x16xf32, #tpu.memory_space<hbm>>) target_semaphore(%run_scoped3A : memref<!tpu.dma_semaphore, #tpu.memory_space<semaphore_mem>>)
      %dma_wait3A_216 = arith.constant 0 : i32
      %dma_wait3A_217 = tpu.memref_slice %arg6[%arg0, %mul3A_0, %dma_wait3A_216] : memref<2x10240x16xf32, #tpu.memory_space<hbm>> -> memref<1x640x16xf32, #tpu.memory_space<hbm>>
      %dma_wait3A_218 = tpu.memref_squeeze %dma_wait3A_217 : memref<1x640x16xf32, #tpu.memory_space<hbm>> -> memref<640x16xf32, #tpu.memory_space<hbm>>
      %dma_wait3A_219 = arith.constant 0 : i32
      %dma_wait3A_220 = tpu.memref_slice %arg15[%mul3A_0, %dma_wait3A_219] : memref<10240x16xf32, #tpu.memory_space<vmem_shared>> -> memref<640x16xf32, #tpu.memory_space<vmem_shared>>
      tpu.wait_dma2 semaphore(%run_scoped3A : memref<!tpu.dma_semaphore, #tpu.memory_space<semaphore_mem>>) src(%dma_wait3A_220 : memref<640x16xf32, #tpu.memory_space<vmem_shared>>) dst(%dma_wait3A_218 : memref<640x16xf32, #tpu.memory_space<hbm>>)
      tpu.yield
    }) : () -> ()
    return
  }
}

module attributes {stable_mosaic.version = 14 : i64} {
  func.func @body(%arg0: i32, %arg1: memref<2x2048x64xf32, #tpu.memory_space<vmem>>, %arg2: memref<128x128xf32, #tpu.memory_space<vmem>>, %arg3: memref<1x128xf32, #tpu.memory_space<vmem>>, %arg4: memref<128x128xf32, #tpu.memory_space<vmem>>, %arg5: memref<2048x128xf32, #tpu.memory_space<vmem>>, %arg6: memref<2048x128xf32, #tpu.memory_space<vmem>>) attributes {dimension_semantics = [#tpu.dimension_semantics<arbitrary>], iteration_bounds = array<i64: 5>, scalar_prefetch = 0 : i64, scratch_operands = 0 : i64, tpu.core_type = #tpu.core_type<tc>, window_params = [{transform_indices = @transform_0, window_bounds = array<i64: 2, 2048, 64>}, {pipeline_mode = #tpu.pipeline_mode<synchronous>, transform_indices = @transform_1, window_bounds = array<i64: 128, 128>}, {pipeline_mode = #tpu.pipeline_mode<synchronous>, transform_indices = @transform_2, window_bounds = array<i64: 1, 128>}, {pipeline_mode = #tpu.pipeline_mode<synchronous>, transform_indices = @transform_3, window_bounds = array<i64: 128, 128>}, {transform_indices = @transform_4, window_bounds = array<i64: 2048, 128>}, {transform_indices = @transform_5, window_bounds = array<i64: 2048, 128>}]} {
    %get3A = arith.constant 0 : index
    %get3A_0 = arith.constant 0 : index
    %get3A_1 = arith.constant 0 : index
    %get3A_2 = vector.load %arg1[%get3A, %get3A_0, %get3A_1] : memref<2x2048x64xf32, #tpu.memory_space<vmem>>, vector<1x2048x64xf32>
    %get3A_3 = vector.shape_cast %get3A_2 : vector<1x2048x64xf32> to vector<2048x64xf32>
    %get3A_4 = arith.constant 1 : index
    %get3A_5 = arith.constant 0 : index
    %get3A_6 = arith.constant 0 : index
    %get3A_7 = vector.load %arg1[%get3A_4, %get3A_5, %get3A_6] : memref<2x2048x64xf32, #tpu.memory_space<vmem>>, vector<1x2048x64xf32>
    %get3A_8 = vector.shape_cast %get3A_7 : vector<1x2048x64xf32> to vector<2048x64xf32>
    %concatenate3A = tpu.concatenate %get3A_3, %get3A_8 in 1 : vector<2048x64xf32>, vector<2048x64xf32> -> vector<2048x128xf32>
    %get3A_9 = arith.constant 0 : index
    %get3A_10 = arith.constant 0 : index
    %get3A_11 = vector.load %arg2[%get3A_9, %get3A_10] : memref<128x128xf32, #tpu.memory_space<vmem>>, vector<128x128xf32>
    %dot_general3A = arith.constant dense<0.000000e+00> : vector<2048x128xf32>
    %dot_general3A_12 = tpu.matmul %concatenate3A, %get3A_11, %dot_general3A {dimension_numbers = #tpu.dot_dimension_numbers<[1], [0], [0], [1], [0, 0, 1, 1], [], []>, transpose_lhs_hint = false} : vector<2048x128xf32>, vector<128x128xf32>, vector<2048x128xf32> -> vector<2048x128xf32>
    %get3A_13 = arith.constant 0 : index
    %get3A_14 = arith.constant 0 : index
    %get3A_15 = vector.load %arg3[%get3A_13, %get3A_14] : memref<1x128xf32, #tpu.memory_space<vmem>>, vector<1x128xf32>
    %add3A = vector.broadcast %get3A_15 : vector<1x128xf32> to vector<2048x128xf32>
    %add3A_16 = arith.addf %dot_general3A_12, %add3A : vector<2048x128xf32>
    %swap3A = arith.constant 0 : index
    %swap3A_17 = arith.constant 0 : index
    %swap3A_18 = vector.load %arg5[%swap3A, %swap3A_17] : memref<2048x128xf32, #tpu.memory_space<vmem>>, vector<2048x128xf32>
    tpu.vector_store %arg5[%swap3A, %swap3A_17], %add3A_16 {strides = array<i32>} : memref<2048x128xf32, #tpu.memory_space<vmem>>, vector<2048x128xf32>,
    %get3A_19 = arith.constant 0 : index
    %get3A_20 = arith.constant 0 : index
    %get3A_21 = vector.load %arg4[%get3A_19, %get3A_20] : memref<128x128xf32, #tpu.memory_space<vmem>>, vector<128x128xf32>
    %dot_general3A_22 = arith.constant dense<0.000000e+00> : vector<2048x128xf32>
    %dot_general3A_23 = tpu.matmul %concatenate3A, %get3A_21, %dot_general3A_22 {dimension_numbers = #tpu.dot_dimension_numbers<[1], [0], [0], [1], [0, 0, 1, 1], [], []>, transpose_lhs_hint = false} : vector<2048x128xf32>, vector<128x128xf32>, vector<2048x128xf32> -> vector<2048x128xf32>
    %swap3A_24 = arith.constant 0 : index
    %swap3A_25 = arith.constant 0 : index
    %swap3A_26 = vector.load %arg6[%swap3A_24, %swap3A_25] : memref<2048x128xf32, #tpu.memory_space<vmem>>, vector<2048x128xf32>
    tpu.vector_store %arg6[%swap3A_24, %swap3A_25], %dot_general3A_23 {strides = array<i32>} : memref<2048x128xf32, #tpu.memory_space<vmem>>, vector<2048x128xf32>,
    return
  }
  func.func @transform_0(%arg0: i32) -> (i32, i32, i32) {
    %c0_i32 = arith.constant 0 : i32
    %c0_i32_0 = arith.constant 0 : i32
    %c0_i32_1 = arith.constant 0 : i32
    return %c0_i32, %arg0, %c0_i32_0 : i32, i32, i32
  }
  func.func @transform_1(%arg0: i32) -> (i32, i32) {
    %c0_i32 = arith.constant 0 : i32
    %c0_i32_0 = arith.constant 0 : i32
    %c0_i32_1 = arith.constant 0 : i32
    return %c0_i32, %c0_i32_0 : i32, i32
  }
  func.func @transform_2(%arg0: i32) -> (i32, i32) {
    %c0_i32 = arith.constant 0 : i32
    %c0_i32_0 = arith.constant 0 : i32
    %c0_i32_1 = arith.constant 0 : i32
    return %c0_i32, %c0_i32_0 : i32, i32
  }
  func.func @transform_3(%arg0: i32) -> (i32, i32) {
    %c0_i32 = arith.constant 0 : i32
    %c0_i32_0 = arith.constant 0 : i32
    %c0_i32_1 = arith.constant 0 : i32
    return %c0_i32, %c0_i32_0 : i32, i32
  }
  func.func @transform_4(%arg0: i32) -> (i32, i32) {
    %c0_i32 = arith.constant 0 : i32
    %c0_i32_0 = arith.constant 0 : i32
    return %arg0, %c0_i32 : i32, i32
  }
  func.func @transform_5(%arg0: i32) -> (i32, i32) {
    %c0_i32 = arith.constant 0 : i32
    %c0_i32_0 = arith.constant 0 : i32
    return %arg0, %c0_i32 : i32, i32
  }
}

module attributes {stable_mosaic.version = 14 : i64} {
  func.func @body(%arg0: i32, %arg1: memref<2048x128xf32, #tpu.memory_space<vmem>>, %arg2: memref<2x2048x64xf32, #tpu.memory_space<vmem>>, %arg3: memref<2x2048x16xf32, #tpu.memory_space<vmem>>, %arg4: memref<128x128xf32, #tpu.memory_space<vmem>>, %arg5: memref<2x2048x64xf32, #tpu.memory_space<vmem>>) attributes {dimension_semantics = [#tpu.dimension_semantics<arbitrary>], iteration_bounds = array<i64: 5>, scalar_prefetch = 0 : i64, scratch_operands = 0 : i64, tpu.core_type = #tpu.core_type<tc>, window_params = [{transform_indices = @transform_0, window_bounds = array<i64: 2048, 128>}, {transform_indices = @transform_1, window_bounds = array<i64: 2, 2048, 64>}, {transform_indices = @transform_2, window_bounds = array<i64: 2, 2048, 16>}, {pipeline_mode = #tpu.pipeline_mode<synchronous>, transform_indices = @transform_3, window_bounds = array<i64: 128, 128>}, {transform_indices = @transform_4, window_bounds = array<i64: 2, 2048, 64>}]} {
    %get3A = arith.constant 0 : index
    %get3A_0 = arith.constant 0 : index
    %get3A_1 = arith.constant 0 : index
    %get3A_2 = vector.load %arg2[%get3A, %get3A_0, %get3A_1] : memref<2x2048x64xf32, #tpu.memory_space<vmem>>, vector<1x2048x64xf32>
    %get3A_3 = vector.shape_cast %get3A_2 : vector<1x2048x64xf32> to vector<2048x64xf32>
    %get3A_4 = arith.constant 1 : index
    %get3A_5 = arith.constant 0 : index
    %get3A_6 = arith.constant 0 : index
    %get3A_7 = vector.load %arg2[%get3A_4, %get3A_5, %get3A_6] : memref<2x2048x64xf32, #tpu.memory_space<vmem>>, vector<1x2048x64xf32>
    %get3A_8 = vector.shape_cast %get3A_7 : vector<1x2048x64xf32> to vector<2048x64xf32>
    %concatenate3A = tpu.concatenate %get3A_3, %get3A_8 in 1 : vector<2048x64xf32>, vector<2048x64xf32> -> vector<2048x128xf32>
    %get3A_9 = arith.constant 0 : index
    %get3A_10 = arith.constant 0 : index
    %get3A_11 = arith.constant 0 : index
    %get3A_12 = vector.load %arg3[%get3A_9, %get3A_10, %get3A_11] : memref<2x2048x16xf32, #tpu.memory_space<vmem>>, vector<1x2048x1xf32>
    %get3A_13 = vector.shape_cast %get3A_12 : vector<1x2048x1xf32> to vector<2048x1xf32>
    %get3A_14 = arith.constant 1 : index
    %get3A_15 = arith.constant 0 : index
    %get3A_16 = arith.constant 0 : index
    %get3A_17 = vector.load %arg3[%get3A_14, %get3A_15, %get3A_16] : memref<2x2048x16xf32, #tpu.memory_space<vmem>>, vector<1x2048x1xf32>
    %get3A_18 = vector.shape_cast %get3A_17 : vector<1x2048x1xf32> to vector<2048x1xf32>
    %add3A = arith.addf %get3A_13, %get3A_18 : vector<2048x1xf32>
    %max3A = arith.constant 1.000000e+00 : f32
    %max3A_19 = vector.broadcast %max3A : f32 to vector<2048x1xf32>
    %max3A_20 = arith.maximumf %add3A, %max3A_19 : vector<2048x1xf32>
    %div3A = vector.broadcast %max3A_20 : vector<2048x1xf32> to vector<2048x128xf32>
    %div3A_21 = arith.divf %concatenate3A, %div3A : vector<2048x128xf32>
    %get3A_22 = arith.constant 0 : index
    %get3A_23 = arith.constant 0 : index
    %get3A_24 = vector.load %arg1[%get3A_22, %get3A_23] : memref<2048x128xf32, #tpu.memory_space<vmem>>, vector<2048x128xf32>
    %get3A_25 = arith.constant 0 : index
    %get3A_26 = arith.constant 0 : index
    %get3A_27 = vector.load %arg4[%get3A_25, %get3A_26] : memref<128x128xf32, #tpu.memory_space<vmem>>, vector<128x128xf32>
    %dot_general3A = arith.constant dense<0.000000e+00> : vector<2048x128xf32>
    %dot_general3A_28 = tpu.matmul %div3A_21, %get3A_27, %dot_general3A {dimension_numbers = #tpu.dot_dimension_numbers<[1], [0], [0], [1], [0, 0, 1, 1], [], []>, transpose_lhs_hint = false} : vector<2048x128xf32>, vector<128x128xf32>, vector<2048x128xf32> -> vector<2048x128xf32>
    %add3A_29 = arith.addf %get3A_24, %dot_general3A_28 : vector<2048x128xf32>
    %max3A_30 = arith.constant 0.000000e+00 : f32
    %max3A_31 = vector.broadcast %max3A_30 : f32 to vector<2048x128xf32>
    %max3A_32 = arith.maximumf %add3A_29, %max3A_31 : vector<2048x128xf32>
    %slice3A = vector.extract_strided_slice %max3A_32 {offsets = [0, 0], sizes = [2048, 64], strides = [1, 1]} : vector<2048x128xf32> to vector<2048x64xf32>
    %swap3A = arith.constant 0 : index
    %swap3A_33 = arith.constant 0 : index
    %swap3A_34 = arith.constant 0 : index
    %swap3A_35 = vector.load %arg5[%swap3A, %swap3A_33, %swap3A_34] : memref<2x2048x64xf32, #tpu.memory_space<vmem>>, vector<1x2048x64xf32>
    %swap3A_36 = vector.shape_cast %swap3A_35 : vector<1x2048x64xf32> to vector<2048x64xf32>
    %swap3A_37 = vector.shape_cast %slice3A : vector<2048x64xf32> to vector<1x2048x64xf32>
    tpu.vector_store %arg5[%swap3A, %swap3A_33, %swap3A_34], %swap3A_37 {strides = array<i32>} : memref<2x2048x64xf32, #tpu.memory_space<vmem>>, vector<1x2048x64xf32>,
    %slice3A_38 = vector.extract_strided_slice %max3A_32 {offsets = [0, 64], sizes = [2048, 64], strides = [1, 1]} : vector<2048x128xf32> to vector<2048x64xf32>
    %swap3A_39 = arith.constant 1 : index
    %swap3A_40 = arith.constant 0 : index
    %swap3A_41 = arith.constant 0 : index
    %swap3A_42 = vector.load %arg5[%swap3A_39, %swap3A_40, %swap3A_41] : memref<2x2048x64xf32, #tpu.memory_space<vmem>>, vector<1x2048x64xf32>
    %swap3A_43 = vector.shape_cast %swap3A_42 : vector<1x2048x64xf32> to vector<2048x64xf32>
    %swap3A_44 = vector.shape_cast %slice3A_38 : vector<2048x64xf32> to vector<1x2048x64xf32>
    tpu.vector_store %arg5[%swap3A_39, %swap3A_40, %swap3A_41], %swap3A_44 {strides = array<i32>} : memref<2x2048x64xf32, #tpu.memory_space<vmem>>, vector<1x2048x64xf32>,
    return
  }
  func.func @transform_0(%arg0: i32) -> (i32, i32) {
    %c0_i32 = arith.constant 0 : i32
    %c0_i32_0 = arith.constant 0 : i32
    return %arg0, %c0_i32 : i32, i32
  }
  func.func @transform_1(%arg0: i32) -> (i32, i32, i32) {
    %c0_i32 = arith.constant 0 : i32
    %c0_i32_0 = arith.constant 0 : i32
    %c0_i32_1 = arith.constant 0 : i32
    return %c0_i32, %arg0, %c0_i32_0 : i32, i32, i32
  }
  func.func @transform_2(%arg0: i32) -> (i32, i32, i32) {
    %c0_i32 = arith.constant 0 : i32
    %c0_i32_0 = arith.constant 0 : i32
    %c0_i32_1 = arith.constant 0 : i32
    return %c0_i32, %arg0, %c0_i32_0 : i32, i32, i32
  }
  func.func @transform_3(%arg0: i32) -> (i32, i32) {
    %c0_i32 = arith.constant 0 : i32
    %c0_i32_0 = arith.constant 0 : i32
    %c0_i32_1 = arith.constant 0 : i32
    return %c0_i32, %c0_i32_0 : i32, i32
  }
  func.func @transform_4(%arg0: i32) -> (i32, i32, i32) {
    %c0_i32 = arith.constant 0 : i32
    %c0_i32_0 = arith.constant 0 : i32
    %c0_i32_1 = arith.constant 0 : i32
    return %c0_i32, %arg0, %c0_i32_0 : i32, i32, i32
  }
}

module attributes {stable_mosaic.version = 14 : i64} {
  func.func @body(%arg0: i32, %arg1: memref<2x2048x64xf32, #tpu.memory_space<vmem>>, %arg2: memref<2048x128xf32, #tpu.memory_space<vmem>>, %arg3: memref<128x128xf32, #tpu.memory_space<vmem>>, %arg4: memref<1x128xf32, #tpu.memory_space<vmem>>, %arg5: memref<2048x128xf32, #tpu.memory_space<vmem>>) attributes {dimension_semantics = [#tpu.dimension_semantics<arbitrary>], iteration_bounds = array<i64: 5>, scalar_prefetch = 0 : i64, scratch_operands = 0 : i64, tpu.core_type = #tpu.core_type<tc>, window_params = [{transform_indices = @transform_0, window_bounds = array<i64: 2, 2048, 64>}, {transform_indices = @transform_1, window_bounds = array<i64: 2048, 128>}, {pipeline_mode = #tpu.pipeline_mode<synchronous>, transform_indices = @transform_2, window_bounds = array<i64: 128, 128>}, {pipeline_mode = #tpu.pipeline_mode<synchronous>, transform_indices = @transform_3, window_bounds = array<i64: 1, 128>}, {transform_indices = @transform_4, window_bounds = array<i64: 2048, 128>}]} {
    %get3A = arith.constant 0 : index
    %get3A_0 = arith.constant 0 : index
    %get3A_1 = arith.constant 0 : index
    %get3A_2 = vector.load %arg1[%get3A, %get3A_0, %get3A_1] : memref<2x2048x64xf32, #tpu.memory_space<vmem>>, vector<1x2048x64xf32>
    %get3A_3 = vector.shape_cast %get3A_2 : vector<1x2048x64xf32> to vector<2048x64xf32>
    %get3A_4 = arith.constant 1 : index
    %get3A_5 = arith.constant 0 : index
    %get3A_6 = arith.constant 0 : index
    %get3A_7 = vector.load %arg1[%get3A_4, %get3A_5, %get3A_6] : memref<2x2048x64xf32, #tpu.memory_space<vmem>>, vector<1x2048x64xf32>
    %get3A_8 = vector.shape_cast %get3A_7 : vector<1x2048x64xf32> to vector<2048x64xf32>
    %concatenate3A = tpu.concatenate %get3A_3, %get3A_8 in 1 : vector<2048x64xf32>, vector<2048x64xf32> -> vector<2048x128xf32>
    %get3A_9 = arith.constant 0 : index
    %get3A_10 = arith.constant 0 : index
    %get3A_11 = vector.load %arg3[%get3A_9, %get3A_10] : memref<128x128xf32, #tpu.memory_space<vmem>>, vector<128x128xf32>
    %dot_general3A = arith.constant dense<0.000000e+00> : vector<2048x128xf32>
    %dot_general3A_12 = tpu.matmul %concatenate3A, %get3A_11, %dot_general3A {dimension_numbers = #tpu.dot_dimension_numbers<[1], [0], [0], [1], [0, 0, 1, 1], [], []>, transpose_lhs_hint = false} : vector<2048x128xf32>, vector<128x128xf32>, vector<2048x128xf32> -> vector<2048x128xf32>
    %get3A_13 = arith.constant 0 : index
    %get3A_14 = arith.constant 0 : index
    %get3A_15 = vector.load %arg4[%get3A_13, %get3A_14] : memref<1x128xf32, #tpu.memory_space<vmem>>, vector<1x128xf32>
    %add3A = vector.broadcast %get3A_15 : vector<1x128xf32> to vector<2048x128xf32>
    %add3A_16 = arith.addf %dot_general3A_12, %add3A : vector<2048x128xf32>
    %get3A_17 = arith.constant 0 : index
    %get3A_18 = arith.constant 0 : index
    %get3A_19 = vector.load %arg2[%get3A_17, %get3A_18] : memref<2048x128xf32, #tpu.memory_space<vmem>>, vector<2048x128xf32>
    %add3A_20 = arith.addf %add3A_16, %get3A_19 : vector<2048x128xf32>
    %swap3A = arith.constant 0 : index
    %swap3A_21 = arith.constant 0 : index
    %swap3A_22 = vector.load %arg5[%swap3A, %swap3A_21] : memref<2048x128xf32, #tpu.memory_space<vmem>>, vector<2048x128xf32>
    tpu.vector_store %arg5[%swap3A, %swap3A_21], %add3A_20 {strides = array<i32>} : memref<2048x128xf32, #tpu.memory_space<vmem>>, vector<2048x128xf32>,
    return
  }
  func.func @transform_0(%arg0: i32) -> (i32, i32, i32) {
    %c0_i32 = arith.constant 0 : i32
    %c0_i32_0 = arith.constant 0 : i32
    %c0_i32_1 = arith.constant 0 : i32
    return %c0_i32, %arg0, %c0_i32_0 : i32, i32, i32
  }
  func.func @transform_1(%arg0: i32) -> (i32, i32) {
    %c0_i32 = arith.constant 0 : i32
    %c0_i32_0 = arith.constant 0 : i32
    return %arg0, %c0_i32 : i32, i32
  }
  func.func @transform_2(%arg0: i32) -> (i32, i32) {
    %c0_i32 = arith.constant 0 : i32
    %c0_i32_0 = arith.constant 0 : i32
    %c0_i32_1 = arith.constant 0 : i32
    return %c0_i32, %c0_i32_0 : i32, i32
  }
  func.func @transform_3(%arg0: i32) -> (i32, i32) {
    %c0_i32 = arith.constant 0 : i32
    %c0_i32_0 = arith.constant 0 : i32
    %c0_i32_1 = arith.constant 0 : i32
    return %c0_i32, %c0_i32_0 : i32, i32
  }
  func.func @transform_4(%arg0: i32) -> (i32, i32) {
    %c0_i32 = arith.constant 0 : i32
    %c0_i32_0 = arith.constant 0 : i32
    return %arg0, %c0_i32 : i32, i32
  }
}

module attributes {stable_mosaic.version = 14 : i64} {
  func.func @body(%arg0: i32, %arg1: memref<2048x128xf32, #tpu.memory_space<vmem>>, %arg2: memref<2x2048x64xf32, #tpu.memory_space<vmem>>, %arg3: memref<2x2048x16xf32, #tpu.memory_space<vmem>>, %arg4: memref<128x128xf32, #tpu.memory_space<vmem>>, %arg5: memref<128x128xf32, #tpu.memory_space<vmem>>, %arg6: memref<1x128xf32, #tpu.memory_space<vmem>>, %arg7: memref<2048x128xf32, #tpu.memory_space<vmem>>) attributes {dimension_semantics = [#tpu.dimension_semantics<arbitrary>], iteration_bounds = array<i64: 5>, scalar_prefetch = 0 : i64, scratch_operands = 0 : i64, tpu.core_type = #tpu.core_type<tc>, window_params = [{transform_indices = @transform_0, window_bounds = array<i64: 2048, 128>}, {transform_indices = @transform_1, window_bounds = array<i64: 2, 2048, 64>}, {transform_indices = @transform_2, window_bounds = array<i64: 2, 2048, 16>}, {pipeline_mode = #tpu.pipeline_mode<synchronous>, transform_indices = @transform_3, window_bounds = array<i64: 128, 128>}, {pipeline_mode = #tpu.pipeline_mode<synchronous>, transform_indices = @transform_4, window_bounds = array<i64: 128, 128>}, {pipeline_mode = #tpu.pipeline_mode<synchronous>, transform_indices = @transform_5, window_bounds = array<i64: 1, 128>}, {transform_indices = @transform_6, window_bounds = array<i64: 2048, 128>}]} {
    %get3A = arith.constant 0 : index
    %get3A_0 = arith.constant 0 : index
    %get3A_1 = arith.constant 0 : index
    %get3A_2 = vector.load %arg2[%get3A, %get3A_0, %get3A_1] : memref<2x2048x64xf32, #tpu.memory_space<vmem>>, vector<1x2048x64xf32>
    %get3A_3 = vector.shape_cast %get3A_2 : vector<1x2048x64xf32> to vector<2048x64xf32>
    %get3A_4 = arith.constant 1 : index
    %get3A_5 = arith.constant 0 : index
    %get3A_6 = arith.constant 0 : index
    %get3A_7 = vector.load %arg2[%get3A_4, %get3A_5, %get3A_6] : memref<2x2048x64xf32, #tpu.memory_space<vmem>>, vector<1x2048x64xf32>
    %get3A_8 = vector.shape_cast %get3A_7 : vector<1x2048x64xf32> to vector<2048x64xf32>
    %concatenate3A = tpu.concatenate %get3A_3, %get3A_8 in 1 : vector<2048x64xf32>, vector<2048x64xf32> -> vector<2048x128xf32>
    %get3A_9 = arith.constant 0 : index
    %get3A_10 = arith.constant 0 : index
    %get3A_11 = arith.constant 0 : index
    %get3A_12 = vector.load %arg3[%get3A_9, %get3A_10, %get3A_11] : memref<2x2048x16xf32, #tpu.memory_space<vmem>>, vector<1x2048x1xf32>
    %get3A_13 = vector.shape_cast %get3A_12 : vector<1x2048x1xf32> to vector<2048x1xf32>
    %get3A_14 = arith.constant 1 : index
    %get3A_15 = arith.constant 0 : index
    %get3A_16 = arith.constant 0 : index
    %get3A_17 = vector.load %arg3[%get3A_14, %get3A_15, %get3A_16] : memref<2x2048x16xf32, #tpu.memory_space<vmem>>, vector<1x2048x1xf32>
    %get3A_18 = vector.shape_cast %get3A_17 : vector<1x2048x1xf32> to vector<2048x1xf32>
    %add3A = arith.addf %get3A_13, %get3A_18 : vector<2048x1xf32>
    %max3A = arith.constant 1.000000e+00 : f32
    %max3A_19 = vector.broadcast %max3A : f32 to vector<2048x1xf32>
    %max3A_20 = arith.maximumf %add3A, %max3A_19 : vector<2048x1xf32>
    %div3A = vector.broadcast %max3A_20 : vector<2048x1xf32> to vector<2048x128xf32>
    %div3A_21 = arith.divf %concatenate3A, %div3A : vector<2048x128xf32>
    %get3A_22 = arith.constant 0 : index
    %get3A_23 = arith.constant 0 : index
    %get3A_24 = vector.load %arg1[%get3A_22, %get3A_23] : memref<2048x128xf32, #tpu.memory_space<vmem>>, vector<2048x128xf32>
    %get3A_25 = arith.constant 0 : index
    %get3A_26 = arith.constant 0 : index
    %get3A_27 = vector.load %arg4[%get3A_25, %get3A_26] : memref<128x128xf32, #tpu.memory_space<vmem>>, vector<128x128xf32>
    %dot_general3A = arith.constant dense<0.000000e+00> : vector<2048x128xf32>
    %dot_general3A_28 = tpu.matmul %div3A_21, %get3A_27, %dot_general3A {dimension_numbers = #tpu.dot_dimension_numbers<[1], [0], [0], [1], [0, 0, 1, 1], [], []>, transpose_lhs_hint = false} : vector<2048x128xf32>, vector<128x128xf32>, vector<2048x128xf32> -> vector<2048x128xf32>
    %add3A_29 = arith.addf %get3A_24, %dot_general3A_28 : vector<2048x128xf32>
    %get3A_30 = arith.constant 0 : index
    %get3A_31 = arith.constant 0 : index
    %get3A_32 = vector.load %arg5[%get3A_30, %get3A_31] : memref<128x128xf32, #tpu.memory_space<vmem>>, vector<128x128xf32>
    %dot_general3A_33 = arith.constant dense<0.000000e+00> : vector<2048x128xf32>
    %dot_general3A_34 = tpu.matmul %add3A_29, %get3A_32, %dot_general3A_33 {dimension_numbers = #tpu.dot_dimension_numbers<[1], [0], [0], [1], [0, 0, 1, 1], [], []>, transpose_lhs_hint = false} : vector<2048x128xf32>, vector<128x128xf32>, vector<2048x128xf32> -> vector<2048x128xf32>
    %get3A_35 = arith.constant 0 : index
    %get3A_36 = arith.constant 0 : index
    %get3A_37 = vector.load %arg6[%get3A_35, %get3A_36] : memref<1x128xf32, #tpu.memory_space<vmem>>, vector<1x128xf32>
    %add3A_38 = vector.broadcast %get3A_37 : vector<1x128xf32> to vector<2048x128xf32>
    %add3A_39 = arith.addf %dot_general3A_34, %add3A_38 : vector<2048x128xf32>
    %swap3A = arith.constant 0 : index
    %swap3A_40 = arith.constant 0 : index
    %swap3A_41 = vector.load %arg7[%swap3A, %swap3A_40] : memref<2048x128xf32, #tpu.memory_space<vmem>>, vector<2048x128xf32>
    tpu.vector_store %arg7[%swap3A, %swap3A_40], %add3A_39 {strides = array<i32>} : memref<2048x128xf32, #tpu.memory_space<vmem>>, vector<2048x128xf32>,
    return
  }
  func.func @transform_0(%arg0: i32) -> (i32, i32) {
    %c0_i32 = arith.constant 0 : i32
    %c0_i32_0 = arith.constant 0 : i32
    return %arg0, %c0_i32 : i32, i32
  }
  func.func @transform_1(%arg0: i32) -> (i32, i32, i32) {
    %c0_i32 = arith.constant 0 : i32
    %c0_i32_0 = arith.constant 0 : i32
    %c0_i32_1 = arith.constant 0 : i32
    return %c0_i32, %arg0, %c0_i32_0 : i32, i32, i32
  }
  func.func @transform_2(%arg0: i32) -> (i32, i32, i32) {
    %c0_i32 = arith.constant 0 : i32
    %c0_i32_0 = arith.constant 0 : i32
    %c0_i32_1 = arith.constant 0 : i32
    return %c0_i32, %arg0, %c0_i32_0 : i32, i32, i32
  }
  func.func @transform_3(%arg0: i32) -> (i32, i32) {
    %c0_i32 = arith.constant 0 : i32
    %c0_i32_0 = arith.constant 0 : i32
    %c0_i32_1 = arith.constant 0 : i32
    return %c0_i32, %c0_i32_0 : i32, i32
  }
  func.func @transform_4(%arg0: i32) -> (i32, i32) {
    %c0_i32 = arith.constant 0 : i32
    %c0_i32_0 = arith.constant 0 : i32
    %c0_i32_1 = arith.constant 0 : i32
    return %c0_i32, %c0_i32_0 : i32, i32
  }
  func.func @transform_5(%arg0: i32) -> (i32, i32) {
    %c0_i32 = arith.constant 0 : i32
    %c0_i32_0 = arith.constant 0 : i32
    %c0_i32_1 = arith.constant 0 : i32
    return %c0_i32, %c0_i32_0 : i32, i32
  }
  func.func @transform_6(%arg0: i32) -> (i32, i32) {
    %c0_i32 = arith.constant 0 : i32
    %c0_i32_0 = arith.constant 0 : i32
    return %arg0, %c0_i32 : i32, i32
  }
}

</mosaic_0001>

<sc_bundles>
// kernel: kernel.11.cloned.1.call-start
scs
__scs_entry_jumppad:
0x0: {  	(pc) =	sbr.rel $0x88, $3  }
0x1: {  	(tag) =	ssettag $0x0;
	lr =	simm.s32 $0x1  }
0x2: {  	[smem:$0x3F96] =	sst lr;
	_ =	strace $0xD0000000  }
0x3: {  	_ = 	snop  }
0x4: {  	_ = 	snop  }
0x5: {  	_ = 	snop  }
0x6: {  	_ = 	snop  }
0x7: {  	_ = 	snop  }
__scs_overlays_trampoline_lowered:
0x8: {  	[smem:$0x3FA5] =	sst s0  }
0x9: {  	[smem:$0x3FA6] =	sst s1  }
0xa: {  	[smem:$0x3FA7] =	sst s2  }
0xb: {  	[smem:$0x3FA8] =	sst s3  }
0xc: {  	[smem:$0x3FA9] =	sst s4  }
0xd: {  	[smem:$0x3FAA] =	sst s5  }
0xe: {  	[smem:$0x3FAB] =	sst s6  }
0xf: {  	[smem:$0x3FAC] =	sst s7  }
0x10: {  	[smem:$0x3FAD] =	sst s8  }
0x11: {  	[smem:$0x3FAE] =	sst s9;
	s0 =	simm.s32 @!p0 $0x0  }
0x12: {  	s1 =	sld [smem:$0x3F94];
	s0 =	simm.s32 @p0 $0x1  }
0x13: {  	[smem:$0x3FAF] =	sst s0;
	s0 =	simm.s32 @!p1 $0x0  }
0x14: {  	s2 =	sld [smem:$0x3F93];
	s0 =	simm.s32 @p1 $0x1  }
0x15: {  	[smem:$0x3FB0] =	sst s0;
	s0 =	simm.s32 @!p2 $0x0  }
0x16: {  	s3 =	sld [smem:$0x3FDB];
	s0 =	simm.s32 @p2 $0x1  }
0x17: {  	s4 =	simm.s32 $0x1BF5;
	[smem:$0x3FB2] =	sst s0  }
0x18: {  	s0 =	sld [smem:$0x3F95];
	_ =	swait.ge [sflag:s4], $0x0  }
0x19: {  	s7 =	sld [smem:$0x3F96]  }
0x1a: {  	s8 =	sadd.s32 $0xFFFFE003, lr  }
0x1b: {  	s9 =	sadd.s32 $0xFFFFFEF7, lr;
	s5 =	simm.s32 $0xFFFFFFFF;
	p2 =	slt.u32 s8, $0xFFFFF086  }
0x1c: {  	p1 =	slt.u32 s9, $0xF7A;
	s5 =	simm.s32 @!p2 $0x0  }
0x1d: {  	s5 =	simm.s32 @p1 $0x1;
	p0 =	seq.s32 s7, s2  }
0x1e: {  	s7 =	smul.u32 @!p0 $0xF7A, s2;
	p2 =	seq.s32 @!p0 s5, $0x0  }
0x1f: {  	s9 =	smul.u32 $0xF7A, s1;
	s8 =	simm.s32 @!p0 $0x1BF5;
	p2 =	por !p2, p0  }
0x20: {  	[sflag:s8] =	ssyncset.s32 @!p0 $0xFFFFF086;
	s6 =	sadd.s32 @!p0 s3, s7;
	s7 =	simm.s32 @!p0 $0x108  }
0x21: {  	s3 =	sadd.s32 s3, s9;
	s6 =	sadd.s32 @!p0 $0x88, s6;
	s7 =	simm.s32 @p2 $0x1082  }
0x22: {  	[simem:s7], [sflag:s8] =	dma.local @!p0 [hbm:s6], $0xF7A  }
0x23: {  	s9 =	sor.u32 $0xD0000000, s2;
	s6 =	simm.s32 $0x108;
	_ =	swait.ge @!p0 [sflag:s8], $0x0  }
0x24: {  	s3 =	sadd.s32 $0x88, s3;
	s6 =	simm.s32 @!p1 $0x1082;
	[sflag:s4] =	ssyncset.s32 $0xFFFFF086  }
0x25: {  	[simem:s6], [sflag:s4] =	dma.local [hbm:s3], $0xF7A  }
0x26: {  	[smem:$0x3F96] =	sst s1;
	(tag) =	ssettag s2;
	_ =	strace s9  }
0x27: {  	s1 =	sld [smem:$0x3FA6]  }
0x28: {  	s2 =	sld [smem:$0x3FA7]  }
0x29: {  	s4 =	sld [smem:$0x3FA9]  }
0x2a: {  	p0 =	seq.s32 s5, $0x0;
	s5 =	sld [smem:$0x3FAA]  }
0x2b: {  	s6 =	sld [smem:$0x3FAB]  }
0x2c: {  	s7 =	sld [smem:$0x3FAC]  }
0x2d: {  	s3 =	simm.s32 $0x108;
	s8 =	sld [smem:$0x3FAD]  }
0x2e: {  	s3 =	simm.s32 @!p0 $0x1082;
	s9 =	sld [smem:$0x3FAE]  }
0x2f: {  	lr =	sadd.s32 s0, s3;
	s0 =	sld [smem:$0x3FA5]  }
0x30: {  	s3 =	sld [smem:$0x3FA8]  }
0x31: {  	[smem:$0x3FB1] =	sst s10  }
0x32: {  	s10 =	sld [smem:$0x3FAF];
	_ =	sdelay $0x3  }
0x33: {  	p0 =	seq.s32 s10, $0x1;
	s10 =	sld [smem:$0x3FB1];
	_ =	sdelay $0x3  }
0x34: {  	[smem:$0x3FB1] =	sst s10  }
0x35: {  	s10 =	sld [smem:$0x3FB0];
	_ =	sdelay $0x3  }
0x36: {  	p1 =	seq.s32 s10, $0x1;
	s10 =	sld [smem:$0x3FB1];
	_ =	sdelay $0x3  }
0x37: {  	[smem:$0x3FB1] =	sst s10  }
0x38: {  	s10 =	sld [smem:$0x3FB2]  }
0x39: {  	_ = 	snop;
	(pc) =	sbr.ind lr, $3  }
0x3a: {  	_ = 	snop  }
0x3b: {  	_ = 	snop  }
0x3c: {  	p2 =	seq.s32 s10, $0x1;
	s10 =	sld [smem:$0x3FB1]  }
0x3d: {  	_ =	shalt  }
0x3e: {  	_ =	shalt  }
0x3f: {  	_ =	shalt  }
0x40: {  	_ =	shalt  }
0x41: {  	_ =	shalt  }
0x42: {  	_ =	shalt  }
0x43: {  	_ =	shalt  }
0x44: {  	_ =	shalt  }
0x45: {  	_ =	shalt  }
0x46: {  	_ =	shalt  }
0x47: {  	_ =	shalt  }
0x48: {  	_ =	shalt  }
0x49: {  	_ =	shalt  }
0x4a: {  	_ =	shalt  }
0x4b: {  	_ =	shalt  }
0x4c: {  	_ =	shalt  }
0x4d: {  	_ =	shalt  }
0x4e: {  	_ =	shalt  }
0x4f: {  	_ =	shalt  }
0x50: {  	_ =	shalt  }
0x51: {  	_ =	shalt  }
0x52: {  	_ =	shalt  }
0x53: {  	_ =	shalt  }
0x54: {  	_ =	shalt  }
0x55: {  	_ =	shalt  }
0x56: {  	_ =	shalt  }
0x57: {  	_ =	shalt  }
0x58: {  	_ =	shalt  }
0x59: {  	_ =	shalt  }
0x5a: {  	_ =	shalt  }
0x5b: {  	_ =	shalt  }
0x5c: {  	_ =	shalt  }
0x5d: {  	_ =	shalt  }
0x5e: {  	_ =	shalt  }
0x5f: {  	_ =	shalt  }
0x60: {  	_ =	shalt  }
0x61: {  	_ =	shalt  }
0x62: {  	_ =	shalt  }
0x63: {  	_ =	shalt  }
0x64: {  	_ =	shalt  }
0x65: {  	_ =	shalt  }
0x66: {  	_ =	shalt  }
0x67: {  	_ =	shalt  }
0x68: {  	_ =	shalt  }
0x69: {  	_ =	shalt  }
0x6a: {  	_ =	shalt  }
0x6b: {  	_ =	shalt  }
0x6c: {  	_ =	shalt  }
0x6d: {  	_ =	shalt  }
0x6e: {  	_ =	shalt  }
0x6f: {  	_ =	shalt  }
0x70: {  	_ =	shalt  }
0x71: {  	_ =	shalt  }
0x72: {  	_ =	shalt  }
0x73: {  	_ =	shalt  }
0x74: {  	_ =	shalt  }
0x75: {  	_ =	shalt  }
0x76: {  	_ =	shalt  }
0x77: {  	_ =	shalt  }
0x78: {  	_ =	shalt  }
0x79: {  	_ =	shalt  }
0x7a: {  	_ =	shalt  }
0x7b: {  	_ =	shalt  }
0x7c: {  	_ =	shalt  }
0x7d: {  	_ =	shalt  }
0x7e: {  	_ =	shalt  }
0x7f: {  	_ =	shalt  }
0x80: {  	_ =	shalt  }
0x81: {  	_ =	shalt  }
0x82: {  	_ =	shalt  }
0x83: {  	_ =	shalt  }
0x84: {  	_ =	shalt  }
0x85: {  	_ =	shalt  }
0x86: {  	_ =	shalt  }
0x87: {  	_ =	shalt  }
.Lfunc_end0:
.L_simem_size_0:
called_computation.1_lowered:
.L_overlay_start_0:
0x88: {  	s2 =	sld [smem:$0x3FD9]  }
0x89: {  	s3 =	sld [smem:$0x3FFE];
	_ =	sdelay $0x1  }
0x8a: {  	s1 =	srdreg.scid  }
0x8b: {  	s0 =	sand.u32 $0x1, s1  }
0x8c: {  	s16 =	sshll.u32 s0, $0xA;
	s2 =	sadd.s32 s3, s2  }
0x8d: {  	s2 =	sadd.s32 s2, s16  }
0x8e: {  	[smem:$0x3FBD] =	sst s2  }
0x8f: {  	_ = 	snop  }
0x90: {  	(tm) =	ssettm $0x1  }
0x91: {  	s17 =	sld [smem:$0x3FFB];
	_ =	sdelay $0x3  }
0x92: {  	_ =	strace s17  }
0x93: {  	s2 =	sld [smem:$0x3FFC];
	_ =	sdelay $0x3  }
0x94: {  	_ =	strace s2  }
0x95: {  	s2 =	sld [smem:$0x3FFD];
	_ =	sdelay $0x3  }
0x96: {  	_ =	strace s2  }
0x97: {  	_ =	strace $0x8FFFFFFF  }
0x98: {  	s18 =	sld [smem:$0x3FDB];
	_ =	sdelay $0x1  }
0x99: {  	s19 =	simm.s32 $_scs_section_size  }
0x9a: {  	s4 =	simm.s32 $_size__tile_overlayer_lowered;
	s5 =	simm.s32 $_tile_overlayer_lowered  }
0x9b: {  	s22 =	simm.s32 $0x1BFF;
	s21 =	sshll.u32 s5, $0x1;
	s2 =	sadd.s32 s19, s18  }
0x9c: {  	s6 =	simm.s32 $0x0;
	s20 =	sshll.u32 s4, $0x1;
	s4 =	sadd.s32 s21, s2  }
0x9d: {  	[timem:s6], [sflag:s22] =	dma.local [hbm:s4], s20  }
0x9e: {  	_ =	swait.ge [sflag:s22], s20  }
0x9f: {  	s3 =	ssub.s32 $0x0, s20;
	[sflag:s22] =	ssyncset.done $0x0  }
0xa0: {  	[sflag:s22] =	ssyncadd.s32 s3;
	_ =	sdelay $0x1  }
0xa1: {  	s23 =	simm.s32 $0x1B8B  }
0xa2: {  	_ =	swait.ge [sflag:s23], $0x1  }
0xa3: {  	[sflag:s23] =	ssyncset.done $0x0  }
0xa4: {  	s25 =	simm.s32 $0x1B8E;
	s24 =	sld [smem:$0x3FFE];
	[sflag:s23] =	ssyncadd.s32 $0xFFFFFFFF  }
0xa5: {  	s26 =	simm.s32 $execute0_lowered;
	[smem:$0x3FD2] =	sst s25  }
0xa6: {  	s4 =	sshll.u32 s26, $0x1;
	_ =	strace $0x80000049;
	[dreg:$0x1] =	wrdreg $0xFFFFFFFF  }
0xa7: {  	s28 =	simm.s32 $_size_execute0_lowered;
	s2 =	sadd.s32 s2, s4;
	[dreg:$0x0] =	wrdreg $0x0  }
0xa8: {  	s4 =	sshll.u32 s28, $0x1;
	[dreg:$0x2] =	wrdreg s2  }
0xa9: {  	[dreg:$0x3] =	wrdreg s4  }
0xaa: {  	[dreg:$0x4] =	wrdreg $0xC0  }
0xab: {  	_ =	task [dreg:s6], $0x5FFFF  }
0xac: {  	[dreg:$0x1] =	wrdreg $0xFFFFFFFF  }
0xad: {  	[dreg:$0x0] =	wrdreg $0x60  }
0xae: {  	[dreg:$0x2] =	wrdreg s24  }
0xaf: {  	[dreg:$0x3] =	wrdreg $0x80000  }
0xb0: {  	[dreg:$0x4] =	wrdreg $0x120000  }
0xb1: {  	[dreg:$0x5] =	wrdreg $0x9  }
0xb2: {  	_ =	task.clear_ibuf [dreg:s6], $0x6FFFF;
	_ =	strace $0x90000049  }
0xb3: {  	s29 =	simm.s32 $0x9;
	_ =	strace $0x8000004B  }
0xb4: {  	_ =	swait.ge [sflag:s29], $0x1  }
0xb5: {  	[sflag:s29] =	ssyncadd.s32 $0xFFFFFFFF  }
0xb6: {  	_ =	strace $0x9000004B  }
0xb7: {  	_ =	sfence  }
0xb8: {  	s30 =	sld [smem:$0x0];
	_ =	sdelay $0x2  }
0xb9: {  	s31 =	sshll.u32 s1, $0xD;
	s1 =	sshrl.u32 s1, $0x2  }
0xba: {  	s3 =	sand.u32 $0x4000, s31;
	s1 =	sadd.s32 s1, s30  }
0xbb: {  	s0 =	sor.u32 s3, s0;
	s1 =	sshll.u32 s1, $0x11  }
0xbc: {  	s0 =	sor.u32 s1, s0  }
0xbd: {  	s0 =	sadd.s32 $0x8F2B, s0  }
0xbe: {  	[sflag:s0] =	ssyncadd.remote.s32 $0x1  }
0xbf: {  	_ =	sfence.sel $0xFFFF  }
0xc0: {  	[dreg:$0x0] =	wrdreg $0xFFFFFFFF;
	(pc) =	sbr.abs _section_cstart, $3  }
0xc1: {  	[dreg:$0x1] =	wrdreg $0xFFFFFFFF  }
0xc2: {  	_ =	task.clear_ibuf [dreg:s6], $0x2FFFF;
	_ =	strace $0x9FFFFFFF  }
0xc3: {  	(tm) =	ssettm $0x7FFFFFFF  }
tec
execute0_lowered:
.L_overlay_start_1:
0x0: {  	(tag) =	ssettag $0x1  }
0x1: {  	s0 =	rddreg [dreg:$0x0]  }
0x2: {  	s2 =	rddreg [dreg:$0x1]  }
0x3: {  	s3 =	rddreg [dreg:$0x2]  }
0x4: {  	s1 =	srdreg.scid;
	s11 =	stileid.u32;
	s5 =	simm.s32 $0x0  }
0x5: {  	s13 =	simm.s32 $0x6;
	s28 =	simm.s32 $0x80;
	s4 =	smul.u32 $0xA000, s11  }
0x6: {  	s29 =	simm.s32 $0x5000;
	s30 =	simm.s32 $0x2;
	s8 =	smul.u32 $0xA00, s11  }
0x7: {  	s1 =	sand.u32 $0x1, s1;
	[smem:$0x7FF] =	sst s5;
	s9 =	smul.u32 $0x28000, s11  }
0x8: {  	s5 =	sadd.s32 $0x2A800, s0;
	s6 =	sadd.s32 $0x34800, s0;
	s23 =	smul.u32 $0x5000, s11  }
0x9: {  	s10 =	sshll.u32 s11, $0x6;
	s7 =	smul.u32 $0xA0000, s1;
	_ =	strace $0x8000004A  }
0xa: {  	s1 =	ssub.s32 $0x2, s1;
	s10 =	sor.u32 $0x1C06, s10;
	[dreg:$0x4] =	wrdreg s23  }
0xb: {  	s16 =	sadd.s32 s5, s8;
	s17 =	sadd.s32 s6, s8;
	[dreg:$0x8] =	wrdreg s10  }
0xc: {  	s18 =	sadd.s32 s4, s2;
	s22 =	sor.u32 $0x100, s8;
	[dreg:$0x5] =	wrdreg s16  }
0xd: {  	s9 =	sshrl.u32 s9, $0x2;
	[dreg:$0x6] =	wrdreg s17;
	s24 =	sadd.s32 s5, s22  }
0xe: {  	s9 =	sadd.s32 s9, s3;
	s26 =	sshrl.u32 s18, $0x3;
	[dreg:$0xe] =	wrdreg s24  }
0xf: {  	s15 =	sshrl.u32 s1, $0x1;
	s19 =	sadd.s32 $0x2000, s9;
	[dreg:$0x12] =	wrdreg s26  }
0x10: {  	s7 =	sadd.s32 s4, s7;
	s20 =	sadd.s32 $0x4000, s9;
	[dreg:$0xa] =	wrdreg s19  }
0x11: {  	s1 =	ssub.s32 s1, s15;
	s21 =	sadd.s32 $0x6000, s9;
	[dreg:$0xb] =	wrdreg s20  }
0x12: {  	s7 =	sshrl.u32 s7, $0x3;
	s9 =	sadd.s32 $0x8000, s9;
	[dreg:$0xc] =	wrdreg s21  }
0x13: {  	s25 =	smax.u32 s1, $0x1;
	s0 =	sadd.s32 s7, s0;
	[dreg:$0xd] =	wrdreg s9  }
0x14: {  	s31 =	simm.s32 $0x4;
	[dreg:$0x11] =	wrdreg s25;
	s12 =	sadd.s32 $0x2800, s0  }
0x15: {  	s11 =	simm.s32 $0x1800;
	s0 =	sadd.s32 $0x3E800, s0;
	[dreg:$0x7] =	wrdreg s12  }
0x16: {  	s12 =	sadd.s32 s4, s3;
	s4 =	sadd.s32 s6, s22;
	[dreg:$0x10] =	wrdreg s0  }
0x17: {  	s23 =	simm.s32 $0x3000;
	s1 =	simm.s32 $0x5;
	[dreg:$0xf] =	wrdreg s4  }
0x18: {  	v0 =	vimm.f32 $0.0e+00;
	v1 =	vimm.f32 $1.000000000e+00;
	s7 =	simm.s32 $0x0;
	s0 =	simm.s32 $0x3;
	[dreg:$0x9] =	wrdreg s12  }
.LBB2_1:
0x19: {  	[dreg:$0x13] =	wrdreg s7  }
0x1a: {  	s22 =	rddreg [dreg:$0x5]  }
0x1b: {  	s24 =	rddreg [dreg:$0x6]  }
0x1c: {  	s4 =	simm.s32 $0x0;
	s25 =	rddreg [dreg:$0x7]  }
0x1d: {  	[tilespmem:s4], [sflag:$0x1] =	stream.linear.gather [hbm4b:s22+s4], $0x800, $0x38;
	[tilespmem:$0x1C000] =	vst v63  }
0x1e: {  	s26 =	rddreg [dreg:$0x12]  }
0x1f: {  	[tilespmem:s11], [sflag:$0x1] =	stream.linear.gather [hbm4b:s24+s4], $0x800, $0x38;
	[tilespmem:$0x1C000] =	vst v63  }
0x20: {  	[spmem:s26], [sflag:s10] =	dma.local [hbm:s25], $0x1400  }
0x21: {  	_ =	swait.ge [sflag:s13], $0x1400  }
0x22: {  	[sflag:s13] =	ssyncset.done $0x0  }
0x23: {  	s7 =	simm.s32 $0x0;
	s4 =	simm.s32 $0x0;
	[sflag:s13] =	ssyncadd.s32 $0xFFFFEC00  }
.LBB2_2:
0x24: {  	p0 =	sne.s32 s7, $0x7FC0  }
.Ltmp0:
0x25: {  	_ = 	snop;
	(pc) =	sbr.rel @p0 .LBB2_2-.Ltmp0, $4  }
0x26: {  	s8 =	sand.u32 $0x7F00, s7  }
0x27: {  	s9 =	sand.u32 $0x30, s4;
	s8 =	sshrl.u32 s8, $0x2  }
0x28: {  	s8 =	sor.u32 s9, s8  }
0x29: {  	s4 =	sadd.s32 $0x10, s4;
	s7 =	sadd.s32 $0x40, s7;
	[tilespmem:s8+$0x3000] =	vst v0  }
0x2a: {  	s4 =	simm.s32 $0x40;
	s7 =	simm.s32 $0x0  }
.LBB2_4:
0x2b: {  	p0 =	sne.s32 s4, $0x1FC0;
	[tilespmem:s7+$0x7800] =	vst v0;
	s8 =	smov.u32 s4;
	s4 =	sadd.s32 $0x40, s4  }
.Ltmp1:
0x2c: {  	[tilespmem:s7+$0x7000] =	vst v1;
	(pc) =	sbr.rel @p0 .LBB2_4-.Ltmp1, $2  }
0x2d: {  	_ =	sdelay $0x2  }
0x2e: {  	s7 =	sshra.s32 s8, $0x2  }
0x2f: {  	[tilespmem:s7+$0x7800] =	vst v0  }
0x30: {  	[tilespmem:s7+$0x7000] =	vst v1  }
0x31: {  	[spmem:s12] =	stream.linear.scatter [tilespmem:s23], [sflag:$0x6], $0x2000, $0x38;
	[tilespmem:$0x1C000] =	vst v63  }
0x32: {  	_ =	swait.ge [sflag:s13], $0x2000  }
0x33: {  	[sflag:s13] =	ssyncset.done $0x0  }
0x34: {  	s4 =	rddreg [dreg:$0xa];
	[sflag:s13] =	ssyncadd.s32 $0xFFFFE000  }
0x35: {  	[spmem:s4] =	stream.linear.scatter [tilespmem:s23], [sflag:$0x6], $0x2000, $0x38;
	[tilespmem:$0x1C000] =	vst v63  }
0x36: {  	_ =	swait.ge [sflag:s13], $0x2000  }
0x37: {  	[sflag:s13] =	ssyncset.done $0x0  }
0x38: {  	s9 =	rddreg [dreg:$0xb];
	[sflag:s13] =	ssyncadd.s32 $0xFFFFE000  }
0x39: {  	[spmem:s9] =	stream.linear.scatter [tilespmem:s23], [sflag:$0x6], $0x2000, $0x38;
	[tilespmem:$0x1C000] =	vst v63  }
0x3a: {  	_ =	swait.ge [sflag:s13], $0x2000  }
0x3b: {  	[sflag:s13] =	ssyncset.done $0x0  }
0x3c: {  	s10 =	rddreg [dreg:$0xc];
	[sflag:s13] =	ssyncadd.s32 $0xFFFFE000  }
0x3d: {  	[spmem:s10] =	stream.linear.scatter [tilespmem:s23], [sflag:$0x6], $0x2000, $0x38;
	[tilespmem:$0x1C000] =	vst v63  }
0x3e: {  	_ =	swait.ge [sflag:s13], $0x2000  }
0x3f: {  	[sflag:s13] =	ssyncset.done $0x0  }
0x40: {  	s12 =	rddreg [dreg:$0xd];
	[sflag:s13] =	ssyncadd.s32 $0xFFFFE000  }
0x41: {  	[spmem:s12] =	stream.linear.scatter [tilespmem:s23], [sflag:$0x6], $0x2000, $0x38;
	[tilespmem:$0x1C000] =	vst v63  }
0x42: {  	_ =	swait.ge [sflag:s13], $0x2000  }
0x43: {  	s14 =	simm.s32 $0x0;
	s8 =	simm.s32 $0x800;
	[sflag:s13] =	ssyncset.done $0x0  }
0x44: {  	s17 =	simm.s32 $0x2000;
	s18 =	simm.s32 $0x0;
	[sflag:s13] =	ssyncadd.s32 $0xFFFFE000  }
0x45: {  	s19 =	simm.s32 $0x180;
	s13 =	simm.s32 $0x1;
	[bflag:$0x0] =	sbarrier.arrive $0xFFFF  }
0x46: {  	s25 =	simm.s32 $0x280;
	s7 =	smul.u32 $0xAB, s18;
	_ =	swait.ge [sflag:s13], $0x800  }
0x47: {  	s20 =	simm.s32 $0x0;
	s4 =	sand.u32 $0xE, s14;
	[sflag:s13] =	ssyncset.done $0x0  }
0x48: {  	s7 =	sshrl.u32 s7, $0x9;
	p1 =	sne.s32 s4, $0xE;
	[sflag:s13] =	ssyncadd.s32 $0xFFFFF800  }
0x49: {  	s7 =	sand.u32 $0x7F, s7;
	p0 =	por @!p1 $0x0, $0x0;
	_ =	swait.ge [sflag:s13], $0x800  }
0x4a: {  	s7 =	smul.u32 $0x3, s7;
	p0 =	por p0, p1;
	[sflag:s13] =	ssyncset.done $0x0  }
0x4b: {  	s9 =	simm.s32 @!p0 $0x1;
	s15 =	rddreg [dreg:$0xe];
	[sflag:s13] =	ssyncadd.s32 $0xFFFFF800  }
0x4c: {  	[tilespmem:s8], [sflag:$0x1] =	stream.linear.gather [hbm4b:s15+s14], $0x800, $0x38;
	[tilespmem:$0x1C000] =	vst v63  }
0x4d: {  	s21 =	simm.s32 $0x100;
	s9 =	smul.u32 @!p0 $0xAB, s9;
	s16 =	rddreg [dreg:$0xf]  }
0x4e: {  	[tilespmem:s17], [sflag:$0x1] =	stream.linear.gather [hbm4b:s16+s14], $0x800, $0x38;
	[tilespmem:$0x1C000] =	vst v63  }
0x4f: {  	s12 =	simm.s32 @!p1 $0x1;
	s13 =	smul.u32 $0xAB, s20;
	s15 =	simm.s32 $0x0  }
0x50: {  	[tilespmem:s23], [sflag:$0x2] =	stream.indirect.gather [spmem:s2], $0x40, s14, s28, $0xb8;
	[tilespmem:$0x1C000] =	vst v63  }
0x51: {  	s13 =	sshrl.u32 s13, $0x9;
	s15 =	smul.u32 $0xAB, s15;
	s16 =	simm.s32 $0x0  }
0x52: {  	[tilespmem:s29], [sflag:$0x3] =	stream.indirect.gather [spmem:s2], $0x40, s28, s28, $0xb8;
	[tilespmem:$0x1C000] =	vst v63  }
0x53: {  	s17 =	sand.u32 $0x7F, s13;
	s16 =	smul.u32 $0xAB, s16;
	_ =	swait.ge [sflag:s30], $0x2000  }
0x54: {  	s22 =	smul.u32 $0x3, s17;
	s15 =	sshrl.u32 s15, $0x9;
	[sflag:s30] =	ssyncset.done $0x0  }
0x55: {  	s14 =	sshrl.u32 @!p0 s9, $0x9;
	s9 =	ssub.s32 $0x0, s7;
	[sflag:s30] =	ssyncadd.s32 $0xFFFFE000  }
0x56: {  	[spmem:s3] =	stream.indirect.scatter.add.f32 [tilespmem:s23], [sflag:$0x4], $0x40, s11, s28, $0xb8;
	[tilespmem:$0x1C000] =	vst v63  }
0x57: {  	s15 =	sand.u32 $0x7F, s15;
	s7 =	sand.u32 @!p0 $0x7F, s14;
	_ =	swait.ge @!p1 [sflag:s12], $0x800  }
0x58: {  	s24 =	sshrl.u32 s16, $0x9;
	s15 =	smul.u32 $0x3, s15;
	[sflag:s12] =	ssyncset.done @!p1 $0x0  }
0x59: {  	s7 =	smul.u32 @!p0 $0x3, s7;
	s8 =	sand.u32 $0x7F, s24;
	[sflag:s12] =	ssyncadd.s32 @!p1 $0xFFFFF800  }
0x5a: {  	s17 =	sshll.u32 s4, $0x7;
	s26 =	smul.u32 $0x3, s8;
	_ =	swait.ge @!p1 [sflag:s12], $0x800  }
0x5b: {  	s8 =	simm.s32 $0x2;
	s7 =	ssub.s32 @!p0 $0x1, s7;
	s14 =	rddreg [dreg:$0x4]  }
0x5c: {  	s15 =	ssub.s32 $0x0, s15;
	s7 =	sand.u32 @!p0 $0xFF, s7;
	s13 =	sadd.s32 @!p0 $0x800, s14  }
0x5d: {  	s7 =	sshll.u32 @!p0 s7, $0xB;
	[sflag:s12] =	ssyncset.done @!p1 $0x0;
	s13 =	sshrl.u32 @!p0 s13, $0x3  }
0x5e: {  	s14 =	simm.s32 @!p0 $0x0;
	[sflag:s12] =	ssyncadd.s32 @!p1 $0xFFFFF800;
	s12 =	sadd.s32 @!p0 s5, s13  }
0x5f: {  	[tilespmem:s7], [sflag:$0x1] =	stream.linear.gather @!p0 [hbm4b:s12+s14], $0x800, $0x38;
	[tilespmem:$0x1C000] =	vst v63  }
0x60: {  	s4 =	sand.u32 $0xE, s8;
	s12 =	sadd.s32 @!p0 s6, s13;
	s7 =	sadd.s32 @!p0 $0x1800, s7  }
0x61: {  	[tilespmem:s7], [sflag:$0x1] =	stream.linear.gather @!p0 [hbm4b:s12+s14], $0x800, $0x38;
	[tilespmem:$0x1C000] =	vst v63  }
0x62: {  	s13 =	simm.s32 $0x380;
	s14 =	ssub.s32 $0x0, s22;
	_ =	swait.ge [sflag:s31], $0x2000  }
0x63: {  	s12 =	sand.u32 $0x780, s19;
	s14 =	sand.u32 $0xFF, s14;
	[sflag:s31] =	ssyncset.done $0x0  }
0x64: {  	s7 =	sand.u32 $0x700, s21;
	s14 =	sshll.u32 s14, $0xB;
	[sflag:s31] =	ssyncadd.s32 $0xFFFFE000  }
0x65: {  	s20 =	sor.u32 s7, s14;
	s7 =	simm.s32 $0x1;
	s14 =	ssub.s32 $0x0, s26  }
0x66: {  	[tilespmem:s23], [sflag:$0x2] =	stream.indirect.gather [spmem:s2], $0x40, s20, s28, $0xb8;
	[tilespmem:$0x1C000] =	vst v63  }
.LBB2_6:
0x67: {  	_ =	swait.ge [sflag:s0], $0x2000;
	s15 =	sand.u32 $0xFF, s15;
	s16 =	smov.u32 s25  }
0x68: {  	s25 =	smov.u32 s13;
	s13 =	sadd.s32 $0x100, s13;
	s18 =	smov.u32 s7  }
0x69: {  	p2 =	sne.s32 s4, $0xE;
	s9 =	sand.u32 $0xFF, s9;
	s20 =	sadd.s32 $0x1800, s20  }
0x6a: {  	s19 =	sshll.u32 s15, $0xB;
	s15 =	simm.s32 @!p2 $0x1;
	p0 =	sgt.u32 @!p2 s7, $0x3F  }
0x6b: {  	[sflag:s0] =	ssyncset.done $0x0;
	s9 =	sshll.u32 s9, $0xB;
	s7 =	sadd.s32 $0x1, s7  }
0x6c: {  	s18 =	sshrl.u32 s18, $0x3;
	p1 =	por p0, p2;
	[sflag:s0] =	ssyncadd.s32 $0xFFFFE000  }
0x6d: {  	s17 =	sor.u32 s17, s19;
	s9 =	sor.u32 s12, s9;
	p0 =	sne.s32 s13, $0x5080  }
0x6e: {  	s12 =	sand.u32 $0x780, s16;
	s11 =	smul.u32 $0xAB, s18;
	s16 =	sadd.s32 $0xFFFFFF80, s16  }
0x6f: {  	s19 =	sadd.s32 @!p1 $0x2, s8;
	s17 =	sadd.s32 $0x1880, s17;
	s8 =	sadd.s32 $0x2, s8  }
0x70: {  	[spmem:s3] =	stream.indirect.scatter.add.f32 [tilespmem:s29], [sflag:$0x5], $0x40, s17, s28, $0xb8;
	[tilespmem:$0x1C000] =	vst v63  }
0x71: {  	s16 =	sand.u32 $0x700, s16;
	s17 =	sshrl.u32 @!p1 s19, $0x4;
	_ =	swait.ge [sflag:s1], $0x2000  }
0x72: {  	s10 =	sadd.s32 $0x3, s8;
	s17 =	sadd.s32 @!p1 $0x1, s17;
	[sflag:s1] =	ssyncset.done $0x0  }
0x73: {  	s10 =	sshrl.u32 s10, $0x4;
	s21 =	smul.u32 @!p1 $0xAB, s17;
	[sflag:s1] =	ssyncadd.s32 $0xFFFFE000  }
0x74: {  	[tilespmem:s29], [sflag:$0x3] =	stream.indirect.gather [spmem:s2], $0x40, s9, s28, $0xb8;
	[tilespmem:$0x1C000] =	vst v63  }
0x75: {  	s11 =	sshrl.u32 s11, $0x9;
	s26 =	smul.u32 $0xAB, s10;
	_ =	swait.ge [sflag:s30], $0x2000  }
0x76: {  	s9 =	smov.u32 s14;
	s14 =	sshrl.u32 @!p1 s21, $0x9;
	[sflag:s30] =	ssyncset.done $0x0  }
0x77: {  	s26 =	sshrl.u32 s26, $0x9;
	s14 =	sand.u32 @!p1 $0x7F, s14;
	[sflag:s30] =	ssyncadd.s32 $0xFFFFE000  }
0x78: {  	[spmem:s3] =	stream.indirect.scatter.add.f32 [tilespmem:s23], [sflag:$0x4], $0x40, s20, s28, $0xb8;
	[tilespmem:$0x1C000] =	vst v63  }
0x79: {  	s26 =	sand.u32 $0x7F, s26;
	s14 =	smul.u32 @!p1 $0x3, s14;
	_ =	swait.ge @!p2 [sflag:s15], $0x800  }
0x7a: {  	s26 =	smul.u32 $0x3, s26;
	s20 =	sshrl.u32 s8, $0x4;
	[sflag:s15] =	ssyncset.done @!p2 $0x0  }
0x7b: {  	s19 =	sshll.u32 @!p1 s17, $0xB;
	s24 =	smul.u32 $0xAB, s20;
	[sflag:s15] =	ssyncadd.s32 @!p2 $0xFFFFF800  }
0x7c: {  	s14 =	ssub.s32 @!p1 s17, s14;
	s17 =	sshll.u32 s4, $0x7;
	_ =	swait.ge @!p2 [sflag:s15], $0x800  }
0x7d: {  	s14 =	sand.u32 @!p1 $0xFF, s14;
	s21 =	sshrl.u32 s24, $0x9;
	s24 =	rddreg [dreg:$0x4]  }
0x7e: {  	s14 =	sshll.u32 @!p1 s14, $0xB;
	[sflag:s15] =	ssyncset.done @!p2 $0x0;
	s19 =	sadd.s32 @!p1 s24, s19  }
0x7f: {  	s21 =	sand.u32 $0x7F, s21;
	[sflag:s15] =	ssyncadd.s32 @!p2 $0xFFFFF800;
	s15 =	sshrl.u32 @!p1 s19, $0x3  }
0x80: {  	s24 =	simm.s32 @!p1 $0x0;
	s19 =	smul.u32 $0x3, s21;
	s21 =	sadd.s32 @!p1 s5, s15  }
0x81: {  	[tilespmem:s14], [sflag:$0x1] =	stream.linear.gather @!p1 [hbm4b:s21+s24], $0x800, $0x38;
	[tilespmem:$0x1C000] =	vst v63  }
0x82: {  	s4 =	sand.u32 $0xE, s8;
	s22 =	sadd.s32 @!p1 $0x1800, s14;
	s15 =	sadd.s32 @!p1 s6, s15  }
0x83: {  	[tilespmem:s22], [sflag:$0x1] =	stream.linear.gather @!p1 [hbm4b:s15+s24], $0x800, $0x38;
	[tilespmem:$0x1C000] =	vst v63  }
.Ltmp2:
0x84: {  	s19 =	ssub.s32 s20, s19;
	s21 =	sand.u32 $0x7F, s11;
	(pc) =	sbr.rel @p0 .LBB2_6-.Ltmp2, $4  }
0x85: {  	s20 =	sand.u32 $0xFF, s19;
	s24 =	smul.u32 $0x3, s21;
	_ =	swait.ge [sflag:s31], $0x2000  }
0x86: {  	s14 =	ssub.s32 s10, s26;
	s22 =	sshll.u32 s20, $0xB;
	[sflag:s31] =	ssyncset.done $0x0  }
0x87: {  	s20 =	sor.u32 s16, s22;
	s15 =	ssub.s32 s18, s24;
	[sflag:s31] =	ssyncadd.s32 $0xFFFFE000  }
0x88: {  	[tilespmem:s23], [sflag:$0x2] =	stream.indirect.gather [spmem:s2], $0x40, s20, s28, $0xb8;
	[tilespmem:$0x1C000] =	vst v63  }
0x89: {  	s10 =	sand.u32 $0xFF, s15  }
0x8a: {  	_ =	swait.ge [sflag:s0], $0x2000;
	s10 =	sshll.u32 s10, $0xB  }
0x8b: {  	[sflag:s0] =	ssyncset.done $0x0;
	s10 =	sor.u32 s17, s10  }
0x8c: {  	[sflag:s0] =	ssyncadd.s32 $0xFFFFE000;
	s10 =	sadd.s32 $0x1880, s10  }
0x8d: {  	[spmem:s3] =	stream.indirect.scatter.add.f32 [tilespmem:s29], [sflag:$0x5], $0x40, s10, s28, $0xb8;
	[tilespmem:$0x1C000] =	vst v63  }
0x8e: {  	p1 =	sne.s32 s4, $0xE;
	s9 =	sand.u32 $0xFF, s9;
	_ =	swait.ge [sflag:s1], $0x2000  }
0x8f: {  	p0 =	sgt.u32 @!p1 s7, $0x3F;
	s9 =	sshll.u32 s9, $0xB;
	[sflag:s1] =	ssyncset.done $0x0  }
0x90: {  	p0 =	por p0, p1;
	s9 =	sor.u32 s12, s9;
	[sflag:s1] =	ssyncadd.s32 $0xFFFFE000  }
0x91: {  	[tilespmem:s29], [sflag:$0x3] =	stream.indirect.gather [spmem:s2], $0x40, s9, s28, $0xb8;
	[tilespmem:$0x1C000] =	vst v63  }
0x92: {  	s9 =	sadd.s32 @!p0 $0x2, s8;
	_ =	swait.ge [sflag:s30], $0x2000  }
0x93: {  	s9 =	sshrl.u32 @!p0 s9, $0x4;
	[sflag:s30] =	ssyncset.done $0x0  }
0x94: {  	s11 =	sadd.s32 $0x1800, s20;
	s9 =	sadd.s32 @!p0 $0x1, s9;
	[sflag:s30] =	ssyncadd.s32 $0xFFFFE000  }
0x95: {  	[spmem:s3] =	stream.indirect.scatter.add.f32 [tilespmem:s23], [sflag:$0x4], $0x40, s11, s28, $0xb8;
	[tilespmem:$0x1C000] =	vst v63  }
0x96: {  	s11 =	smul.u32 @!p0 $0xAB, s9  }
0x97: {  	s10 =	simm.s32 @!p1 $0x1  }
0x98: {  	_ =	swait.ge @!p1 [sflag:s10], $0x800;
	s11 =	sshrl.u32 @!p0 s11, $0x9  }
0x99: {  	[sflag:s10] =	ssyncset.done @!p1 $0x0;
	s11 =	sand.u32 @!p0 $0x7F, s11  }
0x9a: {  	[sflag:s10] =	ssyncadd.s32 @!p1 $0xFFFFF800;
	s11 =	smul.u32 @!p0 $0x3, s11  }
0x9b: {  	s24 =	sadd.s32 $0x2, s8;
	_ =	swait.ge @!p1 [sflag:s10], $0x800  }
0x9c: {  	s12 =	rddreg [dreg:$0x4];
	s11 =	ssub.s32 @!p0 s9, s11;
	s9 =	sshll.u32 @!p0 s9, $0xB  }
0x9d: {  	s8 =	sshrl.u32 s24, $0x4;
	[sflag:s10] =	ssyncset.done @!p1 $0x0;
	s9 =	sadd.s32 @!p0 s12, s9  }
0x9e: {  	[sflag:s10] =	ssyncadd.s32 @!p1 $0xFFFFF800;
	s11 =	sand.u32 @!p0 $0xFF, s11;
	s9 =	sshrl.u32 @!p0 s9, $0x3  }
0x9f: {  	s12 =	simm.s32 @!p0 $0x0;
	s10 =	sshll.u32 @!p0 s11, $0xB;
	s11 =	sadd.s32 @!p0 s5, s9  }
0xa0: {  	[tilespmem:s10], [sflag:$0x1] =	stream.linear.gather @!p0 [hbm4b:s11+s12], $0x800, $0x38;
	[tilespmem:$0x1C000] =	vst v63  }
0xa1: {  	s26 =	smul.u32 $0xAB, s8;
	s9 =	sadd.s32 @!p0 s6, s9;
	s10 =	sadd.s32 @!p0 $0x1800, s10  }
0xa2: {  	[tilespmem:s10], [sflag:$0x1] =	stream.linear.gather @!p0 [hbm4b:s9+s12], $0x800, $0x38;
	[tilespmem:$0x1C000] =	vst v63  }
0xa3: {  	s13 =	sshrl.u32 s26, $0x9;
	s12 =	sshrl.u32 s7, $0x3  }
0xa4: {  	s9 =	sand.u32 $0x7F, s13;
	s15 =	smul.u32 $0xAB, s12  }
0xa5: {  	s9 =	smul.u32 $0x3, s9  }
0xa6: {  	s10 =	sshrl.u32 s15, $0x9  }
0xa7: {  	s16 =	sadd.s32 $0xFFFFFF80, s25;
	s8 =	ssub.s32 s8, s9;
	s10 =	sand.u32 $0x7F, s10  }
0xa8: {  	_ =	swait.ge [sflag:s31], $0x2000;
	s8 =	sand.u32 $0xFF, s8;
	s10 =	smul.u32 $0x3, s10  }
0xa9: {  	[sflag:s31] =	ssyncset.done $0x0;
	s9 =	sand.u32 $0x700, s16;
	s8 =	sshll.u32 s8, $0xB  }
0xaa: {  	[sflag:s31] =	ssyncadd.s32 $0xFFFFE000;
	s8 =	sor.u32 s9, s8;
	s7 =	ssub.s32 s12, s10  }
0xab: {  	[tilespmem:s23], [sflag:$0x2] =	stream.indirect.gather [spmem:s2], $0x40, s8, s28, $0xb8;
	[tilespmem:$0x1C000] =	vst v63  }
0xac: {  	s7 =	sand.u32 $0xFF, s7  }
0xad: {  	s17 =	sshll.u32 s4, $0x7;
	_ =	swait.ge [sflag:s0], $0x2000;
	s7 =	sshll.u32 s7, $0xB  }
0xae: {  	[sflag:s0] =	ssyncset.done $0x0;
	s4 =	sor.u32 s17, s7  }
0xaf: {  	[sflag:s0] =	ssyncadd.s32 $0xFFFFE000;
	s4 =	sadd.s32 $0x1880, s4  }
0xb0: {  	[spmem:s3] =	stream.indirect.scatter.add.f32 [tilespmem:s29], [sflag:$0x5], $0x40, s4, s28, $0xb8;
	[tilespmem:$0x1C000] =	vst v63  }
0xb1: {  	s18 =	sand.u32 $0xFF, s14;
	_ =	swait.ge [sflag:s1], $0x2000  }
0xb2: {  	s19 =	sand.u32 $0x780, s25;
	s4 =	sshll.u32 s18, $0xB;
	[sflag:s1] =	ssyncset.done $0x0  }
0xb3: {  	s4 =	sor.u32 s19, s4;
	[sflag:s1] =	ssyncadd.s32 $0xFFFFE000  }
0xb4: {  	[tilespmem:s29], [sflag:$0x3] =	stream.indirect.gather [spmem:s2], $0x40, s4, s28, $0xb8;
	[tilespmem:$0x1C000] =	vst v63  }
0xb5: {  	_ =	swait.ge [sflag:s30], $0x2000  }
0xb6: {  	[sflag:s30] =	ssyncset.done $0x0  }
0xb7: {  	s20 =	sadd.s32 $0x1800, s8;
	[sflag:s30] =	ssyncadd.s32 $0xFFFFE000  }
0xb8: {  	[spmem:s3] =	stream.indirect.scatter.add.f32 [tilespmem:s23], [sflag:$0x4], $0x40, s20, s28, $0xb8;
	[tilespmem:$0x1C000] =	vst v63  }
0xb9: {  	_ =	swait.ge [sflag:s31], $0x2000  }
0xba: {  	[sflag:s31] =	ssyncset.done $0x0  }
0xbb: {  	[sflag:s31] =	ssyncadd.s32 $0xFFFFE000  }
0xbc: {  	_ =	swait.ge [sflag:s0], $0x2000  }
0xbd: {  	[sflag:s0] =	ssyncset.done $0x0  }
0xbe: {  	s21 =	simm.s32 $0x1F80;
	[sflag:s0] =	ssyncadd.s32 $0xFFFFE000  }
0xbf: {  	[spmem:s3] =	stream.indirect.scatter.add.f32 [tilespmem:s29], [sflag:$0x5], $0x40, s21, s28, $0xb8;
	[tilespmem:$0x1C000] =	vst v63  }
0xc0: {  	_ =	swait.ge [sflag:s1], $0x2000  }
0xc1: {  	[sflag:s1] =	ssyncset.done $0x0  }
0xc2: {  	[sflag:s1] =	ssyncadd.s32 $0xFFFFE000  }
0xc3: {  	[bflag:$0x0] =	sbarrier.arrive $0xFFFF  }
0xc4: {  	s12 =	rddreg [dreg:$0x9]  }
0xc5: {  	s10 =	rddreg [dreg:$0x8]  }
0xc6: {  	s13 =	simm.s32 $0x6;
	s24 =	rddreg [dreg:$0x10];
	s22 =	sshrl.u32 s12, $0x3  }
0xc7: {  	[hbm:s24], [sflag:s10] =	dma.local [spmem:s22], $0x1400  }
0xc8: {  	_ =	swait.ge [sflag:s13], $0x1400  }
0xc9: {  	s25 =	rddreg [dreg:$0x13]  }
0xca: {  	s26 =	rddreg [dreg:$0x11];
	s7 =	sadd.s32 $0x1, s25  }
0xcb: {  	p0 =	sne.s32 s7, s26  }
.Ltmp3:
0xcc: {  	_ = 	snop;
	(pc) =	sbr.rel @p0 .LBB2_1-.Ltmp3, $3  }
0xcd: {  	_ =	sdelay $0x1  }
0xce: {  	[sflag:s13] =	ssyncset.done $0x0  }
0xcf: {  	s11 =	simm.s32 $0x1800;
	[sflag:s13] =	ssyncadd.s32 $0xFFFFEC00  }
0xd0: {  	_ =	sfence.sel $0x180000  }
0xd1: {  	[bflag:$0x0] =	sbarrier.arrive $0xFFFF  }
0xd2: {  	_ =	strace $0x9000004A  }
0xd3: {  	s0 =	stileid.u32;
	[bflag:$0x2] =	sbarrier.arrive $0xFFFF  }
0xd4: {  	p0 =	sne.s32 s0, $0x0;
	s0 =	rddreg [dreg:$0x3]  }
0xd5: {  	s0 =	sadd.s32 @!p0 $0x100000, s0  }
0xd6: {  	[sflag:s0] =	ssyncadd.tile.s32 @!p0 $0x1;
	_ =	shalt  }
.Lfunc_end2:
_tile_overlayer_lowered:
.L_overlay_start_2:
0xd7: {  	(tag) =	ssettag $0x2  }
0xd8: {  	s0 =	rddreg [dreg:$0x0];
	s2 =	stileid.u32  }
0xd9: {  	s1 =	rddreg [dreg:$0x1];
	p0 =	sne.s32 s2, $0x0  }
0xda: {  	s3 =	rddreg [dreg:$0x2];
	[bflag:$0x3] =	sbarrier.arrive $0xFFFF;
	s2 =	simm.s32 @!p0 $0x1C06  }
0xdb: {  	[timem:s3], [sflag:s2] =	dma.local @!p0 [hbm:s0], s1  }
0xdc: {  	s0 =	simm.s32 @!p0 $0x6  }
0xdd: {  	_ =	swait.ge @!p0 [sflag:s0], s1  }
0xde: {  	s1 =	ssub.s32 @!p0 $0x0, s1;
	[sflag:s0] =	ssyncset.done @!p0 $0x0  }
0xdf: {  	[sflag:s0] =	ssyncadd.s32 @!p0 s1  }
0xe0: {  	[bflag:$0x3] =	sbarrier.arrive $0xFFFF  }
0xe1: {  	_ =	shalt  }

// kernel: kernel.8.cloned.1.call-start
scs
__scs_entry_jumppad:
0x0: {  	(pc) =	sbr.rel $0x88, $3  }
0x1: {  	(tag) =	ssettag $0x0;
	lr =	simm.s32 $0x1  }
0x2: {  	[smem:$0x3F96] =	sst lr;
	_ =	strace $0xD0000000  }
0x3: {  	_ = 	snop  }
0x4: {  	_ = 	snop  }
0x5: {  	_ = 	snop  }
0x6: {  	_ = 	snop  }
0x7: {  	_ = 	snop  }
__scs_overlays_trampoline_lowered:
0x8: {  	[smem:$0x3FA5] =	sst s0  }
0x9: {  	[smem:$0x3FA6] =	sst s1  }
0xa: {  	[smem:$0x3FA7] =	sst s2  }
0xb: {  	[smem:$0x3FA8] =	sst s3  }
0xc: {  	[smem:$0x3FA9] =	sst s4  }
0xd: {  	[smem:$0x3FAA] =	sst s5  }
0xe: {  	[smem:$0x3FAB] =	sst s6  }
0xf: {  	[smem:$0x3FAC] =	sst s7  }
0x10: {  	[smem:$0x3FAD] =	sst s8  }
0x11: {  	[smem:$0x3FAE] =	sst s9;
	s0 =	simm.s32 @!p0 $0x0  }
0x12: {  	s1 =	sld [smem:$0x3F94];
	s0 =	simm.s32 @p0 $0x1  }
0x13: {  	[smem:$0x3FAF] =	sst s0;
	s0 =	simm.s32 @!p1 $0x0  }
0x14: {  	s2 =	sld [smem:$0x3F93];
	s0 =	simm.s32 @p1 $0x1  }
0x15: {  	[smem:$0x3FB0] =	sst s0;
	s0 =	simm.s32 @!p2 $0x0  }
0x16: {  	s3 =	sld [smem:$0x3FDB];
	s0 =	simm.s32 @p2 $0x1  }
0x17: {  	s4 =	simm.s32 $0x1BF5;
	[smem:$0x3FB2] =	sst s0  }
0x18: {  	s0 =	sld [smem:$0x3F95];
	_ =	swait.ge [sflag:s4], $0x0  }
0x19: {  	s7 =	sld [smem:$0x3F96]  }
0x1a: {  	s8 =	sadd.s32 $0xFFFFE003, lr  }
0x1b: {  	s9 =	sadd.s32 $0xFFFFFEF7, lr;
	s5 =	simm.s32 $0xFFFFFFFF;
	p2 =	slt.u32 s8, $0xFFFFF086  }
0x1c: {  	p1 =	slt.u32 s9, $0xF7A;
	s5 =	simm.s32 @!p2 $0x0  }
0x1d: {  	s5 =	simm.s32 @p1 $0x1;
	p0 =	seq.s32 s7, s2  }
0x1e: {  	s7 =	smul.u32 @!p0 $0xF7A, s2;
	p2 =	seq.s32 @!p0 s5, $0x0  }
0x1f: {  	s9 =	smul.u32 $0xF7A, s1;
	s8 =	simm.s32 @!p0 $0x1BF5;
	p2 =	por !p2, p0  }
0x20: {  	[sflag:s8] =	ssyncset.s32 @!p0 $0xFFFFF086;
	s6 =	sadd.s32 @!p0 s3, s7;
	s7 =	simm.s32 @!p0 $0x108  }
0x21: {  	s3 =	sadd.s32 s3, s9;
	s6 =	sadd.s32 @!p0 $0x88, s6;
	s7 =	simm.s32 @p2 $0x1082  }
0x22: {  	[simem:s7], [sflag:s8] =	dma.local @!p0 [hbm:s6], $0xF7A  }
0x23: {  	s9 =	sor.u32 $0xD0000000, s2;
	s6 =	simm.s32 $0x108;
	_ =	swait.ge @!p0 [sflag:s8], $0x0  }
0x24: {  	s3 =	sadd.s32 $0x88, s3;
	s6 =	simm.s32 @!p1 $0x1082;
	[sflag:s4] =	ssyncset.s32 $0xFFFFF086  }
0x25: {  	[simem:s6], [sflag:s4] =	dma.local [hbm:s3], $0xF7A  }
0x26: {  	[smem:$0x3F96] =	sst s1;
	(tag) =	ssettag s2;
	_ =	strace s9  }
0x27: {  	s1 =	sld [smem:$0x3FA6]  }
0x28: {  	s2 =	sld [smem:$0x3FA7]  }
0x29: {  	s4 =	sld [smem:$0x3FA9]  }
0x2a: {  	p0 =	seq.s32 s5, $0x0;
	s5 =	sld [smem:$0x3FAA]  }
0x2b: {  	s6 =	sld [smem:$0x3FAB]  }
0x2c: {  	s7 =	sld [smem:$0x3FAC]  }
0x2d: {  	s3 =	simm.s32 $0x108;
	s8 =	sld [smem:$0x3FAD]  }
0x2e: {  	s3 =	simm.s32 @!p0 $0x1082;
	s9 =	sld [smem:$0x3FAE]  }
0x2f: {  	lr =	sadd.s32 s0, s3;
	s0 =	sld [smem:$0x3FA5]  }
0x30: {  	s3 =	sld [smem:$0x3FA8]  }
0x31: {  	[smem:$0x3FB1] =	sst s10  }
0x32: {  	s10 =	sld [smem:$0x3FAF];
	_ =	sdelay $0x3  }
0x33: {  	p0 =	seq.s32 s10, $0x1;
	s10 =	sld [smem:$0x3FB1];
	_ =	sdelay $0x3  }
0x34: {  	[smem:$0x3FB1] =	sst s10  }
0x35: {  	s10 =	sld [smem:$0x3FB0];
	_ =	sdelay $0x3  }
0x36: {  	p1 =	seq.s32 s10, $0x1;
	s10 =	sld [smem:$0x3FB1];
	_ =	sdelay $0x3  }
0x37: {  	[smem:$0x3FB1] =	sst s10  }
0x38: {  	s10 =	sld [smem:$0x3FB2]  }
0x39: {  	_ = 	snop;
	(pc) =	sbr.ind lr, $3  }
0x3a: {  	_ = 	snop  }
0x3b: {  	_ = 	snop  }
0x3c: {  	p2 =	seq.s32 s10, $0x1;
	s10 =	sld [smem:$0x3FB1]  }
0x3d: {  	_ =	shalt  }
0x3e: {  	_ =	shalt  }
0x3f: {  	_ =	shalt  }
0x40: {  	_ =	shalt  }
0x41: {  	_ =	shalt  }
0x42: {  	_ =	shalt  }
0x43: {  	_ =	shalt  }
0x44: {  	_ =	shalt  }
0x45: {  	_ =	shalt  }
0x46: {  	_ =	shalt  }
0x47: {  	_ =	shalt  }
0x48: {  	_ =	shalt  }
0x49: {  	_ =	shalt  }
0x4a: {  	_ =	shalt  }
0x4b: {  	_ =	shalt  }
0x4c: {  	_ =	shalt  }
0x4d: {  	_ =	shalt  }
0x4e: {  	_ =	shalt  }
0x4f: {  	_ =	shalt  }
0x50: {  	_ =	shalt  }
0x51: {  	_ =	shalt  }
0x52: {  	_ =	shalt  }
0x53: {  	_ =	shalt  }
0x54: {  	_ =	shalt  }
0x55: {  	_ =	shalt  }
0x56: {  	_ =	shalt  }
0x57: {  	_ =	shalt  }
0x58: {  	_ =	shalt  }
0x59: {  	_ =	shalt  }
0x5a: {  	_ =	shalt  }
0x5b: {  	_ =	shalt  }
0x5c: {  	_ =	shalt  }
0x5d: {  	_ =	shalt  }
0x5e: {  	_ =	shalt  }
0x5f: {  	_ =	shalt  }
0x60: {  	_ =	shalt  }
0x61: {  	_ =	shalt  }
0x62: {  	_ =	shalt  }
0x63: {  	_ =	shalt  }
0x64: {  	_ =	shalt  }
0x65: {  	_ =	shalt  }
0x66: {  	_ =	shalt  }
0x67: {  	_ =	shalt  }
0x68: {  	_ =	shalt  }
0x69: {  	_ =	shalt  }
0x6a: {  	_ =	shalt  }
0x6b: {  	_ =	shalt  }
0x6c: {  	_ =	shalt  }
0x6d: {  	_ =	shalt  }
0x6e: {  	_ =	shalt  }
0x6f: {  	_ =	shalt  }
0x70: {  	_ =	shalt  }
0x71: {  	_ =	shalt  }
0x72: {  	_ =	shalt  }
0x73: {  	_ =	shalt  }
0x74: {  	_ =	shalt  }
0x75: {  	_ =	shalt  }
0x76: {  	_ =	shalt  }
0x77: {  	_ =	shalt  }
0x78: {  	_ =	shalt  }
0x79: {  	_ =	shalt  }
0x7a: {  	_ =	shalt  }
0x7b: {  	_ =	shalt  }
0x7c: {  	_ =	shalt  }
0x7d: {  	_ =	shalt  }
0x7e: {  	_ =	shalt  }
0x7f: {  	_ =	shalt  }
0x80: {  	_ =	shalt  }
0x81: {  	_ =	shalt  }
0x82: {  	_ =	shalt  }
0x83: {  	_ =	shalt  }
0x84: {  	_ =	shalt  }
0x85: {  	_ =	shalt  }
0x86: {  	_ =	shalt  }
0x87: {  	_ =	shalt  }
.Lfunc_end0:
.L_simem_size_0:
called_computation_lowered:
.L_overlay_start_0:
0x88: {  	s2 =	sld [smem:$0x3FD9]  }
0x89: {  	s3 =	sld [smem:$0x3FFE];
	_ =	sdelay $0x1  }
0x8a: {  	s1 =	srdreg.scid  }
0x8b: {  	s0 =	sand.u32 $0x1, s1  }
0x8c: {  	s16 =	sshll.u32 s0, $0xA;
	s2 =	sadd.s32 s3, s2  }
0x8d: {  	s2 =	sadd.s32 s2, s16  }
0x8e: {  	[smem:$0x3FBD] =	sst s2  }
0x8f: {  	_ = 	snop  }
0x90: {  	(tm) =	ssettm $0x1  }
0x91: {  	s17 =	sld [smem:$0x3FFB];
	_ =	sdelay $0x3  }
0x92: {  	_ =	strace s17  }
0x93: {  	s2 =	sld [smem:$0x3FFC];
	_ =	sdelay $0x3  }
0x94: {  	_ =	strace s2  }
0x95: {  	s2 =	sld [smem:$0x3FFD];
	_ =	sdelay $0x3  }
0x96: {  	_ =	strace s2  }
0x97: {  	_ =	strace $0x8FFFFFFF  }
0x98: {  	s18 =	sld [smem:$0x3FDB];
	_ =	sdelay $0x1  }
0x99: {  	s19 =	simm.s32 $_scs_section_size  }
0x9a: {  	s4 =	simm.s32 $_size__tile_overlayer_lowered;
	s5 =	simm.s32 $_tile_overlayer_lowered  }
0x9b: {  	s22 =	simm.s32 $0x1BFF;
	s21 =	sshll.u32 s5, $0x1;
	s2 =	sadd.s32 s19, s18  }
0x9c: {  	s6 =	simm.s32 $0x0;
	s20 =	sshll.u32 s4, $0x1;
	s4 =	sadd.s32 s21, s2  }
0x9d: {  	[timem:s6], [sflag:s22] =	dma.local [hbm:s4], s20  }
0x9e: {  	_ =	swait.ge [sflag:s22], s20  }
0x9f: {  	s3 =	ssub.s32 $0x0, s20;
	[sflag:s22] =	ssyncset.done $0x0  }
0xa0: {  	[sflag:s22] =	ssyncadd.s32 s3;
	_ =	sdelay $0x1  }
0xa1: {  	s23 =	simm.s32 $0x1B8B  }
0xa2: {  	_ =	swait.ge [sflag:s23], $0x1  }
0xa3: {  	[sflag:s23] =	ssyncset.done $0x0  }
0xa4: {  	s25 =	simm.s32 $0x1B8E;
	s24 =	sld [smem:$0x3FFE];
	[sflag:s23] =	ssyncadd.s32 $0xFFFFFFFF  }
0xa5: {  	s26 =	simm.s32 $execute0_lowered;
	[smem:$0x3FD2] =	sst s25  }
0xa6: {  	s4 =	sshll.u32 s26, $0x1;
	_ =	strace $0x80000046;
	[dreg:$0x1] =	wrdreg $0xFFFFFFFF  }
0xa7: {  	s28 =	simm.s32 $_size_execute0_lowered;
	s2 =	sadd.s32 s2, s4;
	[dreg:$0x0] =	wrdreg $0x0  }
0xa8: {  	s4 =	sshll.u32 s28, $0x1;
	[dreg:$0x2] =	wrdreg s2  }
0xa9: {  	[dreg:$0x3] =	wrdreg s4  }
0xaa: {  	[dreg:$0x4] =	wrdreg $0xC0  }
0xab: {  	_ =	task [dreg:s6], $0x5FFFF  }
0xac: {  	[dreg:$0x1] =	wrdreg $0xFFFFFFFF  }
0xad: {  	[dreg:$0x0] =	wrdreg $0x60  }
0xae: {  	[dreg:$0x2] =	wrdreg s24  }
0xaf: {  	[dreg:$0x3] =	wrdreg $0x80000  }
0xb0: {  	[dreg:$0x4] =	wrdreg $0x120000  }
0xb1: {  	[dreg:$0x5] =	wrdreg $0x1C0000  }
0xb2: {  	[dreg:$0x6] =	wrdreg $0x9  }
0xb3: {  	_ =	task.clear_ibuf [dreg:s6], $0x7FFFF;
	_ =	strace $0x90000046  }
0xb4: {  	s29 =	simm.s32 $0x9;
	_ =	strace $0x80000048  }
0xb5: {  	_ =	swait.ge [sflag:s29], $0x1  }
0xb6: {  	[sflag:s29] =	ssyncadd.s32 $0xFFFFFFFF  }
0xb7: {  	_ =	strace $0x90000048  }
0xb8: {  	_ =	sfence  }
0xb9: {  	s30 =	sld [smem:$0x0];
	_ =	sdelay $0x2  }
0xba: {  	s31 =	sshll.u32 s1, $0xD;
	s1 =	sshrl.u32 s1, $0x2  }
0xbb: {  	s3 =	sand.u32 $0x4000, s31;
	s1 =	sadd.s32 s1, s30  }
0xbc: {  	s0 =	sor.u32 s3, s0;
	s1 =	sshll.u32 s1, $0x11  }
0xbd: {  	s0 =	sor.u32 s1, s0  }
0xbe: {  	s0 =	sadd.s32 $0x8F2B, s0  }
0xbf: {  	[sflag:s0] =	ssyncadd.remote.s32 $0x1  }
0xc0: {  	_ =	sfence.sel $0xFFFF  }
0xc1: {  	[dreg:$0x0] =	wrdreg $0xFFFFFFFF;
	(pc) =	sbr.abs _section_cstart, $3  }
0xc2: {  	[dreg:$0x1] =	wrdreg $0xFFFFFFFF  }
0xc3: {  	_ =	task.clear_ibuf [dreg:s6], $0x2FFFF;
	_ =	strace $0x9FFFFFFF  }
0xc4: {  	(tm) =	ssettm $0x7FFFFFFF  }
0xc5: {  	_ =	shalt  }
tec
execute0_lowered:
.L_overlay_start_1:
0x0: {  	(tag) =	ssettag $0x1  }
0x1: {  	s0 =	rddreg [dreg:$0x0]  }
0x2: {  	s20 =	rddreg [dreg:$0x1]  }
0x3: {  	s3 =	rddreg [dreg:$0x2];
	s1 =	stileid.u32  }
0x4: {  	s2 =	srdreg.scid;
	s5 =	smul.u32 $0xA000, s1  }
0x5: {  	s4 =	rddreg [dreg:$0x3];
	s17 =	simm.s32 $0x0;
	s8 =	smul.u32 $0x2800, s1  }
0x6: {  	s28 =	simm.s32 $0x5000;
	s2 =	sand.u32 $0x1, s2;
	s13 =	smul.u32 $0xA00, s1  }
0x7: {  	[smem:$0x7FF] =	sst s17;
	s30 =	sadd.s32 $0x2A800, s0;
	s23 =	smul.u32 $0x5000, s1  }
0x8: {  	s31 =	sadd.s32 $0x34800, s0;
	s6 =	smul.u32 $0xA0000, s2;
	_ =	strace $0x80000047  }
0x9: {  	s10 =	smul.u32 $0x28000, s2;
	s11 =	ssub.s32 $0x2, s2;
	p0 =	seq.s32 s2, $0x1  }
0xa: {  	p1 =	sne.s32 s2, $0x0;
	p2 =	seq.s32 s2, $0x0;
	s12 =	sshrl.u32 s11, $0x1  }
0xb: {  	s26 =	sadd.s32 s30, s13;
	s29 =	sadd.s32 s31, s13;
	[dreg:$0x5] =	wrdreg s23  }
0xc: {  	s14 =	sadd.s32 s5, s20;
	s18 =	sadd.s32 s5, s3;
	[dreg:$0x6] =	wrdreg s26  }
0xd: {  	s19 =	sadd.s32 s8, s4;
	s9 =	sadd.s32 s5, s6;
	[dreg:$0x7] =	wrdreg s29  }
0xe: {  	s10 =	sadd.s32 s8, s10;
	s6 =	sshll.u32 s1, $0x6;
	[dreg:$0x9] =	wrdreg s18  }
0xf: {  	[dreg:$0xa] =	wrdreg s19;
	s9 =	sshrl.u32 s9, $0x3;
	s10 =	sshrl.u32 s10, $0x3  }
0x10: {  	s6 =	sor.u32 $0x1C07, s6;
	s9 =	sadd.s32 s9, s0;
	s0 =	sadd.s32 s10, s0  }
0x11: {  	s10 =	ssub.s32 s11, s12;
	s11 =	smul.u32 $0x280, s1;
	s1 =	simm.s32 @!p2 $0x0  }
0x12: {  	p3 =	por !p0, !p0;
	[dreg:$0x8] =	wrdreg s6;
	s1 =	simm.s32 @p2 $0x1  }
0x13: {  	s0 =	sadd.s32 $0x3E800, s0;
	s7 =	sadd.s32 $0x80, s11;
	s21 =	sadd.s32 $0x100, s11  }
0x14: {  	s26 =	sadd.s32 $0x180, s11;
	s11 =	sadd.s32 $0x200, s11;
	[smem:$0x7FD] =	sst s1  }
0x15: {  	[dreg:$0x17] =	wrdreg s0;
	s1 =	simm.s32 $0x0;
	s15 =	sshll.u32 s7, $0x6  }
0x16: {  	s29 =	sshll.u32 s26, $0x6;
	s8 =	sshll.u32 s26, $0x4;
	s26 =	smax.u32 s10, $0x1  }
0x17: {  	s22 =	sshll.u32 s21, $0x6;
	s5 =	sadd.s32 s15, s3;
	[dreg:$0x18] =	wrdreg s26  }
0x18: {  	s16 =	sshll.u32 s7, $0x4;
	s24 =	sadd.s32 s22, s3;
	[dreg:$0xb] =	wrdreg s5  }
0x19: {  	s25 =	sshll.u32 s21, $0x4;
	s7 =	sadd.s32 s29, s3;
	[dreg:$0xd] =	wrdreg s24  }
0x1a: {  	s12 =	sshll.u32 s11, $0x6;
	s8 =	sadd.s32 s8, s4;
	[dreg:$0xf] =	wrdreg s7  }
0x1b: {  	s21 =	sor.u32 $0x100, s13;
	s15 =	sadd.s32 s12, s3;
	[dreg:$0x10] =	wrdreg s8  }
0x1c: {  	s13 =	simm.s32 $0x2;
	s22 =	sadd.s32 s30, s21;
	[dreg:$0x11] =	wrdreg s15  }
0x1d: {  	s23 =	sadd.s32 s31, s21;
	s29 =	sshrl.u32 s14, $0x3;
	[dreg:$0x13] =	wrdreg s22  }
0x1e: {  	s12 =	simm.s32 $0x7;
	s21 =	simm.s32 $0x5000;
	[dreg:$0x14] =	wrdreg s23  }
0x1f: {  	s14 =	simm.s32 $0x4;
	s5 =	sadd.s32 s16, s4;
	[dreg:$0x19] =	wrdreg s29  }
0x20: {  	s24 =	sadd.s32 $0x2800, s9;
	s8 =	simm.s32 $0x80;
	[dreg:$0xc] =	wrdreg s5  }
0x21: {  	s15 =	simm.s32 $0x3;
	s5 =	sadd.s32 s25, s4;
	[dreg:$0x15] =	wrdreg s24  }
0x22: {  	s25 =	sadd.s32 $0x48800, s9;
	[dreg:$0xe] =	wrdreg s5;
	s5 =	sshll.u32 s11, $0x4  }
0x23: {  	s9 =	simm.s32 $0x3000;
	[dreg:$0x16] =	wrdreg s25;
	s16 =	sadd.s32 s5, s4  }
0x24: {  	v0 =	vimm.f32 $0.0e+00;
	v1 =	vimm.f32 $1.000000000e+00;
	s11 =	simm.s32 $0x1800;
	[dreg:$0x12] =	wrdreg s16;
	s16 =	simm.s32 $0x5  }
.LBB2_1:
0x25: {  	[dreg:$0x1a] =	wrdreg s1  }
0x26: {  	s0 =	rddreg [dreg:$0x6]  }
0x27: {  	s25 =	rddreg [dreg:$0x7]  }
0x28: {  	s26 =	rddreg [dreg:$0x15]  }
0x29: {  	[tilespmem:s17], [sflag:$0x1] =	stream.linear.gather [hbm4b:s0+s17], $0x800, $0x38;
	[tilespmem:$0x1E800] =	vst v63  }
0x2a: {  	s29 =	rddreg [dreg:$0x19]  }
0x2b: {  	[tilespmem:s11], [sflag:$0x1] =	stream.linear.gather [hbm4b:s25+s17], $0x800, $0x38;
	[tilespmem:$0x1E800] =	vst v63  }
0x2c: {  	[spmem:s29], [sflag:s6] =	dma.local [hbm:s26], $0x1400  }
0x2d: {  	_ =	swait.ge [sflag:s12], $0x1400  }
0x2e: {  	[sflag:s12] =	ssyncset.done $0x0  }
0x2f: {  	s2 =	simm.s32 $0x0;
	s0 =	simm.s32 $0x0;
	[sflag:s12] =	ssyncadd.s32 $0xFFFFEC00  }
.LBB2_2:
0x30: {  	p2 =	sne.s32 s2, $0x7FC0  }
.Ltmp0:
0x31: {  	_ = 	snop;
	(pc) =	sbr.rel @p2 .LBB2_2-.Ltmp0, $4  }
0x32: {  	s5 =	sand.u32 $0x7F00, s2  }
0x33: {  	s10 =	sand.u32 $0x30, s0;
	s5 =	sshrl.u32 s5, $0x2  }
0x34: {  	s5 =	sor.u32 s10, s5  }
0x35: {  	s0 =	sadd.s32 $0x10, s0;
	s2 =	sadd.s32 $0x40, s2;
	[tilespmem:s5+$0x3000] =	vst v0  }
0x36: {  	s0 =	simm.s32 $0x40;
	s2 =	simm.s32 $0x0  }
.LBB2_4:
0x37: {  	p2 =	sne.s32 s0, $0x1FC0;
	[tilespmem:s2+$0x7800] =	vst v0;
	s5 =	smov.u32 s0;
	s0 =	sadd.s32 $0x40, s0  }
.Ltmp1:
0x38: {  	[tilespmem:s2+$0x7000] =	vst v1;
	(pc) =	sbr.rel @p2 .LBB2_4-.Ltmp1, $2  }
0x39: {  	_ =	sdelay $0x2  }
0x3a: {  	s2 =	sshra.s32 s5, $0x2  }
0x3b: {  	[tilespmem:s2+$0x7800] =	vst v0  }
0x3c: {  	[tilespmem:s2+$0x7000] =	vst v1  }
0x3d: {  	[spmem:s18] =	stream.linear.scatter [tilespmem:s9], [sflag:$0x7], $0x2000, $0x38;
	[tilespmem:$0x1E800] =	vst v63  }
0x3e: {  	_ =	swait.ge [sflag:s12], $0x2000  }
0x3f: {  	[sflag:s12] =	ssyncset.done $0x0  }
0x40: {  	s1 =	simm.s32 $0x7800;
	[sflag:s12] =	ssyncadd.s32 $0xFFFFE000  }
0x41: {  	[spmem:s19] =	stream.linear.scatter [tilespmem:s1], [sflag:$0x7], $0x800, $0x38;
	[tilespmem:$0x1E800] =	vst v63  }
0x42: {  	_ =	swait.ge [sflag:s12], $0x800  }
0x43: {  	[sflag:s12] =	ssyncset.done $0x0  }
0x44: {  	s0 =	rddreg [dreg:$0xb];
	[sflag:s12] =	ssyncadd.s32 $0xFFFFF800  }
0x45: {  	[spmem:s0] =	stream.linear.scatter [tilespmem:s9], [sflag:$0x7], $0x2000, $0x38;
	[tilespmem:$0x1E800] =	vst v63  }
0x46: {  	_ =	swait.ge [sflag:s12], $0x2000  }
0x47: {  	[sflag:s12] =	ssyncset.done $0x0  }
0x48: {  	s18 =	rddreg [dreg:$0xc];
	[sflag:s12] =	ssyncadd.s32 $0xFFFFE000  }
0x49: {  	[spmem:s18] =	stream.linear.scatter [tilespmem:s1], [sflag:$0x7], $0x800, $0x38;
	[tilespmem:$0x1E800] =	vst v63  }
0x4a: {  	_ =	swait.ge [sflag:s12], $0x800  }
0x4b: {  	[sflag:s12] =	ssyncset.done $0x0  }
0x4c: {  	s19 =	rddreg [dreg:$0xd];
	[sflag:s12] =	ssyncadd.s32 $0xFFFFF800  }
0x4d: {  	[spmem:s19] =	stream.linear.scatter [tilespmem:s9], [sflag:$0x7], $0x2000, $0x38;
	[tilespmem:$0x1E800] =	vst v63  }
0x4e: {  	_ =	swait.ge [sflag:s12], $0x2000  }
0x4f: {  	[sflag:s12] =	ssyncset.done $0x0  }
0x50: {  	s22 =	rddreg [dreg:$0xe];
	[sflag:s12] =	ssyncadd.s32 $0xFFFFE000  }
0x51: {  	[spmem:s22] =	stream.linear.scatter [tilespmem:s1], [sflag:$0x7], $0x800, $0x38;
	[tilespmem:$0x1E800] =	vst v63  }
0x52: {  	_ =	swait.ge [sflag:s12], $0x800  }
0x53: {  	[sflag:s12] =	ssyncset.done $0x0  }
0x54: {  	s23 =	rddreg [dreg:$0xf];
	[sflag:s12] =	ssyncadd.s32 $0xFFFFF800  }
0x55: {  	[spmem:s23] =	stream.linear.scatter [tilespmem:s9], [sflag:$0x7], $0x2000, $0x38;
	[tilespmem:$0x1E800] =	vst v63  }
0x56: {  	_ =	swait.ge [sflag:s12], $0x2000  }
0x57: {  	[sflag:s12] =	ssyncset.done $0x0  }
0x58: {  	s24 =	rddreg [dreg:$0x10];
	[sflag:s12] =	ssyncadd.s32 $0xFFFFE000  }
0x59: {  	[spmem:s24] =	stream.linear.scatter [tilespmem:s1], [sflag:$0x7], $0x800, $0x38;
	[tilespmem:$0x1E800] =	vst v63  }
0x5a: {  	_ =	swait.ge [sflag:s12], $0x800  }
0x5b: {  	[sflag:s12] =	ssyncset.done $0x0  }
0x5c: {  	s25 =	rddreg [dreg:$0x11];
	[sflag:s12] =	ssyncadd.s32 $0xFFFFF800  }
0x5d: {  	[spmem:s25] =	stream.linear.scatter [tilespmem:s9], [sflag:$0x7], $0x2000, $0x38;
	[tilespmem:$0x1E800] =	vst v63  }
0x5e: {  	_ =	swait.ge [sflag:s12], $0x2000  }
0x5f: {  	[sflag:s12] =	ssyncset.done $0x0  }
0x60: {  	s26 =	rddreg [dreg:$0x12];
	[sflag:s12] =	ssyncadd.s32 $0xFFFFE000  }
0x61: {  	[spmem:s26] =	stream.linear.scatter [tilespmem:s1], [sflag:$0x7], $0x800, $0x38;
	[tilespmem:$0x1E800] =	vst v63  }
0x62: {  	_ =	swait.ge [sflag:s12], $0x800  }
0x63: {  	[sflag:s12] =	ssyncset.done $0x0  }
0x64: {  	[sflag:s12] =	ssyncadd.s32 $0xFFFFF800  }
0x65: {  	s2 =	simm.s32 $0x1;
	[bflag:$0x0] =	sbarrier.arrive $0xFFFF  }
0x66: {  	_ =	swait.ge [sflag:s2], $0x800  }
0x67: {  	[sflag:s2] =	ssyncset.done $0x0  }
0x68: {  	[sflag:s2] =	ssyncadd.s32 $0xFFFFF800  }
0x69: {  	_ =	swait.ge [sflag:s2], $0x800  }
0x6a: {  	s6 =	simm.s32 $0x800;
	[sflag:s2] =	ssyncset.done $0x0  }
0x6b: {  	s10 =	simm.s32 $0x2000;
	s5 =	rddreg [dreg:$0x13];
	[sflag:s2] =	ssyncadd.s32 $0xFFFFF800  }
0x6c: {  	[tilespmem:s6], [sflag:$0x1] =	stream.linear.gather [hbm4b:s5+s17], $0x800, $0x38;
	[tilespmem:$0x1E800] =	vst v63  }
0x6d: {  	s29 =	simm.s32 $0x280;
	p6 =	por $0x1, $0x1;
	s7 =	rddreg [dreg:$0x14]  }
0x6e: {  	[tilespmem:s10], [sflag:$0x1] =	stream.linear.gather [hbm4b:s7+s17], $0x800, $0x38;
	[tilespmem:$0x1E800] =	vst v63  }
0x6f: {  	s0 =	simm.s32 @!p1 $0x1800;
	s18 =	simm.s32 $0x180;
	s5 =	simm.s32 $0x0  }
0x70: {  	[tilespmem:s9], [sflag:$0x2] =	stream.indirect.gather [spmem:s20], $0x40, s17, s8, $0xb8;
	[tilespmem:$0x1E800] =	vst v63  }
0x71: {  	s19 =	simm.s32 $0x100;
	s24 =	simm.s32 $0x4;
	s5 =	smul.u32 $0xAB, s5  }
0x72: {  	[tilespmem:s21], [sflag:$0x3] =	stream.indirect.gather [spmem:s20], $0x40, s8, s8, $0xb8;
	[tilespmem:$0x1E800] =	vst v63  }
0x73: {  	s1 =	simm.s32 @!p1 $0x80;
	s5 =	sshrl.u32 s5, $0x9;
	_ =	swait.ge [sflag:s13], $0x2000  }
0x74: {  	s12 =	simm.s32 $0x0;
	s5 =	sand.u32 $0x7F, s5;
	[sflag:s13] =	ssyncset.done $0x0  }
0x75: {  	s2 =	simm.s32 @!p1 $0x7000;
	s5 =	smul.u32 $0x3, s5;
	[sflag:s13] =	ssyncadd.s32 $0xFFFFE000  }
0x76: {  	[spmem:s3] =	stream.indirect.scatter.add.f32 [tilespmem:s9], [sflag:$0x4], $0x40, s11, s8, $0xb8;
	[tilespmem:$0x1E800] =	vst v63  }
0x77: {  	s17 =	simm.s32 $0x0;
	s21 =	simm.s32 $0x2;
	s5 =	ssub.s32 $0x0, s5  }
0x78: {  	[spmem:s4] =	stream.indirect.scatter.add.f32 @!p1 [tilespmem:s2], [sflag:$0x6], $0x10, s0, s1, $0xb8;
	[tilespmem:$0x1E800] =	vst v63  }
0x79: {  	s9 =	simm.s32 $0x3000;
	s0 =	smul.u32 $0xAB, s12;
	s2 =	sand.u32 $0xE, s17  }
0x7a: {  	s1 =	simm.s32 $0x0;
	s17 =	sand.u32 $0xFF, s5;
	p4 =	sne.s32 s2, $0xE  }
0x7b: {  	s12 =	smul.u32 $0xAB, s1;
	s0 =	sshrl.u32 s0, $0x9;
	p2 =	por @!p4 $0x0, $0x0  }
0x7c: {  	s2 =	sshll.u32 s2, $0x7;
	s0 =	sand.u32 $0x7F, s0;
	p2 =	por p2, p4  }
0x7d: {  	s22 =	simm.s32 @!p4 $0x1;
	s0 =	smul.u32 $0x3, s0;
	s10 =	simm.s32 @!p2 $0x1  }
0x7e: {  	_ =	swait.ge @!p4 [sflag:s22], $0x800;
	s12 =	sshrl.u32 s12, $0x9;
	s10 =	smul.u32 @!p2 $0xAB, s10  }
0x7f: {  	[sflag:s22] =	ssyncset.done @!p4 $0x0;
	s12 =	sand.u32 $0x7F, s12;
	s26 =	simm.s32 @!p2 $0x0  }
0x80: {  	[sflag:s22] =	ssyncadd.s32 @!p4 $0xFFFFF800;
	s12 =	smul.u32 $0x3, s12;
	s10 =	sshrl.u32 @!p2 s10, $0x9  }
0x81: {  	s0 =	ssub.s32 $0x0, s0;
	_ =	swait.ge @!p4 [sflag:s22], $0x800;
	s10 =	sand.u32 @!p2 $0x7F, s10  }
0x82: {  	s0 =	sand.u32 $0xFF, s0;
	s12 =	ssub.s32 $0x0, s12;
	s10 =	smul.u32 @!p2 $0x3, s10  }
0x83: {  	s23 =	rddreg [dreg:$0x5];
	[sflag:s22] =	ssyncset.done @!p4 $0x0;
	s12 =	sand.u32 $0xFF, s12  }
0x84: {  	s6 =	sshll.u32 s12, $0xB;
	s12 =	sadd.s32 @!p2 $0x800, s23;
	s10 =	ssub.s32 @!p2 $0x1, s10  }
0x85: {  	s7 =	sor.u32 s2, s6;
	s2 =	sshrl.u32 @!p2 s12, $0x3;
	s10 =	sand.u32 @!p2 $0xFF, s10  }
0x86: {  	[sflag:s22] =	ssyncadd.s32 @!p4 $0xFFFFF800;
	s5 =	sadd.s32 @!p2 s30, s2;
	s10 =	sshll.u32 @!p2 s10, $0xB  }
0x87: {  	[tilespmem:s10], [sflag:$0x1] =	stream.linear.gather @!p2 [hbm4b:s5+s26], $0x800, $0x38;
	[tilespmem:$0x1E800] =	vst v63  }
0x88: {  	s0 =	sshll.u32 s0, $0xB;
	s25 =	sadd.s32 @!p2 $0x1800, s10;
	s10 =	simm.s32 $0x0  }
0x89: {  	s23 =	simm.s32 @!p1 $0x6;
	s2 =	sadd.s32 @!p2 s31, s2;
	s22 =	smul.u32 $0xAB, s10  }
0x8a: {  	[tilespmem:s25], [sflag:$0x1] =	stream.linear.gather @!p2 [hbm4b:s2+s26], $0x800, $0x38;
	[tilespmem:$0x1E800] =	vst v63  }
0x8b: {  	s25 =	sand.u32 $0xE, s21;
	s26 =	sand.u32 $0x700, s19;
	p2 =	por p6, p3  }
0x8c: {  	s2 =	sand.u32 $0x780, s18;
	_ =	swait.ge [sflag:s14], $0x2000;
	s5 =	sshrl.u32 s22, $0x9  }
0x8d: {  	[sflag:s14] =	ssyncset.done $0x0;
	s11 =	sand.u32 $0x7F, s5;
	s5 =	sor.u32 s26, s0  }
0x8e: {  	s26 =	simm.s32 $0x1;
	s0 =	sadd.s32 $0x1880, s7;
	[sflag:s14] =	ssyncadd.s32 $0xFFFFE000  }
.LBB2_6:
0x8f: {  	s18 =	simm.s32 @!p2 $0x6;
	s22 =	smul.u32 $0x3, s11;
	s11 =	smov.u32 s21  }
0x90: {  	s21 =	smov.u32 s24;
	s24 =	sadd.s32 $0x2, s24;
	s12 =	smov.u32 s17  }
0x91: {  	[tilespmem:s9], [sflag:$0x2] =	stream.indirect.gather [spmem:s20], $0x40, s5, s8, $0xb8;
	[tilespmem:$0x1E800] =	vst v63  }
0x92: {  	p5 =	sne.s32 s25, $0xE;
	s7 =	smov.u32 s30;
	s1 =	simm.s32 @p0 $0x7000  }
0x93: {  	s5 =	sadd.s32 $0x1800, s5;
	_ =	swait.ge [sflag:s15], $0x2000;
	s17 =	sshrl.u32 s24, $0x4  }
0x94: {  	p4 =	sgt.u32 @!p5 s26, $0x3F;
	s10 =	ssub.s32 s10, s22;
	[sflag:s15] =	ssyncset.done $0x0  }
0x95: {  	p4 =	por p4, p5;
	s30 =	smul.u32 $0xAB, s17;
	[sflag:s15] =	ssyncadd.s32 $0xFFFFE000  }
0x96: {  	[spmem:s3] =	stream.indirect.scatter.add.f32 [tilespmem:s28], [sflag:$0x5], $0x40, s0, s8, $0xb8;
	[tilespmem:$0x1E800] =	vst v63  }
0x97: {  	s10 =	sand.u32 $0xFF, s10;
	s22 =	sadd.s32 @!p4 $0x2, s11;
	_ =	swait.ge @!p2 [sflag:s18], $0x800  }
0x98: {  	s19 =	sshrl.u32 @!p4 s22, $0x4;
	s22 =	simm.s32 @p0 $0x80;
	[sflag:s18] =	ssyncset.done @!p2 $0x0  }
0x99: {  	s30 =	sshrl.u32 s30, $0x9;
	s10 =	sshll.u32 s10, $0xB;
	[sflag:s18] =	ssyncadd.s32 @!p2 $0xFFFFF800  }
0x9a: {  	[spmem:s4] =	stream.indirect.scatter.add.f32 @p0 [tilespmem:s1], [sflag:$0x6], $0x10, s0, s22, $0xb8;
	[tilespmem:$0x1E800] =	vst v63  }
0x9b: {  	s2 =	sor.u32 s2, s10;
	s6 =	sand.u32 $0x7F, s30;
	_ =	swait.ge [sflag:s16], $0x2000  }
0x9c: {  	s10 =	smul.u32 $0x3, s6;
	s0 =	sadd.s32 @!p4 $0x1, s19;
	[sflag:s16] =	ssyncset.done $0x0  }
0x9d: {  	s25 =	sshll.u32 s25, $0x7;
	s18 =	smul.u32 @!p4 $0xAB, s0;
	[sflag:s16] =	ssyncadd.s32 $0xFFFFE000  }
0x9e: {  	[tilespmem:s28], [sflag:$0x3] =	stream.indirect.gather [spmem:s20], $0x40, s2, s8, $0xb8;
	[tilespmem:$0x1E800] =	vst v63  }
0x9f: {  	p6 =	sne.s32 s24, $0x9E;
	s30 =	simm.s32 @!p5 $0x1;
	s2 =	ssub.s32 s17, s10  }
0xa0: {  	s10 =	sshrl.u32 @!p4 s18, $0x9;
	s18 =	sshrl.u32 s26, $0x3;
	_ =	swait.ge [sflag:s13], $0x2000  }
0xa1: {  	s10 =	sand.u32 @!p4 $0x7F, s10;
	s17 =	smul.u32 $0xAB, s18;
	[sflag:s13] =	ssyncset.done $0x0  }
0xa2: {  	s6 =	simm.s32 @!p1 $0x7000;
	s10 =	smul.u32 @!p4 $0x3, s10;
	[sflag:s13] =	ssyncadd.s32 $0xFFFFE000  }
0xa3: {  	[spmem:s3] =	stream.indirect.scatter.add.f32 [tilespmem:s9], [sflag:$0x4], $0x40, s5, s8, $0xb8;
	[tilespmem:$0x1E800] =	vst v63  }
0xa4: {  	s1 =	simm.s32 @!p1 $0x80;
	s19 =	sshll.u32 @!p4 s0, $0xB;
	s0 =	ssub.s32 @!p4 s0, s10  }
0xa5: {  	s10 =	sshrl.u32 s17, $0x9;
	s17 =	sand.u32 $0xFF, s2;
	_ =	swait.ge @!p1 [sflag:s23], $0x800  }
0xa6: {  	s0 =	sand.u32 @!p4 $0xFF, s0;
	s10 =	sand.u32 $0x7F, s10;
	[sflag:s23] =	ssyncset.done @!p1 $0x0  }
0xa7: {  	s0 =	sshll.u32 @!p4 s0, $0xB;
	s2 =	smul.u32 $0x3, s10;
	[sflag:s23] =	ssyncadd.s32 @!p1 $0xFFFFF800  }
0xa8: {  	[spmem:s4] =	stream.indirect.scatter.add.f32 @!p1 [tilespmem:s6], [sflag:$0x6], $0x10, s5, s1, $0xb8;
	[tilespmem:$0x1E800] =	vst v63  }
0xa9: {  	s26 =	sadd.s32 $0x1, s26;
	s5 =	sadd.s32 @!p4 $0x1800, s0;
	_ =	swait.ge @!p5 [sflag:s30], $0x800  }
0xaa: {  	s6 =	simm.s32 @!p4 $0x0;
	s2 =	ssub.s32 s18, s2;
	[sflag:s30] =	ssyncset.done @!p5 $0x0  }
0xab: {  	s1 =	smov.u32 s29;
	s2 =	sand.u32 $0xFF, s2;
	[sflag:s30] =	ssyncadd.s32 @!p5 $0xFFFFF800  }
0xac: {  	s29 =	sadd.s32 $0x100, s29;
	s2 =	sshll.u32 s2, $0xB;
	_ =	swait.ge @!p5 [sflag:s30], $0x800  }
0xad: {  	s18 =	sor.u32 s25, s2;
	s10 =	rddreg [dreg:$0x5];
	[sflag:s30] =	ssyncset.done @!p5 $0x0  }
0xae: {  	s25 =	sadd.s32 $0x3, s11;
	s10 =	sadd.s32 @!p4 s10, s19;
	[sflag:s30] =	ssyncadd.s32 @!p5 $0xFFFFF800  }
0xaf: {  	s30 =	smov.u32 s7;
	p5 =	seq.s32 s11, $0x0;
	s2 =	sshrl.u32 @!p4 s10, $0x3  }
0xb0: {  	s10 =	sshrl.u32 s25, $0x4;
	s25 =	sand.u32 $0xE, s21;
	p2 =	por p5, p3  }
0xb1: {  	s19 =	sadd.s32 @!p4 s7, s2;
	s2 =	sadd.s32 @!p4 s31, s2;
	s7 =	smul.u32 $0xAB, s10  }
0xb2: {  	[tilespmem:s0], [sflag:$0x1] =	stream.linear.gather @!p4 [hbm4b:s19+s6], $0x800, $0x38;
	[tilespmem:$0x1E800] =	vst v63  }
.Ltmp2:
0xb3: {  	s0 =	sshll.u32 s12, $0xB;
	s19 =	sadd.s32 $0xFFFFFF80, s1;
	(pc) =	sbr.rel @p6 .LBB2_6-.Ltmp2, $4  }
0xb4: {  	[tilespmem:s5], [sflag:$0x1] =	stream.linear.gather @!p4 [hbm4b:s2+s6], $0x800, $0x38;
	[tilespmem:$0x1E800] =	vst v63  }
0xb5: {  	s12 =	sand.u32 $0x700, s19;
	s19 =	sshrl.u32 s7, $0x9;
	_ =	swait.ge [sflag:s14], $0x2000  }
0xb6: {  	s2 =	sand.u32 $0x780, s1;
	s11 =	sand.u32 $0x7F, s19;
	[sflag:s14] =	ssyncset.done $0x0  }
0xb7: {  	s5 =	sor.u32 s12, s0;
	s0 =	sadd.s32 $0x1880, s18;
	[sflag:s14] =	ssyncadd.s32 $0xFFFFE000  }
0xb8: {  	[tilespmem:s9], [sflag:$0x2] =	stream.indirect.gather [spmem:s20], $0x40, s5, s8, $0xb8;
	[tilespmem:$0x1E800] =	vst v63  }
0xb9: {  	_ =	swait.ge [sflag:s15], $0x2000  }
0xba: {  	[sflag:s15] =	ssyncset.done $0x0  }
0xbb: {  	s1 =	simm.s32 @!p2 $0x6;
	[sflag:s15] =	ssyncadd.s32 $0xFFFFE000  }
0xbc: {  	[spmem:s3] =	stream.indirect.scatter.add.f32 [tilespmem:s28], [sflag:$0x5], $0x40, s0, s8, $0xb8;
	[tilespmem:$0x1E800] =	vst v63  }
0xbd: {  	_ =	swait.ge @!p2 [sflag:s1], $0x800  }
0xbe: {  	[sflag:s1] =	ssyncset.done @!p2 $0x0  }
0xbf: {  	s24 =	smul.u32 $0x3, s11;
	s6 =	simm.s32 @p0 $0x7000;
	[sflag:s1] =	ssyncadd.s32 @!p2 $0xFFFFF800  }
0xc0: {  	[spmem:s4] =	stream.indirect.scatter.add.f32 @p0 [tilespmem:s6], [sflag:$0x6], $0x10, s0, s22, $0xb8;
	[tilespmem:$0x1E800] =	vst v63  }
0xc1: {  	s6 =	ssub.s32 s10, s24  }
0xc2: {  	s0 =	sand.u32 $0xFF, s6;
	_ =	swait.ge [sflag:s16], $0x2000  }
0xc3: {  	s0 =	sshll.u32 s0, $0xB;
	[sflag:s16] =	ssyncset.done $0x0  }
0xc4: {  	s0 =	sor.u32 s2, s0;
	[sflag:s16] =	ssyncadd.s32 $0xFFFFE000  }
0xc5: {  	[tilespmem:s28], [sflag:$0x3] =	stream.indirect.gather [spmem:s20], $0x40, s0, s8, $0xb8;
	[tilespmem:$0x1E800] =	vst v63  }
0xc6: {  	p4 =	sne.s32 s25, $0xE;
	_ =	swait.ge [sflag:s13], $0x2000  }
0xc7: {  	p2 =	sgt.u32 @!p4 s26, $0x3F;
	[sflag:s13] =	ssyncset.done $0x0  }
0xc8: {  	p2 =	por p2, p4;
	s0 =	sadd.s32 $0x1800, s5;
	[sflag:s13] =	ssyncadd.s32 $0xFFFFE000  }
0xc9: {  	[spmem:s3] =	stream.indirect.scatter.add.f32 [tilespmem:s9], [sflag:$0x4], $0x40, s0, s8, $0xb8;
	[tilespmem:$0x1E800] =	vst v63  }
0xca: {  	s1 =	sadd.s32 @!p2 $0x2, s21;
	_ =	swait.ge @!p1 [sflag:s23], $0x800  }
0xcb: {  	s12 =	simm.s32 @!p1 $0x7000;
	s1 =	sshrl.u32 @!p2 s1, $0x4;
	[sflag:s23] =	ssyncset.done @!p1 $0x0  }
0xcc: {  	s6 =	simm.s32 @!p1 $0x80;
	s1 =	sadd.s32 @!p2 $0x1, s1;
	[sflag:s23] =	ssyncadd.s32 @!p1 $0xFFFFF800  }
0xcd: {  	[spmem:s4] =	stream.indirect.scatter.add.f32 @!p1 [tilespmem:s12], [sflag:$0x6], $0x10, s0, s6, $0xb8;
	[tilespmem:$0x1E800] =	vst v63  }
0xce: {  	s7 =	sshrl.u32 s26, $0x3;
	s2 =	simm.s32 @!p4 $0x1;
	s0 =	smul.u32 @!p2 $0xAB, s1  }
0xcf: {  	p6 =	seq.s32 s21, $0x0;
	s18 =	smul.u32 $0xAB, s7;
	_ =	swait.ge @!p4 [sflag:s2], $0x800  }
0xd0: {  	s26 =	sadd.s32 $0x3, s21;
	[sflag:s2] =	ssyncset.done @!p4 $0x0;
	s0 =	sshrl.u32 @!p2 s0, $0x9  }
0xd1: {  	s24 =	sadd.s32 $0xFFFFFF80, s29;
	[sflag:s2] =	ssyncadd.s32 @!p4 $0xFFFFF800;
	s0 =	sand.u32 @!p2 $0x7F, s0  }
0xd2: {  	s10 =	sshll.u32 @!p2 s1, $0xB;
	_ =	swait.ge @!p4 [sflag:s2], $0x800;
	s0 =	smul.u32 @!p2 $0x3, s0  }
0xd3: {  	s23 =	sshll.u32 s25, $0x7;
	s25 =	sshll.u32 s17, $0xB;
	s5 =	rddreg [dreg:$0x5]  }
0xd4: {  	[sflag:s2] =	ssyncset.done @!p4 $0x0;
	s0 =	ssub.s32 @!p2 s1, s0;
	s5 =	sadd.s32 @!p2 s5, s10  }
0xd5: {  	s10 =	simm.s32 @!p2 $0x0;
	[sflag:s2] =	ssyncadd.s32 @!p4 $0xFFFFF800;
	s1 =	sshrl.u32 s18, $0x9  }
0xd6: {  	s0 =	sand.u32 @!p2 $0xFF, s0;
	s5 =	sshrl.u32 @!p2 s5, $0x3;
	s1 =	sand.u32 $0x7F, s1  }
0xd7: {  	s0 =	sshll.u32 @!p2 s0, $0xB;
	s2 =	sadd.s32 @!p2 s30, s5;
	s1 =	smul.u32 $0x3, s1  }
0xd8: {  	[tilespmem:s0], [sflag:$0x1] =	stream.linear.gather @!p2 [hbm4b:s2+s10], $0x800, $0x38;
	[tilespmem:$0x1E800] =	vst v63  }
0xd9: {  	s0 =	sadd.s32 @!p2 $0x1800, s0;
	s2 =	sadd.s32 @!p2 s31, s5;
	s19 =	ssub.s32 s7, s1  }
0xda: {  	[tilespmem:s0], [sflag:$0x1] =	stream.linear.gather @!p2 [hbm4b:s2+s10], $0x800, $0x38;
	[tilespmem:$0x1E800] =	vst v63  }
0xdb: {  	s1 =	sand.u32 $0x700, s24;
	s7 =	sshrl.u32 s26, $0x4;
	_ =	swait.ge [sflag:s14], $0x2000  }
0xdc: {  	s0 =	sand.u32 $0xFF, s19;
	s1 =	sor.u32 s1, s25;
	[sflag:s14] =	ssyncset.done $0x0  }
0xdd: {  	s5 =	smul.u32 $0xAB, s7;
	p2 =	por p6, p3;
	[sflag:s14] =	ssyncadd.s32 $0xFFFFE000  }
0xde: {  	[tilespmem:s9], [sflag:$0x2] =	stream.indirect.gather [spmem:s20], $0x40, s1, s8, $0xb8;
	[tilespmem:$0x1E800] =	vst v63  }
0xdf: {  	s0 =	sshll.u32 s0, $0xB;
	s10 =	simm.s32 @!p2 $0x6;
	_ =	swait.ge [sflag:s15], $0x2000  }
0xe0: {  	s0 =	sor.u32 s23, s0;
	s5 =	sshrl.u32 s5, $0x9;
	[sflag:s15] =	ssyncset.done $0x0  }
0xe1: {  	s0 =	sadd.s32 $0x1880, s0;
	s5 =	sand.u32 $0x7F, s5;
	[sflag:s15] =	ssyncadd.s32 $0xFFFFE000  }
0xe2: {  	[spmem:s3] =	stream.indirect.scatter.add.f32 [tilespmem:s28], [sflag:$0x5], $0x40, s0, s8, $0xb8;
	[tilespmem:$0x1E800] =	vst v63  }
0xe3: {  	s5 =	smul.u32 $0x3, s5;
	_ =	swait.ge @!p2 [sflag:s10], $0x800  }
0xe4: {  	[sflag:s10] =	ssyncset.done @!p2 $0x0  }
0xe5: {  	s11 =	ssub.s32 s7, s5;
	[sflag:s10] =	ssyncadd.s32 @!p2 $0xFFFFF800;
	s10 =	simm.s32 @p0 $0x7000  }
0xe6: {  	[spmem:s4] =	stream.indirect.scatter.add.f32 @p0 [tilespmem:s10], [sflag:$0x6], $0x10, s0, s22, $0xb8;
	[tilespmem:$0x1E800] =	vst v63  }
0xe7: {  	s0 =	sand.u32 $0xFF, s11;
	_ =	swait.ge [sflag:s16], $0x2000  }
0xe8: {  	s17 =	sand.u32 $0x780, s29;
	s0 =	sshll.u32 s0, $0xB;
	[sflag:s16] =	ssyncset.done $0x0  }
0xe9: {  	s0 =	sor.u32 s17, s0;
	[sflag:s16] =	ssyncadd.s32 $0xFFFFE000  }
0xea: {  	[tilespmem:s28], [sflag:$0x3] =	stream.indirect.gather [spmem:s20], $0x40, s0, s8, $0xb8;
	[tilespmem:$0x1E800] =	vst v63  }
0xeb: {  	_ =	swait.ge [sflag:s13], $0x2000  }
0xec: {  	[sflag:s13] =	ssyncset.done $0x0  }
0xed: {  	s1 =	sadd.s32 $0x1800, s1;
	s0 =	simm.s32 @!p1 $0x6;
	[sflag:s13] =	ssyncadd.s32 $0xFFFFE000  }
0xee: {  	[spmem:s3] =	stream.indirect.scatter.add.f32 [tilespmem:s9], [sflag:$0x4], $0x40, s1, s8, $0xb8;
	[tilespmem:$0x1E800] =	vst v63  }
0xef: {  	_ =	swait.ge @!p1 [sflag:s0], $0x800  }
0xf0: {  	[sflag:s0] =	ssyncset.done @!p1 $0x0  }
0xf1: {  	[sflag:s0] =	ssyncadd.s32 @!p1 $0xFFFFF800  }
0xf2: {  	[spmem:s4] =	stream.indirect.scatter.add.f32 @!p1 [tilespmem:s12], [sflag:$0x6], $0x10, s1, s6, $0xb8;
	[tilespmem:$0x1E800] =	vst v63  }
0xf3: {  	_ =	swait.ge [sflag:s14], $0x2000  }
0xf4: {  	[sflag:s14] =	ssyncset.done $0x0  }
0xf5: {  	[sflag:s14] =	ssyncadd.s32 $0xFFFFE000  }
0xf6: {  	_ =	swait.ge [sflag:s15], $0x2000  }
0xf7: {  	[sflag:s15] =	ssyncset.done $0x0;
	s19 =	sld [smem:$0x7FD]  }
0xf8: {  	s18 =	simm.s32 $0x1F80;
	[sflag:s15] =	ssyncadd.s32 $0xFFFFE000  }
0xf9: {  	[spmem:s3] =	stream.indirect.scatter.add.f32 [tilespmem:s28], [sflag:$0x5], $0x40, s18, s8, $0xb8;
	[tilespmem:$0x1E800] =	vst v63  }
0xfa: {  	p2 =	seq.s32 s19, $0x1  }
0xfb: {  	s0 =	simm.s32 @!p2 $0x6  }
0xfc: {  	_ =	swait.ge @!p2 [sflag:s0], $0x800  }
0xfd: {  	s1 =	simm.s32 @!p2 $0x1F80;
	[sflag:s0] =	ssyncset.done @!p2 $0x0  }
0xfe: {  	s2 =	simm.s32 @!p2 $0x7000;
	[sflag:s0] =	ssyncadd.s32 @!p2 $0xFFFFF800;
	s0 =	simm.s32 @!p2 $0x80  }
0xff: {  	[spmem:s4] =	stream.indirect.scatter.add.f32 @!p2 [tilespmem:s2], [sflag:$0x6], $0x10, s1, s0, $0xb8;
	[tilespmem:$0x1E800] =	vst v63  }
0x100: {  	_ =	swait.ge [sflag:s16], $0x2000  }
0x101: {  	[sflag:s16] =	ssyncset.done $0x0  }
0x102: {  	s21 =	simm.s32 $0x6;
	[sflag:s16] =	ssyncadd.s32 $0xFFFFE000  }
0x103: {  	_ =	swait.ge [sflag:s21], $0x800  }
0x104: {  	[sflag:s21] =	ssyncset.done $0x0  }
0x105: {  	[sflag:s21] =	ssyncadd.s32 $0xFFFFF800  }
0x106: {  	[bflag:$0x0] =	sbarrier.arrive $0xFFFF  }
0x107: {  	s18 =	rddreg [dreg:$0x9]  }
0x108: {  	s6 =	rddreg [dreg:$0x8]  }
0x109: {  	s12 =	simm.s32 $0x7;
	s23 =	rddreg [dreg:$0x16];
	s22 =	sshrl.u32 s18, $0x3  }
0x10a: {  	[hbm:s23], [sflag:s6] =	dma.local [spmem:s22], $0x1400  }
0x10b: {  	_ =	swait.ge [sflag:s12], $0x1400  }
0x10c: {  	[sflag:s12] =	ssyncset.done $0x0;
	s19 =	rddreg [dreg:$0xa]  }
0x10d: {  	s25 =	rddreg [dreg:$0x17];
	[sflag:s12] =	ssyncadd.s32 $0xFFFFEC00;
	s24 =	sshrl.u32 s19, $0x3  }
0x10e: {  	[hbm:s25], [sflag:s6] =	dma.local [spmem:s24], $0x500  }
0x10f: {  	_ =	swait.ge [sflag:s12], $0x500  }
0x110: {  	s26 =	rddreg [dreg:$0x1a]  }
0x111: {  	s29 =	rddreg [dreg:$0x18];
	s1 =	sadd.s32 $0x1, s26  }
0x112: {  	p2 =	sne.s32 s1, s29  }
.Ltmp3:
0x113: {  	_ = 	snop;
	(pc) =	sbr.rel @p2 .LBB2_1-.Ltmp3, $3  }
0x114: {  	_ =	sdelay $0x1  }
0x115: {  	s11 =	simm.s32 $0x1800;
	s17 =	simm.s32 $0x0;
	[sflag:s12] =	ssyncset.done $0x0  }
0x116: {  	s9 =	simm.s32 $0x3000;
	s21 =	simm.s32 $0x5000;
	[sflag:s12] =	ssyncadd.s32 $0xFFFFFB00  }
0x117: {  	_ =	sfence.sel $0x180000  }
0x118: {  	[bflag:$0x0] =	sbarrier.arrive $0xFFFF  }
0x119: {  	_ =	strace $0x90000047  }
0x11a: {  	s0 =	stileid.u32;
	[bflag:$0x2] =	sbarrier.arrive $0xFFFF  }
0x11b: {  	p0 =	sne.s32 s0, $0x0;
	s0 =	rddreg [dreg:$0x4]  }
0x11c: {  	s0 =	sadd.s32 @!p0 $0x100000, s0  }
0x11d: {  	[sflag:s0] =	ssyncadd.tile.s32 @!p0 $0x1;
	_ =	shalt  }
.Lfunc_end2:
_tile_overlayer_lowered:
.L_overlay_start_2:
0x11e: {  	(tag) =	ssettag $0x2  }
0x11f: {  	s0 =	rddreg [dreg:$0x0];
	s2 =	stileid.u32  }
0x120: {  	s1 =	rddreg [dreg:$0x1];
	p0 =	sne.s32 s2, $0x0  }
0x121: {  	s3 =	rddreg [dreg:$0x2];
	[bflag:$0x3] =	sbarrier.arrive $0xFFFF;
	s2 =	simm.s32 @!p0 $0x1C07  }
0x122: {  	[timem:s3], [sflag:s2] =	dma.local @!p0 [hbm:s0], s1  }
0x123: {  	s0 =	simm.s32 @!p0 $0x7  }
0x124: {  	_ =	swait.ge @!p0 [sflag:s0], s1  }
0x125: {  	s1 =	ssub.s32 @!p0 $0x0, s1;
	[sflag:s0] =	ssyncset.done @!p0 $0x0  }
0x126: {  	[sflag:s0] =	ssyncadd.s32 @!p0 s1  }
0x127: {  	[bflag:$0x3] =	sbarrier.arrive $0xFFFF  }
0x128: {  	_ =	shalt  }

</sc_bundles>
